<compile_context>
chip_gen: v7x
topology: tpu7x:2x2x1
jax: 0.10.2.dev20260603
libtpu: 0.0.44.dev20260713+nightly
codegen_flags: <defaults>
</compile_context>

<pallas_src>
import functools

import jax
import jax.numpy as jnp
from jax import lax
from jax.experimental import pallas as pl
from jax.experimental.pallas import tpu as pltpu
from jax.experimental.pallas import tpu_sc as plsc

V = 1000000
D = 16
B = 16384
L = 200

NC = 2
NS = 16
LANES = 16
NW = NC * NS
ROWS_PER_W = B // NW
CHUNK_ROWS = 64
N_CHUNKS = ROWS_PER_W // CHUNK_ROWS
CHUNK_IDX = CHUNK_ROWS * L
PAIR_W = 2 * L
N_PAIRS = CHUNK_ROWS // 2

VP = 1048576
TC_K = 128 * D
TC_ROWS = VP // 128
TC_BLK = 512


def _table_dot_body(m_ref, emb_ref, out_ref):
    out_ref[...] = jnp.dot(emb_ref[...], m_ref[...],
                           preferred_element_type=jnp.float32)


def _fold_table(emb_table, W):
    m = jnp.kron(jnp.eye(128, dtype=jnp.float32), W)
    flat = jnp.pad(emb_table.reshape(V * D), (0, (VP - V) * D))
    grid = TC_ROWS // TC_BLK
    out = pl.pallas_call(
        _table_dot_body,
        grid=(grid,),
        in_specs=[
            pl.BlockSpec((TC_K, 128), lambda i: (0, 0)),
            pl.BlockSpec((TC_BLK, TC_K), lambda i: (i, 0)),
        ],
        out_specs=pl.BlockSpec((TC_BLK, 128), lambda i: (i, 0)),
        out_shape=jax.ShapeDtypeStruct((TC_ROWS, 128), jnp.float32),
    )(m, flat.reshape(TC_ROWS, TC_K))
    return out.reshape(VP)


def _sc_body(t_hbm, xf_hbm, out_hbm,
             idx_a, idx_b, vals_a, vals_b, outs_v, t_sh, sem_a, sem_b):
    wid = lax.axis_index("s") * NC + lax.axis_index("c")
    row0 = wid * ROWS_PER_W
    lane = lax.iota(jnp.int32, LANES)
    lo = lane < 8

    sid = lax.axis_index("s")
    shard = VP // NS
    pltpu.sync_copy(t_hbm.at[pl.ds(sid * shard, shard)],
                    t_sh.at[pl.ds(sid * shard, shard)])
    plsc.subcore_barrier()

    def fetch(c, idx_v, vals_v, sem):
        idx0 = (row0 + c * CHUNK_ROWS) * L
        pltpu.sync_copy(xf_hbm.at[pl.ds(idx0, CHUNK_IDX)], idx_v)
        return pltpu.async_copy(t_sh.at[idx_v], vals_v, sem)

    def compute(c, vals_v):
        def pair_body(p, _):
            base = p * PAIR_W
            vs = [vals_v[pl.ds(base + k * LANES, LANES)] for k in range(25)]
            acc_e = vs[0]
            for k in range(1, 12):
                acc_e = acc_e + vs[k]
            acc_o = vs[13]
            for k in range(14, 25):
                acc_o = acc_o + vs[k]
            zero = jnp.zeros((LANES,), jnp.float32)
            acc_e = acc_e + jnp.where(lo, vs[12], zero)
            acc_o = acc_o + jnp.where(lo, zero, vs[12])
            o0 = (c * CHUNK_ROWS + 2 * p) * D
            outs_v[pl.ds(o0, D)] = acc_e
            outs_v[pl.ds(o0 + D, D)] = acc_o
            return 0

        lax.fori_loop(0, N_PAIRS, pair_body, 0)

    bufs = [(idx_a, vals_a, sem_a), (idx_b, vals_b, sem_b)]
    desc = fetch(0, *bufs[0])
    for c in range(N_CHUNKS):
        if c + 1 < N_CHUNKS:
            nxt = fetch(c + 1, *bufs[(c + 1) % 2])
        desc.wait()
        compute(c, bufs[c % 2][1])
        if c + 1 < N_CHUNKS:
            desc = nxt

    pltpu.sync_copy(outs_v, out_hbm.at[pl.ds(row0 * D, ROWS_PER_W * D)])


def _sc_pool(t, xf):
    mesh = plsc.VectorSubcoreMesh(
        core_axis_name="c", subcore_axis_name="s",
        num_cores=NC, num_subcores=NS)
    run = functools.partial(
        pl.kernel,
        out_type=jax.ShapeDtypeStruct((B * D,), jnp.float32),
        mesh=mesh,
        scratch_types=[
            pltpu.VMEM((CHUNK_IDX,), jnp.int32),
            pltpu.VMEM((CHUNK_IDX,), jnp.int32),
            pltpu.VMEM((CHUNK_IDX,), jnp.float32),
            pltpu.VMEM((CHUNK_IDX,), jnp.float32),
            pltpu.VMEM((ROWS_PER_W * D,), jnp.float32),
            pltpu.VMEM_SHARED((VP,), jnp.float32),
            pltpu.SemaphoreType.DMA,
            pltpu.SemaphoreType.DMA,
        ],
    )(_sc_body)
    return run(t, xf)


FIN_COLS = 8
FIN_ROWS = B // FIN_COLS
FIN_K = FIN_COLS * D


def _finish_body(m_ref, b_ref, s_ref, out_ref):
    y = jnp.dot(s_ref[...], m_ref[...],
                preferred_element_type=jnp.float32) + b_ref[0]
    p = 1.0 / (1.0 + jnp.exp(-y))
    scaled = p * 10000.0
    out_ref[...] = ((scaled + 8388608.0) - 8388608.0) / 10000.0


def _finish(sums, b):
    m = jnp.kron(jnp.eye(FIN_COLS, dtype=jnp.float32),
                 jnp.full((D, 1), 1.0 / L, jnp.float32))
    out = pl.pallas_call(
        _finish_body,
        in_specs=[
            pl.BlockSpec((FIN_K, FIN_COLS), lambda: (0, 0)),
            pl.BlockSpec(memory_space=pltpu.SMEM),
            pl.BlockSpec((FIN_ROWS, FIN_K), lambda: (0, 0)),
        ],
        out_specs=pl.BlockSpec((FIN_ROWS, FIN_COLS), lambda: (0, 0)),
        out_shape=jax.ShapeDtypeStruct((FIN_ROWS, FIN_COLS), jnp.float32),
    )(m, b, sums.reshape(FIN_ROWS, FIN_K))
    return out.reshape(B, 1)


def kernel(x, emb_table, W, b):
    xf = x.reshape(B * L)
    t = _fold_table(emb_table, W)
    sums = _sc_pool(t, xf)
    return _finish(sums, b)

# --- scband reference (transcript-rebuilt; emitter-appended) ---
"""Pipeline reference for scband-solution-69483980914950 (READ-ONLY COPY).

The authoritative reference and input builder live on the scoring server;
editing this copy changes nothing except your own understanding.
"""

import jax, jax.numpy as jnp
import numpy as np

VOCAB = 1000000
EMBED_DIM = 16
BATCH = 16384
HIST = 200


def setup_inputs(seed: int = 0) -> dict:
    key = jax.random.key(seed)
    k1, k2, k3, k4 = jax.random.split(key, 4)
    x = jax.random.randint(k1, (BATCH, HIST), 0, VOCAB, dtype=jnp.int32)
    emb_table = jax.random.normal(k2, (VOCAB, EMBED_DIM), dtype=jnp.float32)
    # nn.Linear(16, 1): weight [1,16] stored transposed here as [16,1]
    bound = 1.0 / np.sqrt(EMBED_DIM)
    W = jax.random.uniform(k3, (EMBED_DIM, 1), dtype=jnp.float32, minval=-bound, maxval=bound)
    b = jax.random.uniform(k4, (1,), dtype=jnp.float32, minval=-bound, maxval=bound)
    return {"x": x, "emb_table": emb_table, "W": W, "b": b}


def reference(x, emb_table, W, b):
    # embedding lookup: [B, L] -> [B, L, D]
    e = jnp.take(emb_table, x, axis=0)
    # mean over sequence dim
    m = jnp.mean(e, axis=1)
    # linear [B, D] @ [D, 1] + [1]
    y = m @ W + b
    s = jax.nn.sigmoid(y)
    return jnp.round(s, 4)

if __name__ == "__main__":
    import jax
    _d = setup_inputs()
    print(jax.jit(kernel)(*tuple(_d.values())))

</pallas_src>

<mosaic_0001>
#map = affine_map<(d0, d1) -> (0)>
module attributes {stable_mosaic.version = 14 : i64} {
  func.func @_sc_body(%arg0: i32, %arg1: i32, %arg2: memref<1048576xf32, #tpu.memory_space<hbm>>, %arg3: memref<3276800xi32, #tpu.memory_space<hbm>>, %arg4: memref<262144xf32, #tpu.memory_space<hbm>>, %arg5: memref<12800xi32, #tpu.memory_space<vmem>>, %arg6: memref<12800xi32, #tpu.memory_space<vmem>>, %arg7: memref<12800xf32, #tpu.memory_space<vmem>>, %arg8: memref<12800xf32, #tpu.memory_space<vmem>>, %arg9: memref<8192xf32, #tpu.memory_space<vmem>>, %arg10: memref<1048576xf32, #tpu.memory_space<vmem_shared>>, %arg11: memref<!tpu.dma_semaphore, #tpu.memory_space<semaphore_mem>>, %arg12: memref<!tpu.dma_semaphore, #tpu.memory_space<semaphore_mem>>) attributes {dimension_semantics = [#tpu.dimension_semantics<core_parallel>, #tpu.dimension_semantics<subcore_parallel>], iteration_bounds = array<i64: 2, 16>, scalar_prefetch = 0 : i64, scratch_operands = 8 : i64, tpu.core_type = #tpu.core_type<sc_vector_subcore>, window_params = [{transform_indices = #map}, {transform_indices = #map}, {transform_indices = #map}]} {
    %mul3A = arith.constant 2 : i32
    %mul3A_0 = arith.muli %arg1, %mul3A : i32
    %add3A = arith.addi %mul3A_0, %arg0 : i32
    %mul3A_1 = arith.constant 512 : i32
    %mul3A_2 = arith.muli %add3A, %mul3A_1 : i32
    %iota3A = tpu.iota {dimensions = array<i32: 0>} : vector<16xi32>
    %lt3A = arith.constant 8 : i32
    %lt3A_3 = vector.broadcast %lt3A : i32 to vector<16xi32>
    %lt3A_4 = arith.cmpi slt, %iota3A, %lt3A_3 : vector<16xi32>
    %mul3A_5 = arith.constant 65536 : i32
    %mul3A_6 = arith.muli %arg1, %mul3A_5 : i32
    %mul3A_7 = arith.constant 65536 : i32
    %mul3A_8 = arith.muli %arg1, %mul3A_7 : i32
    "tpu.region"() ({
      %run_scoped3A = tpu.sem_alloc : memref<!tpu.dma_semaphore, #tpu.memory_space<semaphore_mem>>
      %dma_start3A_128 = tpu.memref_slice %arg10[%mul3A_8] : memref<1048576xf32, #tpu.memory_space<vmem_shared>> -> memref<65536xf32, #tpu.memory_space<vmem_shared>>
      %dma_start3A_129 = tpu.memref_slice %arg2[%mul3A_6] : memref<1048576xf32, #tpu.memory_space<hbm>> -> memref<65536xf32, #tpu.memory_space<hbm>>
      tpu.enqueue_dma source(%dma_start3A_129 : memref<65536xf32, #tpu.memory_space<hbm>>) target(%dma_start3A_128 : memref<65536xf32, #tpu.memory_space<vmem_shared>>) target_semaphore(%run_scoped3A : memref<!tpu.dma_semaphore, #tpu.memory_space<semaphore_mem>>)
      %dma_wait3A_130 = tpu.memref_slice %arg10[%mul3A_8] : memref<1048576xf32, #tpu.memory_space<vmem_shared>> -> memref<65536xf32, #tpu.memory_space<vmem_shared>>
      %dma_wait3A_131 = tpu.memref_slice %arg2[%mul3A_6] : memref<1048576xf32, #tpu.memory_space<hbm>> -> memref<65536xf32, #tpu.memory_space<hbm>>
      tpu.wait_dma2 semaphore(%run_scoped3A : memref<!tpu.dma_semaphore, #tpu.memory_space<semaphore_mem>>) src(%dma_wait3A_131 : memref<65536xf32, #tpu.memory_space<hbm>>) dst(%dma_wait3A_130 : memref<65536xf32, #tpu.memory_space<vmem_shared>>)
      tpu.yield
    }) : () -> ()
    %barrier3A = arith.constant 0 : index
    tpu.barrier barrier_id(%barrier3A)
    %add3A_9 = arith.constant 0 : i32
    %add3A_10 = arith.addi %mul3A_2, %add3A_9 : i32
    %mul3A_11 = arith.constant 200 : i32
    %mul3A_12 = arith.muli %add3A_10, %mul3A_11 : i32
    "tpu.region"() ({
      %run_scoped3A = tpu.sem_alloc : memref<!tpu.dma_semaphore, #tpu.memory_space<semaphore_mem>>
      %dma_start3A_128 = tpu.memref_slice %arg3[%mul3A_12] : memref<3276800xi32, #tpu.memory_space<hbm>> -> memref<12800xi32, #tpu.memory_space<hbm>>
      %dma_start3A_129 = tpu.memref_slice %arg3[%mul3A_12] : memref<3276800xi32, #tpu.memory_space<hbm>> -> memref<12800xi32, #tpu.memory_space<hbm>>
      tpu.enqueue_dma source(%dma_start3A_129 : memref<12800xi32, #tpu.memory_space<hbm>>) target(%arg5 : memref<12800xi32, #tpu.memory_space<vmem>>) target_semaphore(%run_scoped3A : memref<!tpu.dma_semaphore, #tpu.memory_space<semaphore_mem>>)
      %dma_wait3A_130 = tpu.memref_slice %arg3[%mul3A_12] : memref<3276800xi32, #tpu.memory_space<hbm>> -> memref<12800xi32, #tpu.memory_space<hbm>>
      %dma_wait3A_131 = tpu.memref_slice %arg3[%mul3A_12] : memref<3276800xi32, #tpu.memory_space<hbm>> -> memref<12800xi32, #tpu.memory_space<hbm>>
      tpu.wait_dma2 semaphore(%run_scoped3A : memref<!tpu.dma_semaphore, #tpu.memory_space<semaphore_mem>>) src(%dma_wait3A_131 : memref<12800xi32, #tpu.memory_space<hbm>>) dst(%arg5 : memref<12800xi32, #tpu.memory_space<vmem>>)
      tpu.yield
    }) : () -> ()
    %dma_start3A = arith.constant 0 : i32
    %dma_start3A_13 = tpu.memref_slice %arg10[%dma_start3A] : memref<1048576xf32, #tpu.memory_space<vmem_shared>> -> memref<1048576xf32, #tpu.memory_space<vmem_shared>>
    tpu.enqueue_indirect_dma source(%dma_start3A_13 : memref<1048576xf32, #tpu.memory_space<vmem_shared>>) target(%arg7 : memref<12800xf32, #tpu.memory_space<vmem>>) offsets(%arg5 : memref<12800xi32, #tpu.memory_space<vmem>>) semaphore(%arg11 : memref<!tpu.dma_semaphore, #tpu.memory_space<semaphore_mem>>)
    %add3A_14 = arith.constant 64 : i32
    %add3A_15 = arith.addi %mul3A_2, %add3A_14 : i32
    %mul3A_16 = arith.constant 200 : i32
    %mul3A_17 = arith.muli %add3A_15, %mul3A_16 : i32
    "tpu.region"() ({
      %run_scoped3A = tpu.sem_alloc : memref<!tpu.dma_semaphore, #tpu.memory_space<semaphore_mem>>
      %dma_start3A_128 = tpu.memref_slice %arg3[%mul3A_17] : memref<3276800xi32, #tpu.memory_space<hbm>> -> memref<12800xi32, #tpu.memory_space<hbm>>
      %dma_start3A_129 = tpu.memref_slice %arg3[%mul3A_17] : memref<3276800xi32, #tpu.memory_space<hbm>> -> memref<12800xi32, #tpu.memory_space<hbm>>
      tpu.enqueue_dma source(%dma_start3A_129 : memref<12800xi32, #tpu.memory_space<hbm>>) target(%arg6 : memref<12800xi32, #tpu.memory_space<vmem>>) target_semaphore(%run_scoped3A : memref<!tpu.dma_semaphore, #tpu.memory_space<semaphore_mem>>)
      %dma_wait3A_130 = tpu.memref_slice %arg3[%mul3A_17] : memref<3276800xi32, #tpu.memory_space<hbm>> -> memref<12800xi32, #tpu.memory_space<hbm>>
      %dma_wait3A_131 = tpu.memref_slice %arg3[%mul3A_17] : memref<3276800xi32, #tpu.memory_space<hbm>> -> memref<12800xi32, #tpu.memory_space<hbm>>
      tpu.wait_dma2 semaphore(%run_scoped3A : memref<!tpu.dma_semaphore, #tpu.memory_space<semaphore_mem>>) src(%dma_wait3A_131 : memref<12800xi32, #tpu.memory_space<hbm>>) dst(%arg6 : memref<12800xi32, #tpu.memory_space<vmem>>)
      tpu.yield
    }) : () -> ()
    %dma_start3A_18 = arith.constant 0 : i32
    %dma_start3A_19 = tpu.memref_slice %arg10[%dma_start3A_18] : memref<1048576xf32, #tpu.memory_space<vmem_shared>> -> memref<1048576xf32, #tpu.memory_space<vmem_shared>>
    tpu.enqueue_indirect_dma source(%dma_start3A_19 : memref<1048576xf32, #tpu.memory_space<vmem_shared>>) target(%arg8 : memref<12800xf32, #tpu.memory_space<vmem>>) offsets(%arg6 : memref<12800xi32, #tpu.memory_space<vmem>>) semaphore(%arg12 : memref<!tpu.dma_semaphore, #tpu.memory_space<semaphore_mem>>)
    %dma_wait3A = arith.constant 0 : i32
    %dma_wait3A_20 = tpu.memref_slice %arg10[%dma_wait3A] : memref<1048576xf32, #tpu.memory_space<vmem_shared>> -> memref<1048576xf32, #tpu.memory_space<vmem_shared>>
    tpu.wait_indirect_dma semaphore(%arg11 : memref<!tpu.dma_semaphore, #tpu.memory_space<semaphore_mem>>) src(%dma_wait3A_20 : memref<1048576xf32, #tpu.memory_space<vmem_shared>>) dst(%arg7 : memref<12800xf32, #tpu.memory_space<vmem>>)
    %scan3A = arith.constant 0 : i32
    %scan3A_21 = arith.constant 0 : i32
    %scan3A_22 = arith.constant 32 : i32
    %scan3A_23 = arith.addi %scan3A_21, %scan3A_22 : i32
    %scan3A_24 = arith.constant 1 : i32
    %scan3A_25 = scf.for %scan3A_128 = %scan3A_21 to %scan3A_23 step %scan3A_24 iter_args(%scan3A_129 = %scan3A) -> (i32)  : i32 {
      %mul3A_130 = arith.constant 400 : i32
      %mul3A_131 = arith.muli %scan3A_128, %mul3A_130 : i32
      %add3A_132 = arith.constant 0 : i32
      %add3A_133 = arith.addi %mul3A_131, %add3A_132 : i32
      %get3A = arith.index_cast %add3A_133 : i32 to index
      %get3A_134 = tpu.vector_load %arg7[%get3A] {strides = array<i32>} : memref<12800xf32, #tpu.memory_space<vmem>>, vector<16xf32>,
      %get3A_135 = vector.shape_cast %get3A_134 : vector<16xf32> to vector<16xf32>
      %add3A_136 = arith.constant 16 : i32
      %add3A_137 = arith.addi %mul3A_131, %add3A_136 : i32
      %get3A_138 = arith.index_cast %add3A_137 : i32 to index
      %get3A_139 = tpu.vector_load %arg7[%get3A_138] {strides = array<i32>} : memref<12800xf32, #tpu.memory_space<vmem>>, vector<16xf32>,
      %get3A_140 = vector.shape_cast %get3A_139 : vector<16xf32> to vector<16xf32>
      %add3A_141 = arith.constant 32 : i32
      %add3A_142 = arith.addi %mul3A_131, %add3A_141 : i32
      %get3A_143 = arith.index_cast %add3A_142 : i32 to index
      %get3A_144 = tpu.vector_load %arg7[%get3A_143] {strides = array<i32>} : memref<12800xf32, #tpu.memory_space<vmem>>, vector<16xf32>,
      %get3A_145 = vector.shape_cast %get3A_144 : vector<16xf32> to vector<16xf32>
      %add3A_146 = arith.constant 48 : i32
      %add3A_147 = arith.addi %mul3A_131, %add3A_146 : i32
      %get3A_148 = arith.index_cast %add3A_147 : i32 to index
      %get3A_149 = tpu.vector_load %arg7[%get3A_148] {strides = array<i32>} : memref<12800xf32, #tpu.memory_space<vmem>>, vector<16xf32>,
      %get3A_150 = vector.shape_cast %get3A_149 : vector<16xf32> to vector<16xf32>
      %add3A_151 = arith.constant 64 : i32
      %add3A_152 = arith.addi %mul3A_131, %add3A_151 : i32
      %get3A_153 = arith.index_cast %add3A_152 : i32 to index
      %get3A_154 = tpu.vector_load %arg7[%get3A_153] {strides = array<i32>} : memref<12800xf32, #tpu.memory_space<vmem>>, vector<16xf32>,
      %get3A_155 = vector.shape_cast %get3A_154 : vector<16xf32> to vector<16xf32>
      %add3A_156 = arith.constant 80 : i32
      %add3A_157 = arith.addi %mul3A_131, %add3A_156 : i32
      %get3A_158 = arith.index_cast %add3A_157 : i32 to index
      %get3A_159 = tpu.vector_load %arg7[%get3A_158] {strides = array<i32>} : memref<12800xf32, #tpu.memory_space<vmem>>, vector<16xf32>,
      %get3A_160 = vector.shape_cast %get3A_159 : vector<16xf32> to vector<16xf32>
      %add3A_161 = arith.constant 96 : i32
      %add3A_162 = arith.addi %mul3A_131, %add3A_161 : i32
      %get3A_163 = arith.index_cast %add3A_162 : i32 to index
      %get3A_164 = tpu.vector_load %arg7[%get3A_163] {strides = array<i32>} : memref<12800xf32, #tpu.memory_space<vmem>>, vector<16xf32>,
      %get3A_165 = vector.shape_cast %get3A_164 : vector<16xf32> to vector<16xf32>
      %add3A_166 = arith.constant 112 : i32
      %add3A_167 = arith.addi %mul3A_131, %add3A_166 : i32
      %get3A_168 = arith.index_cast %add3A_167 : i32 to index
      %get3A_169 = tpu.vector_load %arg7[%get3A_168] {strides = array<i32>} : memref<12800xf32, #tpu.memory_space<vmem>>, vector<16xf32>,
      %get3A_170 = vector.shape_cast %get3A_169 : vector<16xf32> to vector<16xf32>
      %add3A_171 = arith.constant 128 : i32
      %add3A_172 = arith.addi %mul3A_131, %add3A_171 : i32
      %get3A_173 = arith.index_cast %add3A_172 : i32 to index
      %get3A_174 = tpu.vector_load %arg7[%get3A_173] {strides = array<i32>} : memref<12800xf32, #tpu.memory_space<vmem>>, vector<16xf32>,
      %get3A_175 = vector.shape_cast %get3A_174 : vector<16xf32> to vector<16xf32>
      %add3A_176 = arith.constant 144 : i32
      %add3A_177 = arith.addi %mul3A_131, %add3A_176 : i32
      %get3A_178 = arith.index_cast %add3A_177 : i32 to index
      %get3A_179 = tpu.vector_load %arg7[%get3A_178] {strides = array<i32>} : memref<12800xf32, #tpu.memory_space<vmem>>, vector<16xf32>,
      %get3A_180 = vector.shape_cast %get3A_179 : vector<16xf32> to vector<16xf32>
      %add3A_181 = arith.constant 160 : i32
      %add3A_182 = arith.addi %mul3A_131, %add3A_181 : i32
      %get3A_183 = arith.index_cast %add3A_182 : i32 to index
      %get3A_184 = tpu.vector_load %arg7[%get3A_183] {strides = array<i32>} : memref<12800xf32, #tpu.memory_space<vmem>>, vector<16xf32>,
      %get3A_185 = vector.shape_cast %get3A_184 : vector<16xf32> to vector<16xf32>
      %add3A_186 = arith.constant 176 : i32
      %add3A_187 = arith.addi %mul3A_131, %add3A_186 : i32
      %get3A_188 = arith.index_cast %add3A_187 : i32 to index
      %get3A_189 = tpu.vector_load %arg7[%get3A_188] {strides = array<i32>} : memref<12800xf32, #tpu.memory_space<vmem>>, vector<16xf32>,
      %get3A_190 = vector.shape_cast %get3A_189 : vector<16xf32> to vector<16xf32>
      %add3A_191 = arith.constant 192 : i32
      %add3A_192 = arith.addi %mul3A_131, %add3A_191 : i32
      %get3A_193 = arith.index_cast %add3A_192 : i32 to index
      %get3A_194 = tpu.vector_load %arg7[%get3A_193] {strides = array<i32>} : memref<12800xf32, #tpu.memory_space<vmem>>, vector<16xf32>,
      %get3A_195 = vector.shape_cast %get3A_194 : vector<16xf32> to vector<16xf32>
      %add3A_196 = arith.constant 208 : i32
      %add3A_197 = arith.addi %mul3A_131, %add3A_196 : i32
      %get3A_198 = arith.index_cast %add3A_197 : i32 to index
      %get3A_199 = tpu.vector_load %arg7[%get3A_198] {strides = array<i32>} : memref<12800xf32, #tpu.memory_space<vmem>>, vector<16xf32>,
      %get3A_200 = vector.shape_cast %get3A_199 : vector<16xf32> to vector<16xf32>
      %add3A_201 = arith.constant 224 : i32
      %add3A_202 = arith.addi %mul3A_131, %add3A_201 : i32
      %get3A_203 = arith.index_cast %add3A_202 : i32 to index
      %get3A_204 = tpu.vector_load %arg7[%get3A_203] {strides = array<i32>} : memref<12800xf32, #tpu.memory_space<vmem>>, vector<16xf32>,
      %get3A_205 = vector.shape_cast %get3A_204 : vector<16xf32> to vector<16xf32>
      %add3A_206 = arith.constant 240 : i32
      %add3A_207 = arith.addi %mul3A_131, %add3A_206 : i32
      %get3A_208 = arith.index_cast %add3A_207 : i32 to index
      %get3A_209 = tpu.vector_load %arg7[%get3A_208] {strides = array<i32>} : memref<12800xf32, #tpu.memory_space<vmem>>, vector<16xf32>,
      %get3A_210 = vector.shape_cast %get3A_209 : vector<16xf32> to vector<16xf32>
      %add3A_211 = arith.constant 256 : i32
      %add3A_212 = arith.addi %mul3A_131, %add3A_211 : i32
      %get3A_213 = arith.index_cast %add3A_212 : i32 to index
      %get3A_214 = tpu.vector_load %arg7[%get3A_213] {strides = array<i32>} : memref<12800xf32, #tpu.memory_space<vmem>>, vector<16xf32>,
      %get3A_215 = vector.shape_cast %get3A_214 : vector<16xf32> to vector<16xf32>
      %add3A_216 = arith.constant 272 : i32
      %add3A_217 = arith.addi %mul3A_131, %add3A_216 : i32
      %get3A_218 = arith.index_cast %add3A_217 : i32 to index
      %get3A_219 = tpu.vector_load %arg7[%get3A_218] {strides = array<i32>} : memref<12800xf32, #tpu.memory_space<vmem>>, vector<16xf32>,
      %get3A_220 = vector.shape_cast %get3A_219 : vector<16xf32> to vector<16xf32>
      %add3A_221 = arith.constant 288 : i32
      %add3A_222 = arith.addi %mul3A_131, %add3A_221 : i32
      %get3A_223 = arith.index_cast %add3A_222 : i32 to index
      %get3A_224 = tpu.vector_load %arg7[%get3A_223] {strides = array<i32>} : memref<12800xf32, #tpu.memory_space<vmem>>, vector<16xf32>,
      %get3A_225 = vector.shape_cast %get3A_224 : vector<16xf32> to vector<16xf32>
      %add3A_226 = arith.constant 304 : i32
      %add3A_227 = arith.addi %mul3A_131, %add3A_226 : i32
      %get3A_228 = arith.index_cast %add3A_227 : i32 to index
      %get3A_229 = tpu.vector_load %arg7[%get3A_228] {strides = array<i32>} : memref<12800xf32, #tpu.memory_space<vmem>>, vector<16xf32>,
      %get3A_230 = vector.shape_cast %get3A_229 : vector<16xf32> to vector<16xf32>
      %add3A_231 = arith.constant 320 : i32
      %add3A_232 = arith.addi %mul3A_131, %add3A_231 : i32
      %get3A_233 = arith.index_cast %add3A_232 : i32 to index
      %get3A_234 = tpu.vector_load %arg7[%get3A_233] {strides = array<i32>} : memref<12800xf32, #tpu.memory_space<vmem>>, vector<16xf32>,
      %get3A_235 = vector.shape_cast %get3A_234 : vector<16xf32> to vector<16xf32>
      %add3A_236 = arith.constant 336 : i32
      %add3A_237 = arith.addi %mul3A_131, %add3A_236 : i32
      %get3A_238 = arith.index_cast %add3A_237 : i32 to index
      %get3A_239 = tpu.vector_load %arg7[%get3A_238] {strides = array<i32>} : memref<12800xf32, #tpu.memory_space<vmem>>, vector<16xf32>,
      %get3A_240 = vector.shape_cast %get3A_239 : vector<16xf32> to vector<16xf32>
      %add3A_241 = arith.constant 352 : i32
      %add3A_242 = arith.addi %mul3A_131, %add3A_241 : i32
      %get3A_243 = arith.index_cast %add3A_242 : i32 to index
      %get3A_244 = tpu.vector_load %arg7[%get3A_243] {strides = array<i32>} : memref<12800xf32, #tpu.memory_space<vmem>>, vector<16xf32>,
      %get3A_245 = vector.shape_cast %get3A_244 : vector<16xf32> to vector<16xf32>
      %add3A_246 = arith.constant 368 : i32
      %add3A_247 = arith.addi %mul3A_131, %add3A_246 : i32
      %get3A_248 = arith.index_cast %add3A_247 : i32 to index
      %get3A_249 = tpu.vector_load %arg7[%get3A_248] {strides = array<i32>} : memref<12800xf32, #tpu.memory_space<vmem>>, vector<16xf32>,
      %get3A_250 = vector.shape_cast %get3A_249 : vector<16xf32> to vector<16xf32>
      %add3A_251 = arith.constant 384 : i32
      %add3A_252 = arith.addi %mul3A_131, %add3A_251 : i32
      %get3A_253 = arith.index_cast %add3A_252 : i32 to index
      %get3A_254 = tpu.vector_load %arg7[%get3A_253] {strides = array<i32>} : memref<12800xf32, #tpu.memory_space<vmem>>, vector<16xf32>,
      %get3A_255 = vector.shape_cast %get3A_254 : vector<16xf32> to vector<16xf32>
      %add3A_256 = arith.addf %get3A_135, %get3A_140 : vector<16xf32>
      %add3A_257 = arith.addf %add3A_256, %get3A_145 : vector<16xf32>
      %add3A_258 = arith.addf %add3A_257, %get3A_150 : vector<16xf32>
      %add3A_259 = arith.addf %add3A_258, %get3A_155 : vector<16xf32>
      %add3A_260 = arith.addf %add3A_259, %get3A_160 : vector<16xf32>
      %add3A_261 = arith.addf %add3A_260, %get3A_165 : vector<16xf32>
      %add3A_262 = arith.addf %add3A_261, %get3A_170 : vector<16xf32>
      %add3A_263 = arith.addf %add3A_262, %get3A_175 : vector<16xf32>
      %add3A_264 = arith.addf %add3A_263, %get3A_180 : vector<16xf32>
      %add3A_265 = arith.addf %add3A_264, %get3A_185 : vector<16xf32>
      %add3A_266 = arith.addf %add3A_265, %get3A_190 : vector<16xf32>
      %add3A_267 = arith.addf %get3A_200, %get3A_205 : vector<16xf32>
      %add3A_268 = arith.addf %add3A_267, %get3A_210 : vector<16xf32>
      %add3A_269 = arith.addf %add3A_268, %get3A_215 : vector<16xf32>
      %add3A_270 = arith.addf %add3A_269, %get3A_220 : vector<16xf32>
      %add3A_271 = arith.addf %add3A_270, %get3A_225 : vector<16xf32>
      %add3A_272 = arith.addf %add3A_271, %get3A_230 : vector<16xf32>
      %add3A_273 = arith.addf %add3A_272, %get3A_235 : vector<16xf32>
      %add3A_274 = arith.addf %add3A_273, %get3A_240 : vector<16xf32>
      %add3A_275 = arith.addf %add3A_274, %get3A_245 : vector<16xf32>
      %add3A_276 = arith.addf %add3A_275, %get3A_250 : vector<16xf32>
      %add3A_277 = arith.addf %add3A_276, %get3A_255 : vector<16xf32>
      %broadcast_in_dim3A = arith.constant 0.000000e+00 : f32
      %broadcast_in_dim3A_278 = vector.broadcast %broadcast_in_dim3A : f32 to vector<16xf32>
      %select_n3A = arith.select %lt3A_4, %get3A_195, %broadcast_in_dim3A_278 : vector<16xi1>, vector<16xf32>
      %add3A_279 = arith.addf %add3A_266, %select_n3A : vector<16xf32>
      %select_n3A_280 = arith.select %lt3A_4, %broadcast_in_dim3A_278, %get3A_195 : vector<16xi1>, vector<16xf32>
      %add3A_281 = arith.addf %add3A_277, %select_n3A_280 : vector<16xf32>
      %mul3A_282 = arith.constant 2 : i32
      %mul3A_283 = arith.muli %mul3A_282, %scan3A_128 : i32
      %add3A_284 = arith.constant 0 : i32
      %add3A_285 = arith.addi %add3A_284, %mul3A_283 : i32
      %mul3A_286 = arith.constant 16 : i32
      %mul3A_287 = arith.muli %add3A_285, %mul3A_286 : i32
      %swap3A = arith.index_cast %mul3A_287 : i32 to index
      %swap3A_288 = tpu.vector_load %arg9[%swap3A] {strides = array<i32>} : memref<8192xf32, #tpu.memory_space<vmem>>, vector<16xf32>,
      %swap3A_289 = vector.shape_cast %swap3A_288 : vector<16xf32> to vector<16xf32>
      %swap3A_290 = vector.shape_cast %add3A_279 : vector<16xf32> to vector<16xf32>
      tpu.vector_store %arg9[%swap3A], %swap3A_290 {strides = array<i32>} : memref<8192xf32, #tpu.memory_space<vmem>>, vector<16xf32>,
      %add3A_291 = arith.constant 16 : i32
      %add3A_292 = arith.addi %mul3A_287, %add3A_291 : i32
      %swap3A_293 = arith.index_cast %add3A_292 : i32 to index
      %swap3A_294 = tpu.vector_load %arg9[%swap3A_293] {strides = array<i32>} : memref<8192xf32, #tpu.memory_space<vmem>>, vector<16xf32>,
      %swap3A_295 = vector.shape_cast %swap3A_294 : vector<16xf32> to vector<16xf32>
      %swap3A_296 = vector.shape_cast %add3A_281 : vector<16xf32> to vector<16xf32>
      tpu.vector_store %arg9[%swap3A_293], %swap3A_296 {strides = array<i32>} : memref<8192xf32, #tpu.memory_space<vmem>>, vector<16xf32>,
      %scan3A_297 = arith.constant 0 : i32
      scf.yield %scan3A_297 : i32
    }
    %scan3A_26 = arith.constant 32 : i32
    %add3A_27 = arith.constant 128 : i32
    %add3A_28 = arith.addi %mul3A_2, %add3A_27 : i32
    %mul3A_29 = arith.constant 200 : i32
    %mul3A_30 = arith.muli %add3A_28, %mul3A_29 : i32
    "tpu.region"() ({
      %run_scoped3A = tpu.sem_alloc : memref<!tpu.dma_semaphore, #tpu.memory_space<semaphore_mem>>
      %dma_start3A_128 = tpu.memref_slice %arg3[%mul3A_30] : memref<3276800xi32, #tpu.memory_space<hbm>> -> memref<12800xi32, #tpu.memory_space<hbm>>
      %dma_start3A_129 = tpu.memref_slice %arg3[%mul3A_30] : memref<3276800xi32, #tpu.memory_space<hbm>> -> memref<12800xi32, #tpu.memory_space<hbm>>
      tpu.enqueue_dma source(%dma_start3A_129 : memref<12800xi32, #tpu.memory_space<hbm>>) target(%arg5 : memref<12800xi32, #tpu.memory_space<vmem>>) target_semaphore(%run_scoped3A : memref<!tpu.dma_semaphore, #tpu.memory_space<semaphore_mem>>)
      %dma_wait3A_130 = tpu.memref_slice %arg3[%mul3A_30] : memref<3276800xi32, #tpu.memory_space<hbm>> -> memref<12800xi32, #tpu.memory_space<hbm>>
      %dma_wait3A_131 = tpu.memref_slice %arg3[%mul3A_30] : memref<3276800xi32, #tpu.memory_space<hbm>> -> memref<12800xi32, #tpu.memory_space<hbm>>
      tpu.wait_dma2 semaphore(%run_scoped3A : memref<!tpu.dma_semaphore, #tpu.memory_space<semaphore_mem>>) src(%dma_wait3A_131 : memref<12800xi32, #tpu.memory_space<hbm>>) dst(%arg5 : memref<12800xi32, #tpu.memory_space<vmem>>)
      tpu.yield
    }) : () -> ()
    %dma_start3A_31 = arith.constant 0 : i32
    %dma_start3A_32 = tpu.memref_slice %arg10[%dma_start3A_31] : memref<1048576xf32, #tpu.memory_space<vmem_shared>> -> memref<1048576xf32, #tpu.memory_space<vmem_shared>>
    tpu.enqueue_indirect_dma source(%dma_start3A_32 : memref<1048576xf32, #tpu.memory_space<vmem_shared>>) target(%arg7 : memref<12800xf32, #tpu.memory_space<vmem>>) offsets(%arg5 : memref<12800xi32, #tpu.memory_space<vmem>>) semaphore(%arg11 : memref<!tpu.dma_semaphore, #tpu.memory_space<semaphore_mem>>)
    %dma_wait3A_33 = arith.constant 0 : i32
    %dma_wait3A_34 = tpu.memref_slice %arg10[%dma_wait3A_33] : memref<1048576xf32, #tpu.memory_space<vmem_shared>> -> memref<1048576xf32, #tpu.memory_space<vmem_shared>>
    tpu.wait_indirect_dma semaphore(%arg12 : memref<!tpu.dma_semaphore, #tpu.memory_space<semaphore_mem>>) src(%dma_wait3A_34 : memref<1048576xf32, #tpu.memory_space<vmem_shared>>) dst(%arg8 : memref<12800xf32, #tpu.memory_space<vmem>>)
    %scan3A_35 = arith.constant 0 : i32
    %scan3A_36 = arith.constant 0 : i32
    %scan3A_37 = arith.constant 32 : i32
    %scan3A_38 = arith.addi %scan3A_36, %scan3A_37 : i32
    %scan3A_39 = arith.constant 1 : i32
    %scan3A_40 = scf.for %scan3A_128 = %scan3A_36 to %scan3A_38 step %scan3A_39 iter_args(%scan3A_129 = %scan3A_35) -> (i32)  : i32 {
      %mul3A_130 = arith.constant 400 : i32
      %mul3A_131 = arith.muli %scan3A_128, %mul3A_130 : i32
      %add3A_132 = arith.constant 0 : i32
      %add3A_133 = arith.addi %mul3A_131, %add3A_132 : i32
      %get3A = arith.index_cast %add3A_133 : i32 to index
      %get3A_134 = tpu.vector_load %arg8[%get3A] {strides = array<i32>} : memref<12800xf32, #tpu.memory_space<vmem>>, vector<16xf32>,
      %get3A_135 = vector.shape_cast %get3A_134 : vector<16xf32> to vector<16xf32>
      %add3A_136 = arith.constant 16 : i32
      %add3A_137 = arith.addi %mul3A_131, %add3A_136 : i32
      %get3A_138 = arith.index_cast %add3A_137 : i32 to index
      %get3A_139 = tpu.vector_load %arg8[%get3A_138] {strides = array<i32>} : memref<12800xf32, #tpu.memory_space<vmem>>, vector<16xf32>,
      %get3A_140 = vector.shape_cast %get3A_139 : vector<16xf32> to vector<16xf32>
      %add3A_141 = arith.constant 32 : i32
      %add3A_142 = arith.addi %mul3A_131, %add3A_141 : i32
      %get3A_143 = arith.index_cast %add3A_142 : i32 to index
      %get3A_144 = tpu.vector_load %arg8[%get3A_143] {strides = array<i32>} : memref<12800xf32, #tpu.memory_space<vmem>>, vector<16xf32>,
      %get3A_145 = vector.shape_cast %get3A_144 : vector<16xf32> to vector<16xf32>
      %add3A_146 = arith.constant 48 : i32
      %add3A_147 = arith.addi %mul3A_131, %add3A_146 : i32
      %get3A_148 = arith.index_cast %add3A_147 : i32 to index
      %get3A_149 = tpu.vector_load %arg8[%get3A_148] {strides = array<i32>} : memref<12800xf32, #tpu.memory_space<vmem>>, vector<16xf32>,
      %get3A_150 = vector.shape_cast %get3A_149 : vector<16xf32> to vector<16xf32>
      %add3A_151 = arith.constant 64 : i32
      %add3A_152 = arith.addi %mul3A_131, %add3A_151 : i32
      %get3A_153 = arith.index_cast %add3A_152 : i32 to index
      %get3A_154 = tpu.vector_load %arg8[%get3A_153] {strides = array<i32>} : memref<12800xf32, #tpu.memory_space<vmem>>, vector<16xf32>,
      %get3A_155 = vector.shape_cast %get3A_154 : vector<16xf32> to vector<16xf32>
      %add3A_156 = arith.constant 80 : i32
      %add3A_157 = arith.addi %mul3A_131, %add3A_156 : i32
      %get3A_158 = arith.index_cast %add3A_157 : i32 to index
      %get3A_159 = tpu.vector_load %arg8[%get3A_158] {strides = array<i32>} : memref<12800xf32, #tpu.memory_space<vmem>>, vector<16xf32>,
      %get3A_160 = vector.shape_cast %get3A_159 : vector<16xf32> to vector<16xf32>
      %add3A_161 = arith.constant 96 : i32
      %add3A_162 = arith.addi %mul3A_131, %add3A_161 : i32
      %get3A_163 = arith.index_cast %add3A_162 : i32 to index
      %get3A_164 = tpu.vector_load %arg8[%get3A_163] {strides = array<i32>} : memref<12800xf32, #tpu.memory_space<vmem>>, vector<16xf32>,
      %get3A_165 = vector.shape_cast %get3A_164 : vector<16xf32> to vector<16xf32>
      %add3A_166 = arith.constant 112 : i32
      %add3A_167 = arith.addi %mul3A_131, %add3A_166 : i32
      %get3A_168 = arith.index_cast %add3A_167 : i32 to index
      %get3A_169 = tpu.vector_load %arg8[%get3A_168] {strides = array<i32>} : memref<12800xf32, #tpu.memory_space<vmem>>, vector<16xf32>,
      %get3A_170 = vector.shape_cast %get3A_169 : vector<16xf32> to vector<16xf32>
      %add3A_171 = arith.constant 128 : i32
      %add3A_172 = arith.addi %mul3A_131, %add3A_171 : i32
      %get3A_173 = arith.index_cast %add3A_172 : i32 to index
      %get3A_174 = tpu.vector_load %arg8[%get3A_173] {strides = array<i32>} : memref<12800xf32, #tpu.memory_space<vmem>>, vector<16xf32>,
      %get3A_175 = vector.shape_cast %get3A_174 : vector<16xf32> to vector<16xf32>
      %add3A_176 = arith.constant 144 : i32
      %add3A_177 = arith.addi %mul3A_131, %add3A_176 : i32
      %get3A_178 = arith.index_cast %add3A_177 : i32 to index
      %get3A_179 = tpu.vector_load %arg8[%get3A_178] {strides = array<i32>} : memref<12800xf32, #tpu.memory_space<vmem>>, vector<16xf32>,
      %get3A_180 = vector.shape_cast %get3A_179 : vector<16xf32> to vector<16xf32>
      %add3A_181 = arith.constant 160 : i32
      %add3A_182 = arith.addi %mul3A_131, %add3A_181 : i32
      %get3A_183 = arith.index_cast %add3A_182 : i32 to index
      %get3A_184 = tpu.vector_load %arg8[%get3A_183] {strides = array<i32>} : memref<12800xf32, #tpu.memory_space<vmem>>, vector<16xf32>,
      %get3A_185 = vector.shape_cast %get3A_184 : vector<16xf32> to vector<16xf32>
      %add3A_186 = arith.constant 176 : i32
      %add3A_187 = arith.addi %mul3A_131, %add3A_186 : i32
      %get3A_188 = arith.index_cast %add3A_187 : i32 to index
      %get3A_189 = tpu.vector_load %arg8[%get3A_188] {strides = array<i32>} : memref<12800xf32, #tpu.memory_space<vmem>>, vector<16xf32>,
      %get3A_190 = vector.shape_cast %get3A_189 : vector<16xf32> to vector<16xf32>
      %add3A_191 = arith.constant 192 : i32
      %add3A_192 = arith.addi %mul3A_131, %add3A_191 : i32
      %get3A_193 = arith.index_cast %add3A_192 : i32 to index
      %get3A_194 = tpu.vector_load %arg8[%get3A_193] {strides = array<i32>} : memref<12800xf32, #tpu.memory_space<vmem>>, vector<16xf32>,
      %get3A_195 = vector.shape_cast %get3A_194 : vector<16xf32> to vector<16xf32>
      %add3A_196 = arith.constant 208 : i32
      %add3A_197 = arith.addi %mul3A_131, %add3A_196 : i32
      %get3A_198 = arith.index_cast %add3A_197 : i32 to index
      %get3A_199 = tpu.vector_load %arg8[%get3A_198] {strides = array<i32>} : memref<12800xf32, #tpu.memory_space<vmem>>, vector<16xf32>,
      %get3A_200 = vector.shape_cast %get3A_199 : vector<16xf32> to vector<16xf32>
      %add3A_201 = arith.constant 224 : i32
      %add3A_202 = arith.addi %mul3A_131, %add3A_201 : i32
      %get3A_203 = arith.index_cast %add3A_202 : i32 to index
      %get3A_204 = tpu.vector_load %arg8[%get3A_203] {strides = array<i32>} : memref<12800xf32, #tpu.memory_space<vmem>>, vector<16xf32>,
      %get3A_205 = vector.shape_cast %get3A_204 : vector<16xf32> to vector<16xf32>
      %add3A_206 = arith.constant 240 : i32
      %add3A_207 = arith.addi %mul3A_131, %add3A_206 : i32
      %get3A_208 = arith.index_cast %add3A_207 : i32 to index
      %get3A_209 = tpu.vector_load %arg8[%get3A_208] {strides = array<i32>} : memref<12800xf32, #tpu.memory_space<vmem>>, vector<16xf32>,
      %get3A_210 = vector.shape_cast %get3A_209 : vector<16xf32> to vector<16xf32>
      %add3A_211 = arith.constant 256 : i32
      %add3A_212 = arith.addi %mul3A_131, %add3A_211 : i32
      %get3A_213 = arith.index_cast %add3A_212 : i32 to index
      %get3A_214 = tpu.vector_load %arg8[%get3A_213] {strides = array<i32>} : memref<12800xf32, #tpu.memory_space<vmem>>, vector<16xf32>,
      %get3A_215 = vector.shape_cast %get3A_214 : vector<16xf32> to vector<16xf32>
      %add3A_216 = arith.constant 272 : i32
      %add3A_217 = arith.addi %mul3A_131, %add3A_216 : i32
      %get3A_218 = arith.index_cast %add3A_217 : i32 to index
      %get3A_219 = tpu.vector_load %arg8[%get3A_218] {strides = array<i32>} : memref<12800xf32, #tpu.memory_space<vmem>>, vector<16xf32>,
      %get3A_220 = vector.shape_cast %get3A_219 : vector<16xf32> to vector<16xf32>
      %add3A_221 = arith.constant 288 : i32
      %add3A_222 = arith.addi %mul3A_131, %add3A_221 : i32
      %get3A_223 = arith.index_cast %add3A_222 : i32 to index
      %get3A_224 = tpu.vector_load %arg8[%get3A_223] {strides = array<i32>} : memref<12800xf32, #tpu.memory_space<vmem>>, vector<16xf32>,
      %get3A_225 = vector.shape_cast %get3A_224 : vector<16xf32> to vector<16xf32>
      %add3A_226 = arith.constant 304 : i32
      %add3A_227 = arith.addi %mul3A_131, %add3A_226 : i32
      %get3A_228 = arith.index_cast %add3A_227 : i32 to index
      %get3A_229 = tpu.vector_load %arg8[%get3A_228] {strides = array<i32>} : memref<12800xf32, #tpu.memory_space<vmem>>, vector<16xf32>,
      %get3A_230 = vector.shape_cast %get3A_229 : vector<16xf32> to vector<16xf32>
      %add3A_231 = arith.constant 320 : i32
      %add3A_232 = arith.addi %mul3A_131, %add3A_231 : i32
      %get3A_233 = arith.index_cast %add3A_232 : i32 to index
      %get3A_234 = tpu.vector_load %arg8[%get3A_233] {strides = array<i32>} : memref<12800xf32, #tpu.memory_space<vmem>>, vector<16xf32>,
      %get3A_235 = vector.shape_cast %get3A_234 : vector<16xf32> to vector<16xf32>
      %add3A_236 = arith.constant 336 : i32
      %add3A_237 = arith.addi %mul3A_131, %add3A_236 : i32
      %get3A_238 = arith.index_cast %add3A_237 : i32 to index
      %get3A_239 = tpu.vector_load %arg8[%get3A_238] {strides = array<i32>} : memref<12800xf32, #tpu.memory_space<vmem>>, vector<16xf32>,
      %get3A_240 = vector.shape_cast %get3A_239 : vector<16xf32> to vector<16xf32>
      %add3A_241 = arith.constant 352 : i32
      %add3A_242 = arith.addi %mul3A_131, %add3A_241 : i32
      %get3A_243 = arith.index_cast %add3A_242 : i32 to index
      %get3A_244 = tpu.vector_load %arg8[%get3A_243] {strides = array<i32>} : memref<12800xf32, #tpu.memory_space<vmem>>, vector<16xf32>,
      %get3A_245 = vector.shape_cast %get3A_244 : vector<16xf32> to vector<16xf32>
      %add3A_246 = arith.constant 368 : i32
      %add3A_247 = arith.addi %mul3A_131, %add3A_246 : i32
      %get3A_248 = arith.index_cast %add3A_247 : i32 to index
      %get3A_249 = tpu.vector_load %arg8[%get3A_248] {strides = array<i32>} : memref<12800xf32, #tpu.memory_space<vmem>>, vector<16xf32>,
      %get3A_250 = vector.shape_cast %get3A_249 : vector<16xf32> to vector<16xf32>
      %add3A_251 = arith.constant 384 : i32
      %add3A_252 = arith.addi %mul3A_131, %add3A_251 : i32
      %get3A_253 = arith.index_cast %add3A_252 : i32 to index
      %get3A_254 = tpu.vector_load %arg8[%get3A_253] {strides = array<i32>} : memref<12800xf32, #tpu.memory_space<vmem>>, vector<16xf32>,
      %get3A_255 = vector.shape_cast %get3A_254 : vector<16xf32> to vector<16xf32>
      %add3A_256 = arith.addf %get3A_135, %get3A_140 : vector<16xf32>
      %add3A_257 = arith.addf %add3A_256, %get3A_145 : vector<16xf32>
      %add3A_258 = arith.addf %add3A_257, %get3A_150 : vector<16xf32>
      %add3A_259 = arith.addf %add3A_258, %get3A_155 : vector<16xf32>
      %add3A_260 = arith.addf %add3A_259, %get3A_160 : vector<16xf32>
      %add3A_261 = arith.addf %add3A_260, %get3A_165 : vector<16xf32>
      %add3A_262 = arith.addf %add3A_261, %get3A_170 : vector<16xf32>
      %add3A_263 = arith.addf %add3A_262, %get3A_175 : vector<16xf32>
      %add3A_264 = arith.addf %add3A_263, %get3A_180 : vector<16xf32>
      %add3A_265 = arith.addf %add3A_264, %get3A_185 : vector<16xf32>
      %add3A_266 = arith.addf %add3A_265, %get3A_190 : vector<16xf32>
      %add3A_267 = arith.addf %get3A_200, %get3A_205 : vector<16xf32>
      %add3A_268 = arith.addf %add3A_267, %get3A_210 : vector<16xf32>
      %add3A_269 = arith.addf %add3A_268, %get3A_215 : vector<16xf32>
      %add3A_270 = arith.addf %add3A_269, %get3A_220 : vector<16xf32>
      %add3A_271 = arith.addf %add3A_270, %get3A_225 : vector<16xf32>
      %add3A_272 = arith.addf %add3A_271, %get3A_230 : vector<16xf32>
      %add3A_273 = arith.addf %add3A_272, %get3A_235 : vector<16xf32>
      %add3A_274 = arith.addf %add3A_273, %get3A_240 : vector<16xf32>
      %add3A_275 = arith.addf %add3A_274, %get3A_245 : vector<16xf32>
      %add3A_276 = arith.addf %add3A_275, %get3A_250 : vector<16xf32>
      %add3A_277 = arith.addf %add3A_276, %get3A_255 : vector<16xf32>
      %broadcast_in_dim3A = arith.constant 0.000000e+00 : f32
      %broadcast_in_dim3A_278 = vector.broadcast %broadcast_in_dim3A : f32 to vector<16xf32>
      %select_n3A = arith.select %lt3A_4, %get3A_195, %broadcast_in_dim3A_278 : vector<16xi1>, vector<16xf32>
      %add3A_279 = arith.addf %add3A_266, %select_n3A : vector<16xf32>
      %select_n3A_280 = arith.select %lt3A_4, %broadcast_in_dim3A_278, %get3A_195 : vector<16xi1>, vector<16xf32>
      %add3A_281 = arith.addf %add3A_277, %select_n3A_280 : vector<16xf32>
      %mul3A_282 = arith.constant 2 : i32
      %mul3A_283 = arith.muli %mul3A_282, %scan3A_128 : i32
      %add3A_284 = arith.constant 64 : i32
      %add3A_285 = arith.addi %add3A_284, %mul3A_283 : i32
      %mul3A_286 = arith.constant 16 : i32
      %mul3A_287 = arith.muli %add3A_285, %mul3A_286 : i32
      %swap3A = arith.index_cast %mul3A_287 : i32 to index
      %swap3A_288 = tpu.vector_load %arg9[%swap3A] {strides = array<i32>} : memref<8192xf32, #tpu.memory_space<vmem>>, vector<16xf32>,
      %swap3A_289 = vector.shape_cast %swap3A_288 : vector<16xf32> to vector<16xf32>
      %swap3A_290 = vector.shape_cast %add3A_279 : vector<16xf32> to vector<16xf32>
      tpu.vector_store %arg9[%swap3A], %swap3A_290 {strides = array<i32>} : memref<8192xf32, #tpu.memory_space<vmem>>, vector<16xf32>,
      %add3A_291 = arith.constant 16 : i32
      %add3A_292 = arith.addi %mul3A_287, %add3A_291 : i32
      %swap3A_293 = arith.index_cast %add3A_292 : i32 to index
      %swap3A_294 = tpu.vector_load %arg9[%swap3A_293] {strides = array<i32>} : memref<8192xf32, #tpu.memory_space<vmem>>, vector<16xf32>,
      %swap3A_295 = vector.shape_cast %swap3A_294 : vector<16xf32> to vector<16xf32>
      %swap3A_296 = vector.shape_cast %add3A_281 : vector<16xf32> to vector<16xf32>
      tpu.vector_store %arg9[%swap3A_293], %swap3A_296 {strides = array<i32>} : memref<8192xf32, #tpu.memory_space<vmem>>, vector<16xf32>,
      %scan3A_297 = arith.constant 0 : i32
      scf.yield %scan3A_297 : i32
    }
    %scan3A_41 = arith.constant 32 : i32
    %add3A_42 = arith.constant 192 : i32
    %add3A_43 = arith.addi %mul3A_2, %add3A_42 : i32
    %mul3A_44 = arith.constant 200 : i32
    %mul3A_45 = arith.muli %add3A_43, %mul3A_44 : i32
    "tpu.region"() ({
      %run_scoped3A = tpu.sem_alloc : memref<!tpu.dma_semaphore, #tpu.memory_space<semaphore_mem>>
      %dma_start3A_128 = tpu.memref_slice %arg3[%mul3A_45] : memref<3276800xi32, #tpu.memory_space<hbm>> -> memref<12800xi32, #tpu.memory_space<hbm>>
      %dma_start3A_129 = tpu.memref_slice %arg3[%mul3A_45] : memref<3276800xi32, #tpu.memory_space<hbm>> -> memref<12800xi32, #tpu.memory_space<hbm>>
      tpu.enqueue_dma source(%dma_start3A_129 : memref<12800xi32, #tpu.memory_space<hbm>>) target(%arg6 : memref<12800xi32, #tpu.memory_space<vmem>>) target_semaphore(%run_scoped3A : memref<!tpu.dma_semaphore, #tpu.memory_space<semaphore_mem>>)
      %dma_wait3A_130 = tpu.memref_slice %arg3[%mul3A_45] : memref<3276800xi32, #tpu.memory_space<hbm>> -> memref<12800xi32, #tpu.memory_space<hbm>>
      %dma_wait3A_131 = tpu.memref_slice %arg3[%mul3A_45] : memref<3276800xi32, #tpu.memory_space<hbm>> -> memref<12800xi32, #tpu.memory_space<hbm>>
      tpu.wait_dma2 semaphore(%run_scoped3A : memref<!tpu.dma_semaphore, #tpu.memory_space<semaphore_mem>>) src(%dma_wait3A_131 : memref<12800xi32, #tpu.memory_space<hbm>>) dst(%arg6 : memref<12800xi32, #tpu.memory_space<vmem>>)
      tpu.yield
    }) : () -> ()
    %dma_start3A_46 = arith.constant 0 : i32
    %dma_start3A_47 = tpu.memref_slice %arg10[%dma_start3A_46] : memref<1048576xf32, #tpu.memory_space<vmem_shared>> -> memref<1048576xf32, #tpu.memory_space<vmem_shared>>
    tpu.enqueue_indirect_dma source(%dma_start3A_47 : memref<1048576xf32, #tpu.memory_space<vmem_shared>>) target(%arg8 : memref<12800xf32, #tpu.memory_space<vmem>>) offsets(%arg6 : memref<12800xi32, #tpu.memory_space<vmem>>) semaphore(%arg12 : memref<!tpu.dma_semaphore, #tpu.memory_space<semaphore_mem>>)
    %dma_wait3A_48 = arith.constant 0 : i32
    %dma_wait3A_49 = tpu.memref_slice %arg10[%dma_wait3A_48] : memref<1048576xf32, #tpu.memory_space<vmem_shared>> -> memref<1048576xf32, #tpu.memory_space<vmem_shared>>
    tpu.wait_indirect_dma semaphore(%arg11 : memref<!tpu.dma_semaphore, #tpu.memory_space<semaphore_mem>>) src(%dma_wait3A_49 : memref<1048576xf32, #tpu.memory_space<vmem_shared>>) dst(%arg7 : memref<12800xf32, #tpu.memory_space<vmem>>)
    %scan3A_50 = arith.constant 0 : i32
    %scan3A_51 = arith.constant 0 : i32
    %scan3A_52 = arith.constant 32 : i32
    %scan3A_53 = arith.addi %scan3A_51, %scan3A_52 : i32
    %scan3A_54 = arith.constant 1 : i32
    %scan3A_55 = scf.for %scan3A_128 = %scan3A_51 to %scan3A_53 step %scan3A_54 iter_args(%scan3A_129 = %scan3A_50) -> (i32)  : i32 {
      %mul3A_130 = arith.constant 400 : i32
      %mul3A_131 = arith.muli %scan3A_128, %mul3A_130 : i32
      %add3A_132 = arith.constant 0 : i32
      %add3A_133 = arith.addi %mul3A_131, %add3A_132 : i32
      %get3A = arith.index_cast %add3A_133 : i32 to index
      %get3A_134 = tpu.vector_load %arg7[%get3A] {strides = array<i32>} : memref<12800xf32, #tpu.memory_space<vmem>>, vector<16xf32>,
      %get3A_135 = vector.shape_cast %get3A_134 : vector<16xf32> to vector<16xf32>
      %add3A_136 = arith.constant 16 : i32
      %add3A_137 = arith.addi %mul3A_131, %add3A_136 : i32
      %get3A_138 = arith.index_cast %add3A_137 : i32 to index
      %get3A_139 = tpu.vector_load %arg7[%get3A_138] {strides = array<i32>} : memref<12800xf32, #tpu.memory_space<vmem>>, vector<16xf32>,
      %get3A_140 = vector.shape_cast %get3A_139 : vector<16xf32> to vector<16xf32>
      %add3A_141 = arith.constant 32 : i32
      %add3A_142 = arith.addi %mul3A_131, %add3A_141 : i32
      %get3A_143 = arith.index_cast %add3A_142 : i32 to index
      %get3A_144 = tpu.vector_load %arg7[%get3A_143] {strides = array<i32>} : memref<12800xf32, #tpu.memory_space<vmem>>, vector<16xf32>,
      %get3A_145 = vector.shape_cast %get3A_144 : vector<16xf32> to vector<16xf32>
      %add3A_146 = arith.constant 48 : i32
      %add3A_147 = arith.addi %mul3A_131, %add3A_146 : i32
      %get3A_148 = arith.index_cast %add3A_147 : i32 to index
      %get3A_149 = tpu.vector_load %arg7[%get3A_148] {strides = array<i32>} : memref<12800xf32, #tpu.memory_space<vmem>>, vector<16xf32>,
      %get3A_150 = vector.shape_cast %get3A_149 : vector<16xf32> to vector<16xf32>
      %add3A_151 = arith.constant 64 : i32
      %add3A_152 = arith.addi %mul3A_131, %add3A_151 : i32
      %get3A_153 = arith.index_cast %add3A_152 : i32 to index
      %get3A_154 = tpu.vector_load %arg7[%get3A_153] {strides = array<i32>} : memref<12800xf32, #tpu.memory_space<vmem>>, vector<16xf32>,
      %get3A_155 = vector.shape_cast %get3A_154 : vector<16xf32> to vector<16xf32>
      %add3A_156 = arith.constant 80 : i32
      %add3A_157 = arith.addi %mul3A_131, %add3A_156 : i32
      %get3A_158 = arith.index_cast %add3A_157 : i32 to index
      %get3A_159 = tpu.vector_load %arg7[%get3A_158] {strides = array<i32>} : memref<12800xf32, #tpu.memory_space<vmem>>, vector<16xf32>,
      %get3A_160 = vector.shape_cast %get3A_159 : vector<16xf32> to vector<16xf32>
      %add3A_161 = arith.constant 96 : i32
      %add3A_162 = arith.addi %mul3A_131, %add3A_161 : i32
      %get3A_163 = arith.index_cast %add3A_162 : i32 to index
      %get3A_164 = tpu.vector_load %arg7[%get3A_163] {strides = array<i32>} : memref<12800xf32, #tpu.memory_space<vmem>>, vector<16xf32>,
      %get3A_165 = vector.shape_cast %get3A_164 : vector<16xf32> to vector<16xf32>
      %add3A_166 = arith.constant 112 : i32
      %add3A_167 = arith.addi %mul3A_131, %add3A_166 : i32
      %get3A_168 = arith.index_cast %add3A_167 : i32 to index
      %get3A_169 = tpu.vector_load %arg7[%get3A_168] {strides = array<i32>} : memref<12800xf32, #tpu.memory_space<vmem>>, vector<16xf32>,
      %get3A_170 = vector.shape_cast %get3A_169 : vector<16xf32> to vector<16xf32>
      %add3A_171 = arith.constant 128 : i32
      %add3A_172 = arith.addi %mul3A_131, %add3A_171 : i32
      %get3A_173 = arith.index_cast %add3A_172 : i32 to index
      %get3A_174 = tpu.vector_load %arg7[%get3A_173] {strides = array<i32>} : memref<12800xf32, #tpu.memory_space<vmem>>, vector<16xf32>,
      %get3A_175 = vector.shape_cast %get3A_174 : vector<16xf32> to vector<16xf32>
      %add3A_176 = arith.constant 144 : i32
      %add3A_177 = arith.addi %mul3A_131, %add3A_176 : i32
      %get3A_178 = arith.index_cast %add3A_177 : i32 to index
      %get3A_179 = tpu.vector_load %arg7[%get3A_178] {strides = array<i32>} : memref<12800xf32, #tpu.memory_space<vmem>>, vector<16xf32>,
      %get3A_180 = vector.shape_cast %get3A_179 : vector<16xf32> to vector<16xf32>
      %add3A_181 = arith.constant 160 : i32
      %add3A_182 = arith.addi %mul3A_131, %add3A_181 : i32
      %get3A_183 = arith.index_cast %add3A_182 : i32 to index
      %get3A_184 = tpu.vector_load %arg7[%get3A_183] {strides = array<i32>} : memref<12800xf32, #tpu.memory_space<vmem>>, vector<16xf32>,
      %get3A_185 = vector.shape_cast %get3A_184 : vector<16xf32> to vector<16xf32>
      %add3A_186 = arith.constant 176 : i32
      %add3A_187 = arith.addi %mul3A_131, %add3A_186 : i32
      %get3A_188 = arith.index_cast %add3A_187 : i32 to index
      %get3A_189 = tpu.vector_load %arg7[%get3A_188] {strides = array<i32>} : memref<12800xf32, #tpu.memory_space<vmem>>, vector<16xf32>,
      %get3A_190 = vector.shape_cast %get3A_189 : vector<16xf32> to vector<16xf32>
      %add3A_191 = arith.constant 192 : i32
      %add3A_192 = arith.addi %mul3A_131, %add3A_191 : i32
      %get3A_193 = arith.index_cast %add3A_192 : i32 to index
      %get3A_194 = tpu.vector_load %arg7[%get3A_193] {strides = array<i32>} : memref<12800xf32, #tpu.memory_space<vmem>>, vector<16xf32>,
      %get3A_195 = vector.shape_cast %get3A_194 : vector<16xf32> to vector<16xf32>
      %add3A_196 = arith.constant 208 : i32
      %add3A_197 = arith.addi %mul3A_131, %add3A_196 : i32
      %get3A_198 = arith.index_cast %add3A_197 : i32 to index
      %get3A_199 = tpu.vector_load %arg7[%get3A_198] {strides = array<i32>} : memref<12800xf32, #tpu.memory_space<vmem>>, vector<16xf32>,
      %get3A_200 = vector.shape_cast %get3A_199 : vector<16xf32> to vector<16xf32>
      %add3A_201 = arith.constant 224 : i32
      %add3A_202 = arith.addi %mul3A_131, %add3A_201 : i32
      %get3A_203 = arith.index_cast %add3A_202 : i32 to index
      %get3A_204 = tpu.vector_load %arg7[%get3A_203] {strides = array<i32>} : memref<12800xf32, #tpu.memory_space<vmem>>, vector<16xf32>,
      %get3A_205 = vector.shape_cast %get3A_204 : vector<16xf32> to vector<16xf32>
      %add3A_206 = arith.constant 240 : i32
      %add3A_207 = arith.addi %mul3A_131, %add3A_206 : i32
      %get3A_208 = arith.index_cast %add3A_207 : i32 to index
      %get3A_209 = tpu.vector_load %arg7[%get3A_208] {strides = array<i32>} : memref<12800xf32, #tpu.memory_space<vmem>>, vector<16xf32>,
      %get3A_210 = vector.shape_cast %get3A_209 : vector<16xf32> to vector<16xf32>
      %add3A_211 = arith.constant 256 : i32
      %add3A_212 = arith.addi %mul3A_131, %add3A_211 : i32
      %get3A_213 = arith.index_cast %add3A_212 : i32 to index
      %get3A_214 = tpu.vector_load %arg7[%get3A_213] {strides = array<i32>} : memref<12800xf32, #tpu.memory_space<vmem>>, vector<16xf32>,
      %get3A_215 = vector.shape_cast %get3A_214 : vector<16xf32> to vector<16xf32>
      %add3A_216 = arith.constant 272 : i32
      %add3A_217 = arith.addi %mul3A_131, %add3A_216 : i32
      %get3A_218 = arith.index_cast %add3A_217 : i32 to index
      %get3A_219 = tpu.vector_load %arg7[%get3A_218] {strides = array<i32>} : memref<12800xf32, #tpu.memory_space<vmem>>, vector<16xf32>,
      %get3A_220 = vector.shape_cast %get3A_219 : vector<16xf32> to vector<16xf32>
      %add3A_221 = arith.constant 288 : i32
      %add3A_222 = arith.addi %mul3A_131, %add3A_221 : i32
      %get3A_223 = arith.index_cast %add3A_222 : i32 to index
      %get3A_224 = tpu.vector_load %arg7[%get3A_223] {strides = array<i32>} : memref<12800xf32, #tpu.memory_space<vmem>>, vector<16xf32>,
      %get3A_225 = vector.shape_cast %get3A_224 : vector<16xf32> to vector<16xf32>
      %add3A_226 = arith.constant 304 : i32
      %add3A_227 = arith.addi %mul3A_131, %add3A_226 : i32
      %get3A_228 = arith.index_cast %add3A_227 : i32 to index
      %get3A_229 = tpu.vector_load %arg7[%get3A_228] {strides = array<i32>} : memref<12800xf32, #tpu.memory_space<vmem>>, vector<16xf32>,
      %get3A_230 = vector.shape_cast %get3A_229 : vector<16xf32> to vector<16xf32>
      %add3A_231 = arith.constant 320 : i32
      %add3A_232 = arith.addi %mul3A_131, %add3A_231 : i32
      %get3A_233 = arith.index_cast %add3A_232 : i32 to index
      %get3A_234 = tpu.vector_load %arg7[%get3A_233] {strides = array<i32>} : memref<12800xf32, #tpu.memory_space<vmem>>, vector<16xf32>,
      %get3A_235 = vector.shape_cast %get3A_234 : vector<16xf32> to vector<16xf32>
      %add3A_236 = arith.constant 336 : i32
      %add3A_237 = arith.addi %mul3A_131, %add3A_236 : i32
      %get3A_238 = arith.index_cast %add3A_237 : i32 to index
      %get3A_239 = tpu.vector_load %arg7[%get3A_238] {strides = array<i32>} : memref<12800xf32, #tpu.memory_space<vmem>>, vector<16xf32>,
      %get3A_240 = vector.shape_cast %get3A_239 : vector<16xf32> to vector<16xf32>
      %add3A_241 = arith.constant 352 : i32
      %add3A_242 = arith.addi %mul3A_131, %add3A_241 : i32
      %get3A_243 = arith.index_cast %add3A_242 : i32 to index
      %get3A_244 = tpu.vector_load %arg7[%get3A_243] {strides = array<i32>} : memref<12800xf32, #tpu.memory_space<vmem>>, vector<16xf32>,
      %get3A_245 = vector.shape_cast %get3A_244 : vector<16xf32> to vector<16xf32>
      %add3A_246 = arith.constant 368 : i32
      %add3A_247 = arith.addi %mul3A_131, %add3A_246 : i32
      %get3A_248 = arith.index_cast %add3A_247 : i32 to index
      %get3A_249 = tpu.vector_load %arg7[%get3A_248] {strides = array<i32>} : memref<12800xf32, #tpu.memory_space<vmem>>, vector<16xf32>,
      %get3A_250 = vector.shape_cast %get3A_249 : vector<16xf32> to vector<16xf32>
      %add3A_251 = arith.constant 384 : i32
      %add3A_252 = arith.addi %mul3A_131, %add3A_251 : i32
      %get3A_253 = arith.index_cast %add3A_252 : i32 to index
      %get3A_254 = tpu.vector_load %arg7[%get3A_253] {strides = array<i32>} : memref<12800xf32, #tpu.memory_space<vmem>>, vector<16xf32>,
      %get3A_255 = vector.shape_cast %get3A_254 : vector<16xf32> to vector<16xf32>
      %add3A_256 = arith.addf %get3A_135, %get3A_140 : vector<16xf32>
      %add3A_257 = arith.addf %add3A_256, %get3A_145 : vector<16xf32>
      %add3A_258 = arith.addf %add3A_257, %get3A_150 : vector<16xf32>
      %add3A_259 = arith.addf %add3A_258, %get3A_155 : vector<16xf32>
      %add3A_260 = arith.addf %add3A_259, %get3A_160 : vector<16xf32>
      %add3A_261 = arith.addf %add3A_260, %get3A_165 : vector<16xf32>
      %add3A_262 = arith.addf %add3A_261, %get3A_170 : vector<16xf32>
      %add3A_263 = arith.addf %add3A_262, %get3A_175 : vector<16xf32>
      %add3A_264 = arith.addf %add3A_263, %get3A_180 : vector<16xf32>
      %add3A_265 = arith.addf %add3A_264, %get3A_185 : vector<16xf32>
      %add3A_266 = arith.addf %add3A_265, %get3A_190 : vector<16xf32>
      %add3A_267 = arith.addf %get3A_200, %get3A_205 : vector<16xf32>
      %add3A_268 = arith.addf %add3A_267, %get3A_210 : vector<16xf32>
      %add3A_269 = arith.addf %add3A_268, %get3A_215 : vector<16xf32>
      %add3A_270 = arith.addf %add3A_269, %get3A_220 : vector<16xf32>
      %add3A_271 = arith.addf %add3A_270, %get3A_225 : vector<16xf32>
      %add3A_272 = arith.addf %add3A_271, %get3A_230 : vector<16xf32>
      %add3A_273 = arith.addf %add3A_272, %get3A_235 : vector<16xf32>
      %add3A_274 = arith.addf %add3A_273, %get3A_240 : vector<16xf32>
      %add3A_275 = arith.addf %add3A_274, %get3A_245 : vector<16xf32>
      %add3A_276 = arith.addf %add3A_275, %get3A_250 : vector<16xf32>
      %add3A_277 = arith.addf %add3A_276, %get3A_255 : vector<16xf32>
      %broadcast_in_dim3A = arith.constant 0.000000e+00 : f32
      %broadcast_in_dim3A_278 = vector.broadcast %broadcast_in_dim3A : f32 to vector<16xf32>
      %select_n3A = arith.select %lt3A_4, %get3A_195, %broadcast_in_dim3A_278 : vector<16xi1>, vector<16xf32>
      %add3A_279 = arith.addf %add3A_266, %select_n3A : vector<16xf32>
      %select_n3A_280 = arith.select %lt3A_4, %broadcast_in_dim3A_278, %get3A_195 : vector<16xi1>, vector<16xf32>
      %add3A_281 = arith.addf %add3A_277, %select_n3A_280 : vector<16xf32>
      %mul3A_282 = arith.constant 2 : i32
      %mul3A_283 = arith.muli %mul3A_282, %scan3A_128 : i32
      %add3A_284 = arith.constant 128 : i32
      %add3A_285 = arith.addi %add3A_284, %mul3A_283 : i32
      %mul3A_286 = arith.constant 16 : i32
      %mul3A_287 = arith.muli %add3A_285, %mul3A_286 : i32
      %swap3A = arith.index_cast %mul3A_287 : i32 to index
      %swap3A_288 = tpu.vector_load %arg9[%swap3A] {strides = array<i32>} : memref<8192xf32, #tpu.memory_space<vmem>>, vector<16xf32>,
      %swap3A_289 = vector.shape_cast %swap3A_288 : vector<16xf32> to vector<16xf32>
      %swap3A_290 = vector.shape_cast %add3A_279 : vector<16xf32> to vector<16xf32>
      tpu.vector_store %arg9[%swap3A], %swap3A_290 {strides = array<i32>} : memref<8192xf32, #tpu.memory_space<vmem>>, vector<16xf32>,
      %add3A_291 = arith.constant 16 : i32
      %add3A_292 = arith.addi %mul3A_287, %add3A_291 : i32
      %swap3A_293 = arith.index_cast %add3A_292 : i32 to index
      %swap3A_294 = tpu.vector_load %arg9[%swap3A_293] {strides = array<i32>} : memref<8192xf32, #tpu.memory_space<vmem>>, vector<16xf32>,
      %swap3A_295 = vector.shape_cast %swap3A_294 : vector<16xf32> to vector<16xf32>
      %swap3A_296 = vector.shape_cast %add3A_281 : vector<16xf32> to vector<16xf32>
      tpu.vector_store %arg9[%swap3A_293], %swap3A_296 {strides = array<i32>} : memref<8192xf32, #tpu.memory_space<vmem>>, vector<16xf32>,
      %scan3A_297 = arith.constant 0 : i32
      scf.yield %scan3A_297 : i32
    }
    %scan3A_56 = arith.constant 32 : i32
    %add3A_57 = arith.constant 256 : i32
    %add3A_58 = arith.addi %mul3A_2, %add3A_57 : i32
    %mul3A_59 = arith.constant 200 : i32
    %mul3A_60 = arith.muli %add3A_58, %mul3A_59 : i32
    "tpu.region"() ({
      %run_scoped3A = tpu.sem_alloc : memref<!tpu.dma_semaphore, #tpu.memory_space<semaphore_mem>>
      %dma_start3A_128 = tpu.memref_slice %arg3[%mul3A_60] : memref<3276800xi32, #tpu.memory_space<hbm>> -> memref<12800xi32, #tpu.memory_space<hbm>>
      %dma_start3A_129 = tpu.memref_slice %arg3[%mul3A_60] : memref<3276800xi32, #tpu.memory_space<hbm>> -> memref<12800xi32, #tpu.memory_space<hbm>>
      tpu.enqueue_dma source(%dma_start3A_129 : memref<12800xi32, #tpu.memory_space<hbm>>) target(%arg5 : memref<12800xi32, #tpu.memory_space<vmem>>) target_semaphore(%run_scoped3A : memref<!tpu.dma_semaphore, #tpu.memory_space<semaphore_mem>>)
      %dma_wait3A_130 = tpu.memref_slice %arg3[%mul3A_60] : memref<3276800xi32, #tpu.memory_space<hbm>> -> memref<12800xi32, #tpu.memory_space<hbm>>
      %dma_wait3A_131 = tpu.memref_slice %arg3[%mul3A_60] : memref<3276800xi32, #tpu.memory_space<hbm>> -> memref<12800xi32, #tpu.memory_space<hbm>>
      tpu.wait_dma2 semaphore(%run_scoped3A : memref<!tpu.dma_semaphore, #tpu.memory_space<semaphore_mem>>) src(%dma_wait3A_131 : memref<12800xi32, #tpu.memory_space<hbm>>) dst(%arg5 : memref<12800xi32, #tpu.memory_space<vmem>>)
      tpu.yield
    }) : () -> ()
    %dma_start3A_61 = arith.constant 0 : i32
    %dma_start3A_62 = tpu.memref_slice %arg10[%dma_start3A_61] : memref<1048576xf32, #tpu.memory_space<vmem_shared>> -> memref<1048576xf32, #tpu.memory_space<vmem_shared>>
    tpu.enqueue_indirect_dma source(%dma_start3A_62 : memref<1048576xf32, #tpu.memory_space<vmem_shared>>) target(%arg7 : memref<12800xf32, #tpu.memory_space<vmem>>) offsets(%arg5 : memref<12800xi32, #tpu.memory_space<vmem>>) semaphore(%arg11 : memref<!tpu.dma_semaphore, #tpu.memory_space<semaphore_mem>>)
    %dma_wait3A_63 = arith.constant 0 : i32
    %dma_wait3A_64 = tpu.memref_slice %arg10[%dma_wait3A_63] : memref<1048576xf32, #tpu.memory_space<vmem_shared>> -> memref<1048576xf32, #tpu.memory_space<vmem_shared>>
    tpu.wait_indirect_dma semaphore(%arg12 : memref<!tpu.dma_semaphore, #tpu.memory_space<semaphore_mem>>) src(%dma_wait3A_64 : memref<1048576xf32, #tpu.memory_space<vmem_shared>>) dst(%arg8 : memref<12800xf32, #tpu.memory_space<vmem>>)
    %scan3A_65 = arith.constant 0 : i32
    %scan3A_66 = arith.constant 0 : i32
    %scan3A_67 = arith.constant 32 : i32
    %scan3A_68 = arith.addi %scan3A_66, %scan3A_67 : i32
    %scan3A_69 = arith.constant 1 : i32
    %scan3A_70 = scf.for %scan3A_128 = %scan3A_66 to %scan3A_68 step %scan3A_69 iter_args(%scan3A_129 = %scan3A_65) -> (i32)  : i32 {
      %mul3A_130 = arith.constant 400 : i32
      %mul3A_131 = arith.muli %scan3A_128, %mul3A_130 : i32
      %add3A_132 = arith.constant 0 : i32
      %add3A_133 = arith.addi %mul3A_131, %add3A_132 : i32
      %get3A = arith.index_cast %add3A_133 : i32 to index
      %get3A_134 = tpu.vector_load %arg8[%get3A] {strides = array<i32>} : memref<12800xf32, #tpu.memory_space<vmem>>, vector<16xf32>,
      %get3A_135 = vector.shape_cast %get3A_134 : vector<16xf32> to vector<16xf32>
      %add3A_136 = arith.constant 16 : i32
      %add3A_137 = arith.addi %mul3A_131, %add3A_136 : i32
      %get3A_138 = arith.index_cast %add3A_137 : i32 to index
      %get3A_139 = tpu.vector_load %arg8[%get3A_138] {strides = array<i32>} : memref<12800xf32, #tpu.memory_space<vmem>>, vector<16xf32>,
      %get3A_140 = vector.shape_cast %get3A_139 : vector<16xf32> to vector<16xf32>
      %add3A_141 = arith.constant 32 : i32
      %add3A_142 = arith.addi %mul3A_131, %add3A_141 : i32
      %get3A_143 = arith.index_cast %add3A_142 : i32 to index
      %get3A_144 = tpu.vector_load %arg8[%get3A_143] {strides = array<i32>} : memref<12800xf32, #tpu.memory_space<vmem>>, vector<16xf32>,
      %get3A_145 = vector.shape_cast %get3A_144 : vector<16xf32> to vector<16xf32>
      %add3A_146 = arith.constant 48 : i32
      %add3A_147 = arith.addi %mul3A_131, %add3A_146 : i32
      %get3A_148 = arith.index_cast %add3A_147 : i32 to index
      %get3A_149 = tpu.vector_load %arg8[%get3A_148] {strides = array<i32>} : memref<12800xf32, #tpu.memory_space<vmem>>, vector<16xf32>,
      %get3A_150 = vector.shape_cast %get3A_149 : vector<16xf32> to vector<16xf32>
      %add3A_151 = arith.constant 64 : i32
      %add3A_152 = arith.addi %mul3A_131, %add3A_151 : i32
      %get3A_153 = arith.index_cast %add3A_152 : i32 to index
      %get3A_154 = tpu.vector_load %arg8[%get3A_153] {strides = array<i32>} : memref<12800xf32, #tpu.memory_space<vmem>>, vector<16xf32>,
      %get3A_155 = vector.shape_cast %get3A_154 : vector<16xf32> to vector<16xf32>
      %add3A_156 = arith.constant 80 : i32
      %add3A_157 = arith.addi %mul3A_131, %add3A_156 : i32
      %get3A_158 = arith.index_cast %add3A_157 : i32 to index
      %get3A_159 = tpu.vector_load %arg8[%get3A_158] {strides = array<i32>} : memref<12800xf32, #tpu.memory_space<vmem>>, vector<16xf32>,
      %get3A_160 = vector.shape_cast %get3A_159 : vector<16xf32> to vector<16xf32>
      %add3A_161 = arith.constant 96 : i32
      %add3A_162 = arith.addi %mul3A_131, %add3A_161 : i32
      %get3A_163 = arith.index_cast %add3A_162 : i32 to index
      %get3A_164 = tpu.vector_load %arg8[%get3A_163] {strides = array<i32>} : memref<12800xf32, #tpu.memory_space<vmem>>, vector<16xf32>,
      %get3A_165 = vector.shape_cast %get3A_164 : vector<16xf32> to vector<16xf32>
      %add3A_166 = arith.constant 112 : i32
      %add3A_167 = arith.addi %mul3A_131, %add3A_166 : i32
      %get3A_168 = arith.index_cast %add3A_167 : i32 to index
      %get3A_169 = tpu.vector_load %arg8[%get3A_168] {strides = array<i32>} : memref<12800xf32, #tpu.memory_space<vmem>>, vector<16xf32>,
      %get3A_170 = vector.shape_cast %get3A_169 : vector<16xf32> to vector<16xf32>
      %add3A_171 = arith.constant 128 : i32
      %add3A_172 = arith.addi %mul3A_131, %add3A_171 : i32
      %get3A_173 = arith.index_cast %add3A_172 : i32 to index
      %get3A_174 = tpu.vector_load %arg8[%get3A_173] {strides = array<i32>} : memref<12800xf32, #tpu.memory_space<vmem>>, vector<16xf32>,
      %get3A_175 = vector.shape_cast %get3A_174 : vector<16xf32> to vector<16xf32>
      %add3A_176 = arith.constant 144 : i32
      %add3A_177 = arith.addi %mul3A_131, %add3A_176 : i32
      %get3A_178 = arith.index_cast %add3A_177 : i32 to index
      %get3A_179 = tpu.vector_load %arg8[%get3A_178] {strides = array<i32>} : memref<12800xf32, #tpu.memory_space<vmem>>, vector<16xf32>,
      %get3A_180 = vector.shape_cast %get3A_179 : vector<16xf32> to vector<16xf32>
      %add3A_181 = arith.constant 160 : i32
      %add3A_182 = arith.addi %mul3A_131, %add3A_181 : i32
      %get3A_183 = arith.index_cast %add3A_182 : i32 to index
      %get3A_184 = tpu.vector_load %arg8[%get3A_183] {strides = array<i32>} : memref<12800xf32, #tpu.memory_space<vmem>>, vector<16xf32>,
      %get3A_185 = vector.shape_cast %get3A_184 : vector<16xf32> to vector<16xf32>
      %add3A_186 = arith.constant 176 : i32
      %add3A_187 = arith.addi %mul3A_131, %add3A_186 : i32
      %get3A_188 = arith.index_cast %add3A_187 : i32 to index
      %get3A_189 = tpu.vector_load %arg8[%get3A_188] {strides = array<i32>} : memref<12800xf32, #tpu.memory_space<vmem>>, vector<16xf32>,
      %get3A_190 = vector.shape_cast %get3A_189 : vector<16xf32> to vector<16xf32>
      %add3A_191 = arith.constant 192 : i32
      %add3A_192 = arith.addi %mul3A_131, %add3A_191 : i32
      %get3A_193 = arith.index_cast %add3A_192 : i32 to index
      %get3A_194 = tpu.vector_load %arg8[%get3A_193] {strides = array<i32>} : memref<12800xf32, #tpu.memory_space<vmem>>, vector<16xf32>,
      %get3A_195 = vector.shape_cast %get3A_194 : vector<16xf32> to vector<16xf32>
      %add3A_196 = arith.constant 208 : i32
      %add3A_197 = arith.addi %mul3A_131, %add3A_196 : i32
      %get3A_198 = arith.index_cast %add3A_197 : i32 to index
      %get3A_199 = tpu.vector_load %arg8[%get3A_198] {strides = array<i32>} : memref<12800xf32, #tpu.memory_space<vmem>>, vector<16xf32>,
      %get3A_200 = vector.shape_cast %get3A_199 : vector<16xf32> to vector<16xf32>
      %add3A_201 = arith.constant 224 : i32
      %add3A_202 = arith.addi %mul3A_131, %add3A_201 : i32
      %get3A_203 = arith.index_cast %add3A_202 : i32 to index
      %get3A_204 = tpu.vector_load %arg8[%get3A_203] {strides = array<i32>} : memref<12800xf32, #tpu.memory_space<vmem>>, vector<16xf32>,
      %get3A_205 = vector.shape_cast %get3A_204 : vector<16xf32> to vector<16xf32>
      %add3A_206 = arith.constant 240 : i32
      %add3A_207 = arith.addi %mul3A_131, %add3A_206 : i32
      %get3A_208 = arith.index_cast %add3A_207 : i32 to index
      %get3A_209 = tpu.vector_load %arg8[%get3A_208] {strides = array<i32>} : memref<12800xf32, #tpu.memory_space<vmem>>, vector<16xf32>,
      %get3A_210 = vector.shape_cast %get3A_209 : vector<16xf32> to vector<16xf32>
      %add3A_211 = arith.constant 256 : i32
      %add3A_212 = arith.addi %mul3A_131, %add3A_211 : i32
      %get3A_213 = arith.index_cast %add3A_212 : i32 to index
      %get3A_214 = tpu.vector_load %arg8[%get3A_213] {strides = array<i32>} : memref<12800xf32, #tpu.memory_space<vmem>>, vector<16xf32>,
      %get3A_215 = vector.shape_cast %get3A_214 : vector<16xf32> to vector<16xf32>
      %add3A_216 = arith.constant 272 : i32
      %add3A_217 = arith.addi %mul3A_131, %add3A_216 : i32
      %get3A_218 = arith.index_cast %add3A_217 : i32 to index
      %get3A_219 = tpu.vector_load %arg8[%get3A_218] {strides = array<i32>} : memref<12800xf32, #tpu.memory_space<vmem>>, vector<16xf32>,
      %get3A_220 = vector.shape_cast %get3A_219 : vector<16xf32> to vector<16xf32>
      %add3A_221 = arith.constant 288 : i32
      %add3A_222 = arith.addi %mul3A_131, %add3A_221 : i32
      %get3A_223 = arith.index_cast %add3A_222 : i32 to index
      %get3A_224 = tpu.vector_load %arg8[%get3A_223] {strides = array<i32>} : memref<12800xf32, #tpu.memory_space<vmem>>, vector<16xf32>,
      %get3A_225 = vector.shape_cast %get3A_224 : vector<16xf32> to vector<16xf32>
      %add3A_226 = arith.constant 304 : i32
      %add3A_227 = arith.addi %mul3A_131, %add3A_226 : i32
      %get3A_228 = arith.index_cast %add3A_227 : i32 to index
      %get3A_229 = tpu.vector_load %arg8[%get3A_228] {strides = array<i32>} : memref<12800xf32, #tpu.memory_space<vmem>>, vector<16xf32>,
      %get3A_230 = vector.shape_cast %get3A_229 : vector<16xf32> to vector<16xf32>
      %add3A_231 = arith.constant 320 : i32
      %add3A_232 = arith.addi %mul3A_131, %add3A_231 : i32
      %get3A_233 = arith.index_cast %add3A_232 : i32 to index
      %get3A_234 = tpu.vector_load %arg8[%get3A_233] {strides = array<i32>} : memref<12800xf32, #tpu.memory_space<vmem>>, vector<16xf32>,
      %get3A_235 = vector.shape_cast %get3A_234 : vector<16xf32> to vector<16xf32>
      %add3A_236 = arith.constant 336 : i32
      %add3A_237 = arith.addi %mul3A_131, %add3A_236 : i32
      %get3A_238 = arith.index_cast %add3A_237 : i32 to index
      %get3A_239 = tpu.vector_load %arg8[%get3A_238] {strides = array<i32>} : memref<12800xf32, #tpu.memory_space<vmem>>, vector<16xf32>,
      %get3A_240 = vector.shape_cast %get3A_239 : vector<16xf32> to vector<16xf32>
      %add3A_241 = arith.constant 352 : i32
      %add3A_242 = arith.addi %mul3A_131, %add3A_241 : i32
      %get3A_243 = arith.index_cast %add3A_242 : i32 to index
      %get3A_244 = tpu.vector_load %arg8[%get3A_243] {strides = array<i32>} : memref<12800xf32, #tpu.memory_space<vmem>>, vector<16xf32>,
      %get3A_245 = vector.shape_cast %get3A_244 : vector<16xf32> to vector<16xf32>
      %add3A_246 = arith.constant 368 : i32
      %add3A_247 = arith.addi %mul3A_131, %add3A_246 : i32
      %get3A_248 = arith.index_cast %add3A_247 : i32 to index
      %get3A_249 = tpu.vector_load %arg8[%get3A_248] {strides = array<i32>} : memref<12800xf32, #tpu.memory_space<vmem>>, vector<16xf32>,
      %get3A_250 = vector.shape_cast %get3A_249 : vector<16xf32> to vector<16xf32>
      %add3A_251 = arith.constant 384 : i32
      %add3A_252 = arith.addi %mul3A_131, %add3A_251 : i32
      %get3A_253 = arith.index_cast %add3A_252 : i32 to index
      %get3A_254 = tpu.vector_load %arg8[%get3A_253] {strides = array<i32>} : memref<12800xf32, #tpu.memory_space<vmem>>, vector<16xf32>,
      %get3A_255 = vector.shape_cast %get3A_254 : vector<16xf32> to vector<16xf32>
      %add3A_256 = arith.addf %get3A_135, %get3A_140 : vector<16xf32>
      %add3A_257 = arith.addf %add3A_256, %get3A_145 : vector<16xf32>
      %add3A_258 = arith.addf %add3A_257, %get3A_150 : vector<16xf32>
      %add3A_259 = arith.addf %add3A_258, %get3A_155 : vector<16xf32>
      %add3A_260 = arith.addf %add3A_259, %get3A_160 : vector<16xf32>
      %add3A_261 = arith.addf %add3A_260, %get3A_165 : vector<16xf32>
      %add3A_262 = arith.addf %add3A_261, %get3A_170 : vector<16xf32>
      %add3A_263 = arith.addf %add3A_262, %get3A_175 : vector<16xf32>
      %add3A_264 = arith.addf %add3A_263, %get3A_180 : vector<16xf32>
      %add3A_265 = arith.addf %add3A_264, %get3A_185 : vector<16xf32>
      %add3A_266 = arith.addf %add3A_265, %get3A_190 : vector<16xf32>
      %add3A_267 = arith.addf %get3A_200, %get3A_205 : vector<16xf32>
      %add3A_268 = arith.addf %add3A_267, %get3A_210 : vector<16xf32>
      %add3A_269 = arith.addf %add3A_268, %get3A_215 : vector<16xf32>
      %add3A_270 = arith.addf %add3A_269, %get3A_220 : vector<16xf32>
      %add3A_271 = arith.addf %add3A_270, %get3A_225 : vector<16xf32>
      %add3A_272 = arith.addf %add3A_271, %get3A_230 : vector<16xf32>
      %add3A_273 = arith.addf %add3A_272, %get3A_235 : vector<16xf32>
      %add3A_274 = arith.addf %add3A_273, %get3A_240 : vector<16xf32>
      %add3A_275 = arith.addf %add3A_274, %get3A_245 : vector<16xf32>
      %add3A_276 = arith.addf %add3A_275, %get3A_250 : vector<16xf32>
      %add3A_277 = arith.addf %add3A_276, %get3A_255 : vector<16xf32>
      %broadcast_in_dim3A = arith.constant 0.000000e+00 : f32
      %broadcast_in_dim3A_278 = vector.broadcast %broadcast_in_dim3A : f32 to vector<16xf32>
      %select_n3A = arith.select %lt3A_4, %get3A_195, %broadcast_in_dim3A_278 : vector<16xi1>, vector<16xf32>
      %add3A_279 = arith.addf %add3A_266, %select_n3A : vector<16xf32>
      %select_n3A_280 = arith.select %lt3A_4, %broadcast_in_dim3A_278, %get3A_195 : vector<16xi1>, vector<16xf32>
      %add3A_281 = arith.addf %add3A_277, %select_n3A_280 : vector<16xf32>
      %mul3A_282 = arith.constant 2 : i32
      %mul3A_283 = arith.muli %mul3A_282, %scan3A_128 : i32
      %add3A_284 = arith.constant 192 : i32
      %add3A_285 = arith.addi %add3A_284, %mul3A_283 : i32
      %mul3A_286 = arith.constant 16 : i32
      %mul3A_287 = arith.muli %add3A_285, %mul3A_286 : i32
      %swap3A = arith.index_cast %mul3A_287 : i32 to index
      %swap3A_288 = tpu.vector_load %arg9[%swap3A] {strides = array<i32>} : memref<8192xf32, #tpu.memory_space<vmem>>, vector<16xf32>,
      %swap3A_289 = vector.shape_cast %swap3A_288 : vector<16xf32> to vector<16xf32>
      %swap3A_290 = vector.shape_cast %add3A_279 : vector<16xf32> to vector<16xf32>
      tpu.vector_store %arg9[%swap3A], %swap3A_290 {strides = array<i32>} : memref<8192xf32, #tpu.memory_space<vmem>>, vector<16xf32>,
      %add3A_291 = arith.constant 16 : i32
      %add3A_292 = arith.addi %mul3A_287, %add3A_291 : i32
      %swap3A_293 = arith.index_cast %add3A_292 : i32 to index
      %swap3A_294 = tpu.vector_load %arg9[%swap3A_293] {strides = array<i32>} : memref<8192xf32, #tpu.memory_space<vmem>>, vector<16xf32>,
      %swap3A_295 = vector.shape_cast %swap3A_294 : vector<16xf32> to vector<16xf32>
      %swap3A_296 = vector.shape_cast %add3A_281 : vector<16xf32> to vector<16xf32>
      tpu.vector_store %arg9[%swap3A_293], %swap3A_296 {strides = array<i32>} : memref<8192xf32, #tpu.memory_space<vmem>>, vector<16xf32>,
      %scan3A_297 = arith.constant 0 : i32
      scf.yield %scan3A_297 : i32
    }
    %scan3A_71 = arith.constant 32 : i32
    %add3A_72 = arith.constant 320 : i32
    %add3A_73 = arith.addi %mul3A_2, %add3A_72 : i32
    %mul3A_74 = arith.constant 200 : i32
    %mul3A_75 = arith.muli %add3A_73, %mul3A_74 : i32
    "tpu.region"() ({
      %run_scoped3A = tpu.sem_alloc : memref<!tpu.dma_semaphore, #tpu.memory_space<semaphore_mem>>
      %dma_start3A_128 = tpu.memref_slice %arg3[%mul3A_75] : memref<3276800xi32, #tpu.memory_space<hbm>> -> memref<12800xi32, #tpu.memory_space<hbm>>
      %dma_start3A_129 = tpu.memref_slice %arg3[%mul3A_75] : memref<3276800xi32, #tpu.memory_space<hbm>> -> memref<12800xi32, #tpu.memory_space<hbm>>
      tpu.enqueue_dma source(%dma_start3A_129 : memref<12800xi32, #tpu.memory_space<hbm>>) target(%arg6 : memref<12800xi32, #tpu.memory_space<vmem>>) target_semaphore(%run_scoped3A : memref<!tpu.dma_semaphore, #tpu.memory_space<semaphore_mem>>)
      %dma_wait3A_130 = tpu.memref_slice %arg3[%mul3A_75] : memref<3276800xi32, #tpu.memory_space<hbm>> -> memref<12800xi32, #tpu.memory_space<hbm>>
      %dma_wait3A_131 = tpu.memref_slice %arg3[%mul3A_75] : memref<3276800xi32, #tpu.memory_space<hbm>> -> memref<12800xi32, #tpu.memory_space<hbm>>
      tpu.wait_dma2 semaphore(%run_scoped3A : memref<!tpu.dma_semaphore, #tpu.memory_space<semaphore_mem>>) src(%dma_wait3A_131 : memref<12800xi32, #tpu.memory_space<hbm>>) dst(%arg6 : memref<12800xi32, #tpu.memory_space<vmem>>)
      tpu.yield
    }) : () -> ()
    %dma_start3A_76 = arith.constant 0 : i32
    %dma_start3A_77 = tpu.memref_slice %arg10[%dma_start3A_76] : memref<1048576xf32, #tpu.memory_space<vmem_shared>> -> memref<1048576xf32, #tpu.memory_space<vmem_shared>>
    tpu.enqueue_indirect_dma source(%dma_start3A_77 : memref<1048576xf32, #tpu.memory_space<vmem_shared>>) target(%arg8 : memref<12800xf32, #tpu.memory_space<vmem>>) offsets(%arg6 : memref<12800xi32, #tpu.memory_space<vmem>>) semaphore(%arg12 : memref<!tpu.dma_semaphore, #tpu.memory_space<semaphore_mem>>)
    %dma_wait3A_78 = arith.constant 0 : i32
    %dma_wait3A_79 = tpu.memref_slice %arg10[%dma_wait3A_78] : memref<1048576xf32, #tpu.memory_space<vmem_shared>> -> memref<1048576xf32, #tpu.memory_space<vmem_shared>>
    tpu.wait_indirect_dma semaphore(%arg11 : memref<!tpu.dma_semaphore, #tpu.memory_space<semaphore_mem>>) src(%dma_wait3A_79 : memref<1048576xf32, #tpu.memory_space<vmem_shared>>) dst(%arg7 : memref<12800xf32, #tpu.memory_space<vmem>>)
    %scan3A_80 = arith.constant 0 : i32
    %scan3A_81 = arith.constant 0 : i32
    %scan3A_82 = arith.constant 32 : i32
    %scan3A_83 = arith.addi %scan3A_81, %scan3A_82 : i32
    %scan3A_84 = arith.constant 1 : i32
    %scan3A_85 = scf.for %scan3A_128 = %scan3A_81 to %scan3A_83 step %scan3A_84 iter_args(%scan3A_129 = %scan3A_80) -> (i32)  : i32 {
      %mul3A_130 = arith.constant 400 : i32
      %mul3A_131 = arith.muli %scan3A_128, %mul3A_130 : i32
      %add3A_132 = arith.constant 0 : i32
      %add3A_133 = arith.addi %mul3A_131, %add3A_132 : i32
      %get3A = arith.index_cast %add3A_133 : i32 to index
      %get3A_134 = tpu.vector_load %arg7[%get3A] {strides = array<i32>} : memref<12800xf32, #tpu.memory_space<vmem>>, vector<16xf32>,
      %get3A_135 = vector.shape_cast %get3A_134 : vector<16xf32> to vector<16xf32>
      %add3A_136 = arith.constant 16 : i32
      %add3A_137 = arith.addi %mul3A_131, %add3A_136 : i32
      %get3A_138 = arith.index_cast %add3A_137 : i32 to index
      %get3A_139 = tpu.vector_load %arg7[%get3A_138] {strides = array<i32>} : memref<12800xf32, #tpu.memory_space<vmem>>, vector<16xf32>,
      %get3A_140 = vector.shape_cast %get3A_139 : vector<16xf32> to vector<16xf32>
      %add3A_141 = arith.constant 32 : i32
      %add3A_142 = arith.addi %mul3A_131, %add3A_141 : i32
      %get3A_143 = arith.index_cast %add3A_142 : i32 to index
      %get3A_144 = tpu.vector_load %arg7[%get3A_143] {strides = array<i32>} : memref<12800xf32, #tpu.memory_space<vmem>>, vector<16xf32>,
      %get3A_145 = vector.shape_cast %get3A_144 : vector<16xf32> to vector<16xf32>
      %add3A_146 = arith.constant 48 : i32
      %add3A_147 = arith.addi %mul3A_131, %add3A_146 : i32
      %get3A_148 = arith.index_cast %add3A_147 : i32 to index
      %get3A_149 = tpu.vector_load %arg7[%get3A_148] {strides = array<i32>} : memref<12800xf32, #tpu.memory_space<vmem>>, vector<16xf32>,
      %get3A_150 = vector.shape_cast %get3A_149 : vector<16xf32> to vector<16xf32>
      %add3A_151 = arith.constant 64 : i32
      %add3A_152 = arith.addi %mul3A_131, %add3A_151 : i32
      %get3A_153 = arith.index_cast %add3A_152 : i32 to index
      %get3A_154 = tpu.vector_load %arg7[%get3A_153] {strides = array<i32>} : memref<12800xf32, #tpu.memory_space<vmem>>, vector<16xf32>,
      %get3A_155 = vector.shape_cast %get3A_154 : vector<16xf32> to vector<16xf32>
      %add3A_156 = arith.constant 80 : i32
      %add3A_157 = arith.addi %mul3A_131, %add3A_156 : i32
      %get3A_158 = arith.index_cast %add3A_157 : i32 to index
      %get3A_159 = tpu.vector_load %arg7[%get3A_158] {strides = array<i32>} : memref<12800xf32, #tpu.memory_space<vmem>>, vector<16xf32>,
      %get3A_160 = vector.shape_cast %get3A_159 : vector<16xf32> to vector<16xf32>
      %add3A_161 = arith.constant 96 : i32
      %add3A_162 = arith.addi %mul3A_131, %add3A_161 : i32
      %get3A_163 = arith.index_cast %add3A_162 : i32 to index
      %get3A_164 = tpu.vector_load %arg7[%get3A_163] {strides = array<i32>} : memref<12800xf32, #tpu.memory_space<vmem>>, vector<16xf32>,
      %get3A_165 = vector.shape_cast %get3A_164 : vector<16xf32> to vector<16xf32>
      %add3A_166 = arith.constant 112 : i32
      %add3A_167 = arith.addi %mul3A_131, %add3A_166 : i32
      %get3A_168 = arith.index_cast %add3A_167 : i32 to index
      %get3A_169 = tpu.vector_load %arg7[%get3A_168] {strides = array<i32>} : memref<12800xf32, #tpu.memory_space<vmem>>, vector<16xf32>,
      %get3A_170 = vector.shape_cast %get3A_169 : vector<16xf32> to vector<16xf32>
      %add3A_171 = arith.constant 128 : i32
      %add3A_172 = arith.addi %mul3A_131, %add3A_171 : i32
      %get3A_173 = arith.index_cast %add3A_172 : i32 to index
      %get3A_174 = tpu.vector_load %arg7[%get3A_173] {strides = array<i32>} : memref<12800xf32, #tpu.memory_space<vmem>>, vector<16xf32>,
      %get3A_175 = vector.shape_cast %get3A_174 : vector<16xf32> to vector<16xf32>
      %add3A_176 = arith.constant 144 : i32
      %add3A_177 = arith.addi %mul3A_131, %add3A_176 : i32
      %get3A_178 = arith.index_cast %add3A_177 : i32 to index
      %get3A_179 = tpu.vector_load %arg7[%get3A_178] {strides = array<i32>} : memref<12800xf32, #tpu.memory_space<vmem>>, vector<16xf32>,
      %get3A_180 = vector.shape_cast %get3A_179 : vector<16xf32> to vector<16xf32>
      %add3A_181 = arith.constant 160 : i32
      %add3A_182 = arith.addi %mul3A_131, %add3A_181 : i32
      %get3A_183 = arith.index_cast %add3A_182 : i32 to index
      %get3A_184 = tpu.vector_load %arg7[%get3A_183] {strides = array<i32>} : memref<12800xf32, #tpu.memory_space<vmem>>, vector<16xf32>,
      %get3A_185 = vector.shape_cast %get3A_184 : vector<16xf32> to vector<16xf32>
      %add3A_186 = arith.constant 176 : i32
      %add3A_187 = arith.addi %mul3A_131, %add3A_186 : i32
      %get3A_188 = arith.index_cast %add3A_187 : i32 to index
      %get3A_189 = tpu.vector_load %arg7[%get3A_188] {strides = array<i32>} : memref<12800xf32, #tpu.memory_space<vmem>>, vector<16xf32>,
      %get3A_190 = vector.shape_cast %get3A_189 : vector<16xf32> to vector<16xf32>
      %add3A_191 = arith.constant 192 : i32
      %add3A_192 = arith.addi %mul3A_131, %add3A_191 : i32
      %get3A_193 = arith.index_cast %add3A_192 : i32 to index
      %get3A_194 = tpu.vector_load %arg7[%get3A_193] {strides = array<i32>} : memref<12800xf32, #tpu.memory_space<vmem>>, vector<16xf32>,
      %get3A_195 = vector.shape_cast %get3A_194 : vector<16xf32> to vector<16xf32>
      %add3A_196 = arith.constant 208 : i32
      %add3A_197 = arith.addi %mul3A_131, %add3A_196 : i32
      %get3A_198 = arith.index_cast %add3A_197 : i32 to index
      %get3A_199 = tpu.vector_load %arg7[%get3A_198] {strides = array<i32>} : memref<12800xf32, #tpu.memory_space<vmem>>, vector<16xf32>,
      %get3A_200 = vector.shape_cast %get3A_199 : vector<16xf32> to vector<16xf32>
      %add3A_201 = arith.constant 224 : i32
      %add3A_202 = arith.addi %mul3A_131, %add3A_201 : i32
      %get3A_203 = arith.index_cast %add3A_202 : i32 to index
      %get3A_204 = tpu.vector_load %arg7[%get3A_203] {strides = array<i32>} : memref<12800xf32, #tpu.memory_space<vmem>>, vector<16xf32>,
      %get3A_205 = vector.shape_cast %get3A_204 : vector<16xf32> to vector<16xf32>
      %add3A_206 = arith.constant 240 : i32
      %add3A_207 = arith.addi %mul3A_131, %add3A_206 : i32
      %get3A_208 = arith.index_cast %add3A_207 : i32 to index
      %get3A_209 = tpu.vector_load %arg7[%get3A_208] {strides = array<i32>} : memref<12800xf32, #tpu.memory_space<vmem>>, vector<16xf32>,
      %get3A_210 = vector.shape_cast %get3A_209 : vector<16xf32> to vector<16xf32>
      %add3A_211 = arith.constant 256 : i32
      %add3A_212 = arith.addi %mul3A_131, %add3A_211 : i32
      %get3A_213 = arith.index_cast %add3A_212 : i32 to index
      %get3A_214 = tpu.vector_load %arg7[%get3A_213] {strides = array<i32>} : memref<12800xf32, #tpu.memory_space<vmem>>, vector<16xf32>,
      %get3A_215 = vector.shape_cast %get3A_214 : vector<16xf32> to vector<16xf32>
      %add3A_216 = arith.constant 272 : i32
      %add3A_217 = arith.addi %mul3A_131, %add3A_216 : i32
      %get3A_218 = arith.index_cast %add3A_217 : i32 to index
      %get3A_219 = tpu.vector_load %arg7[%get3A_218] {strides = array<i32>} : memref<12800xf32, #tpu.memory_space<vmem>>, vector<16xf32>,
      %get3A_220 = vector.shape_cast %get3A_219 : vector<16xf32> to vector<16xf32>
      %add3A_221 = arith.constant 288 : i32
      %add3A_222 = arith.addi %mul3A_131, %add3A_221 : i32
      %get3A_223 = arith.index_cast %add3A_222 : i32 to index
      %get3A_224 = tpu.vector_load %arg7[%get3A_223] {strides = array<i32>} : memref<12800xf32, #tpu.memory_space<vmem>>, vector<16xf32>,
      %get3A_225 = vector.shape_cast %get3A_224 : vector<16xf32> to vector<16xf32>
      %add3A_226 = arith.constant 304 : i32
      %add3A_227 = arith.addi %mul3A_131, %add3A_226 : i32
      %get3A_228 = arith.index_cast %add3A_227 : i32 to index
      %get3A_229 = tpu.vector_load %arg7[%get3A_228] {strides = array<i32>} : memref<12800xf32, #tpu.memory_space<vmem>>, vector<16xf32>,
      %get3A_230 = vector.shape_cast %get3A_229 : vector<16xf32> to vector<16xf32>
      %add3A_231 = arith.constant 320 : i32
      %add3A_232 = arith.addi %mul3A_131, %add3A_231 : i32
      %get3A_233 = arith.index_cast %add3A_232 : i32 to index
      %get3A_234 = tpu.vector_load %arg7[%get3A_233] {strides = array<i32>} : memref<12800xf32, #tpu.memory_space<vmem>>, vector<16xf32>,
      %get3A_235 = vector.shape_cast %get3A_234 : vector<16xf32> to vector<16xf32>
      %add3A_236 = arith.constant 336 : i32
      %add3A_237 = arith.addi %mul3A_131, %add3A_236 : i32
      %get3A_238 = arith.index_cast %add3A_237 : i32 to index
      %get3A_239 = tpu.vector_load %arg7[%get3A_238] {strides = array<i32>} : memref<12800xf32, #tpu.memory_space<vmem>>, vector<16xf32>,
      %get3A_240 = vector.shape_cast %get3A_239 : vector<16xf32> to vector<16xf32>
      %add3A_241 = arith.constant 352 : i32
      %add3A_242 = arith.addi %mul3A_131, %add3A_241 : i32
      %get3A_243 = arith.index_cast %add3A_242 : i32 to index
      %get3A_244 = tpu.vector_load %arg7[%get3A_243] {strides = array<i32>} : memref<12800xf32, #tpu.memory_space<vmem>>, vector<16xf32>,
      %get3A_245 = vector.shape_cast %get3A_244 : vector<16xf32> to vector<16xf32>
      %add3A_246 = arith.constant 368 : i32
      %add3A_247 = arith.addi %mul3A_131, %add3A_246 : i32
      %get3A_248 = arith.index_cast %add3A_247 : i32 to index
      %get3A_249 = tpu.vector_load %arg7[%get3A_248] {strides = array<i32>} : memref<12800xf32, #tpu.memory_space<vmem>>, vector<16xf32>,
      %get3A_250 = vector.shape_cast %get3A_249 : vector<16xf32> to vector<16xf32>
      %add3A_251 = arith.constant 384 : i32
      %add3A_252 = arith.addi %mul3A_131, %add3A_251 : i32
      %get3A_253 = arith.index_cast %add3A_252 : i32 to index
      %get3A_254 = tpu.vector_load %arg7[%get3A_253] {strides = array<i32>} : memref<12800xf32, #tpu.memory_space<vmem>>, vector<16xf32>,
      %get3A_255 = vector.shape_cast %get3A_254 : vector<16xf32> to vector<16xf32>
      %add3A_256 = arith.addf %get3A_135, %get3A_140 : vector<16xf32>
      %add3A_257 = arith.addf %add3A_256, %get3A_145 : vector<16xf32>
      %add3A_258 = arith.addf %add3A_257, %get3A_150 : vector<16xf32>
      %add3A_259 = arith.addf %add3A_258, %get3A_155 : vector<16xf32>
      %add3A_260 = arith.addf %add3A_259, %get3A_160 : vector<16xf32>
      %add3A_261 = arith.addf %add3A_260, %get3A_165 : vector<16xf32>
      %add3A_262 = arith.addf %add3A_261, %get3A_170 : vector<16xf32>
      %add3A_263 = arith.addf %add3A_262, %get3A_175 : vector<16xf32>
      %add3A_264 = arith.addf %add3A_263, %get3A_180 : vector<16xf32>
      %add3A_265 = arith.addf %add3A_264, %get3A_185 : vector<16xf32>
      %add3A_266 = arith.addf %add3A_265, %get3A_190 : vector<16xf32>
      %add3A_267 = arith.addf %get3A_200, %get3A_205 : vector<16xf32>
      %add3A_268 = arith.addf %add3A_267, %get3A_210 : vector<16xf32>
      %add3A_269 = arith.addf %add3A_268, %get3A_215 : vector<16xf32>
      %add3A_270 = arith.addf %add3A_269, %get3A_220 : vector<16xf32>
      %add3A_271 = arith.addf %add3A_270, %get3A_225 : vector<16xf32>
      %add3A_272 = arith.addf %add3A_271, %get3A_230 : vector<16xf32>
      %add3A_273 = arith.addf %add3A_272, %get3A_235 : vector<16xf32>
      %add3A_274 = arith.addf %add3A_273, %get3A_240 : vector<16xf32>
      %add3A_275 = arith.addf %add3A_274, %get3A_245 : vector<16xf32>
      %add3A_276 = arith.addf %add3A_275, %get3A_250 : vector<16xf32>
      %add3A_277 = arith.addf %add3A_276, %get3A_255 : vector<16xf32>
      %broadcast_in_dim3A = arith.constant 0.000000e+00 : f32
      %broadcast_in_dim3A_278 = vector.broadcast %broadcast_in_dim3A : f32 to vector<16xf32>
      %select_n3A = arith.select %lt3A_4, %get3A_195, %broadcast_in_dim3A_278 : vector<16xi1>, vector<16xf32>
      %add3A_279 = arith.addf %add3A_266, %select_n3A : vector<16xf32>
      %select_n3A_280 = arith.select %lt3A_4, %broadcast_in_dim3A_278, %get3A_195 : vector<16xi1>, vector<16xf32>
      %add3A_281 = arith.addf %add3A_277, %select_n3A_280 : vector<16xf32>
      %mul3A_282 = arith.constant 2 : i32
      %mul3A_283 = arith.muli %mul3A_282, %scan3A_128 : i32
      %add3A_284 = arith.constant 256 : i32
      %add3A_285 = arith.addi %add3A_284, %mul3A_283 : i32
      %mul3A_286 = arith.constant 16 : i32
      %mul3A_287 = arith.muli %add3A_285, %mul3A_286 : i32
      %swap3A = arith.index_cast %mul3A_287 : i32 to index
      %swap3A_288 = tpu.vector_load %arg9[%swap3A] {strides = array<i32>} : memref<8192xf32, #tpu.memory_space<vmem>>, vector<16xf32>,
      %swap3A_289 = vector.shape_cast %swap3A_288 : vector<16xf32> to vector<16xf32>
      %swap3A_290 = vector.shape_cast %add3A_279 : vector<16xf32> to vector<16xf32>
      tpu.vector_store %arg9[%swap3A], %swap3A_290 {strides = array<i32>} : memref<8192xf32, #tpu.memory_space<vmem>>, vector<16xf32>,
      %add3A_291 = arith.constant 16 : i32
      %add3A_292 = arith.addi %mul3A_287, %add3A_291 : i32
      %swap3A_293 = arith.index_cast %add3A_292 : i32 to index
      %swap3A_294 = tpu.vector_load %arg9[%swap3A_293] {strides = array<i32>} : memref<8192xf32, #tpu.memory_space<vmem>>, vector<16xf32>,
      %swap3A_295 = vector.shape_cast %swap3A_294 : vector<16xf32> to vector<16xf32>
      %swap3A_296 = vector.shape_cast %add3A_281 : vector<16xf32> to vector<16xf32>
      tpu.vector_store %arg9[%swap3A_293], %swap3A_296 {strides = array<i32>} : memref<8192xf32, #tpu.memory_space<vmem>>, vector<16xf32>,
      %scan3A_297 = arith.constant 0 : i32
      scf.yield %scan3A_297 : i32
    }
    %scan3A_86 = arith.constant 32 : i32
    %add3A_87 = arith.constant 384 : i32
    %add3A_88 = arith.addi %mul3A_2, %add3A_87 : i32
    %mul3A_89 = arith.constant 200 : i32
    %mul3A_90 = arith.muli %add3A_88, %mul3A_89 : i32
    "tpu.region"() ({
      %run_scoped3A = tpu.sem_alloc : memref<!tpu.dma_semaphore, #tpu.memory_space<semaphore_mem>>
      %dma_start3A_128 = tpu.memref_slice %arg3[%mul3A_90] : memref<3276800xi32, #tpu.memory_space<hbm>> -> memref<12800xi32, #tpu.memory_space<hbm>>
      %dma_start3A_129 = tpu.memref_slice %arg3[%mul3A_90] : memref<3276800xi32, #tpu.memory_space<hbm>> -> memref<12800xi32, #tpu.memory_space<hbm>>
      tpu.enqueue_dma source(%dma_start3A_129 : memref<12800xi32, #tpu.memory_space<hbm>>) target(%arg5 : memref<12800xi32, #tpu.memory_space<vmem>>) target_semaphore(%run_scoped3A : memref<!tpu.dma_semaphore, #tpu.memory_space<semaphore_mem>>)
      %dma_wait3A_130 = tpu.memref_slice %arg3[%mul3A_90] : memref<3276800xi32, #tpu.memory_space<hbm>> -> memref<12800xi32, #tpu.memory_space<hbm>>
      %dma_wait3A_131 = tpu.memref_slice %arg3[%mul3A_90] : memref<3276800xi32, #tpu.memory_space<hbm>> -> memref<12800xi32, #tpu.memory_space<hbm>>
      tpu.wait_dma2 semaphore(%run_scoped3A : memref<!tpu.dma_semaphore, #tpu.memory_space<semaphore_mem>>) src(%dma_wait3A_131 : memref<12800xi32, #tpu.memory_space<hbm>>) dst(%arg5 : memref<12800xi32, #tpu.memory_space<vmem>>)
      tpu.yield
    }) : () -> ()
    %dma_start3A_91 = arith.constant 0 : i32
    %dma_start3A_92 = tpu.memref_slice %arg10[%dma_start3A_91] : memref<1048576xf32, #tpu.memory_space<vmem_shared>> -> memref<1048576xf32, #tpu.memory_space<vmem_shared>>
    tpu.enqueue_indirect_dma source(%dma_start3A_92 : memref<1048576xf32, #tpu.memory_space<vmem_shared>>) target(%arg7 : memref<12800xf32, #tpu.memory_space<vmem>>) offsets(%arg5 : memref<12800xi32, #tpu.memory_space<vmem>>) semaphore(%arg11 : memref<!tpu.dma_semaphore, #tpu.memory_space<semaphore_mem>>)
    %dma_wait3A_93 = arith.constant 0 : i32
    %dma_wait3A_94 = tpu.memref_slice %arg10[%dma_wait3A_93] : memref<1048576xf32, #tpu.memory_space<vmem_shared>> -> memref<1048576xf32, #tpu.memory_space<vmem_shared>>
    tpu.wait_indirect_dma semaphore(%arg12 : memref<!tpu.dma_semaphore, #tpu.memory_space<semaphore_mem>>) src(%dma_wait3A_94 : memref<1048576xf32, #tpu.memory_space<vmem_shared>>) dst(%arg8 : memref<12800xf32, #tpu.memory_space<vmem>>)
    %scan3A_95 = arith.constant 0 : i32
    %scan3A_96 = arith.constant 0 : i32
    %scan3A_97 = arith.constant 32 : i32
    %scan3A_98 = arith.addi %scan3A_96, %scan3A_97 : i32
    %scan3A_99 = arith.constant 1 : i32
    %scan3A_100 = scf.for %scan3A_128 = %scan3A_96 to %scan3A_98 step %scan3A_99 iter_args(%scan3A_129 = %scan3A_95) -> (i32)  : i32 {
      %mul3A_130 = arith.constant 400 : i32
      %mul3A_131 = arith.muli %scan3A_128, %mul3A_130 : i32
      %add3A_132 = arith.constant 0 : i32
      %add3A_133 = arith.addi %mul3A_131, %add3A_132 : i32
      %get3A = arith.index_cast %add3A_133 : i32 to index
      %get3A_134 = tpu.vector_load %arg8[%get3A] {strides = array<i32>} : memref<12800xf32, #tpu.memory_space<vmem>>, vector<16xf32>,
      %get3A_135 = vector.shape_cast %get3A_134 : vector<16xf32> to vector<16xf32>
      %add3A_136 = arith.constant 16 : i32
      %add3A_137 = arith.addi %mul3A_131, %add3A_136 : i32
      %get3A_138 = arith.index_cast %add3A_137 : i32 to index
      %get3A_139 = tpu.vector_load %arg8[%get3A_138] {strides = array<i32>} : memref<12800xf32, #tpu.memory_space<vmem>>, vector<16xf32>,
      %get3A_140 = vector.shape_cast %get3A_139 : vector<16xf32> to vector<16xf32>
      %add3A_141 = arith.constant 32 : i32
      %add3A_142 = arith.addi %mul3A_131, %add3A_141 : i32
      %get3A_143 = arith.index_cast %add3A_142 : i32 to index
      %get3A_144 = tpu.vector_load %arg8[%get3A_143] {strides = array<i32>} : memref<12800xf32, #tpu.memory_space<vmem>>, vector<16xf32>,
      %get3A_145 = vector.shape_cast %get3A_144 : vector<16xf32> to vector<16xf32>
      %add3A_146 = arith.constant 48 : i32
      %add3A_147 = arith.addi %mul3A_131, %add3A_146 : i32
      %get3A_148 = arith.index_cast %add3A_147 : i32 to index
      %get3A_149 = tpu.vector_load %arg8[%get3A_148] {strides = array<i32>} : memref<12800xf32, #tpu.memory_space<vmem>>, vector<16xf32>,
      %get3A_150 = vector.shape_cast %get3A_149 : vector<16xf32> to vector<16xf32>
      %add3A_151 = arith.constant 64 : i32
      %add3A_152 = arith.addi %mul3A_131, %add3A_151 : i32
      %get3A_153 = arith.index_cast %add3A_152 : i32 to index
      %get3A_154 = tpu.vector_load %arg8[%get3A_153] {strides = array<i32>} : memref<12800xf32, #tpu.memory_space<vmem>>, vector<16xf32>,
      %get3A_155 = vector.shape_cast %get3A_154 : vector<16xf32> to vector<16xf32>
      %add3A_156 = arith.constant 80 : i32
      %add3A_157 = arith.addi %mul3A_131, %add3A_156 : i32
      %get3A_158 = arith.index_cast %add3A_157 : i32 to index
      %get3A_159 = tpu.vector_load %arg8[%get3A_158] {strides = array<i32>} : memref<12800xf32, #tpu.memory_space<vmem>>, vector<16xf32>,
      %get3A_160 = vector.shape_cast %get3A_159 : vector<16xf32> to vector<16xf32>
      %add3A_161 = arith.constant 96 : i32
      %add3A_162 = arith.addi %mul3A_131, %add3A_161 : i32
      %get3A_163 = arith.index_cast %add3A_162 : i32 to index
      %get3A_164 = tpu.vector_load %arg8[%get3A_163] {strides = array<i32>} : memref<12800xf32, #tpu.memory_space<vmem>>, vector<16xf32>,
      %get3A_165 = vector.shape_cast %get3A_164 : vector<16xf32> to vector<16xf32>
      %add3A_166 = arith.constant 112 : i32
      %add3A_167 = arith.addi %mul3A_131, %add3A_166 : i32
      %get3A_168 = arith.index_cast %add3A_167 : i32 to index
      %get3A_169 = tpu.vector_load %arg8[%get3A_168] {strides = array<i32>} : memref<12800xf32, #tpu.memory_space<vmem>>, vector<16xf32>,
      %get3A_170 = vector.shape_cast %get3A_169 : vector<16xf32> to vector<16xf32>
      %add3A_171 = arith.constant 128 : i32
      %add3A_172 = arith.addi %mul3A_131, %add3A_171 : i32
      %get3A_173 = arith.index_cast %add3A_172 : i32 to index
      %get3A_174 = tpu.vector_load %arg8[%get3A_173] {strides = array<i32>} : memref<12800xf32, #tpu.memory_space<vmem>>, vector<16xf32>,
      %get3A_175 = vector.shape_cast %get3A_174 : vector<16xf32> to vector<16xf32>
      %add3A_176 = arith.constant 144 : i32
      %add3A_177 = arith.addi %mul3A_131, %add3A_176 : i32
      %get3A_178 = arith.index_cast %add3A_177 : i32 to index
      %get3A_179 = tpu.vector_load %arg8[%get3A_178] {strides = array<i32>} : memref<12800xf32, #tpu.memory_space<vmem>>, vector<16xf32>,
      %get3A_180 = vector.shape_cast %get3A_179 : vector<16xf32> to vector<16xf32>
      %add3A_181 = arith.constant 160 : i32
      %add3A_182 = arith.addi %mul3A_131, %add3A_181 : i32
      %get3A_183 = arith.index_cast %add3A_182 : i32 to index
      %get3A_184 = tpu.vector_load %arg8[%get3A_183] {strides = array<i32>} : memref<12800xf32, #tpu.memory_space<vmem>>, vector<16xf32>,
      %get3A_185 = vector.shape_cast %get3A_184 : vector<16xf32> to vector<16xf32>
      %add3A_186 = arith.constant 176 : i32
      %add3A_187 = arith.addi %mul3A_131, %add3A_186 : i32
      %get3A_188 = arith.index_cast %add3A_187 : i32 to index
      %get3A_189 = tpu.vector_load %arg8[%get3A_188] {strides = array<i32>} : memref<12800xf32, #tpu.memory_space<vmem>>, vector<16xf32>,
      %get3A_190 = vector.shape_cast %get3A_189 : vector<16xf32> to vector<16xf32>
      %add3A_191 = arith.constant 192 : i32
      %add3A_192 = arith.addi %mul3A_131, %add3A_191 : i32
      %get3A_193 = arith.index_cast %add3A_192 : i32 to index
      %get3A_194 = tpu.vector_load %arg8[%get3A_193] {strides = array<i32>} : memref<12800xf32, #tpu.memory_space<vmem>>, vector<16xf32>,
      %get3A_195 = vector.shape_cast %get3A_194 : vector<16xf32> to vector<16xf32>
      %add3A_196 = arith.constant 208 : i32
      %add3A_197 = arith.addi %mul3A_131, %add3A_196 : i32
      %get3A_198 = arith.index_cast %add3A_197 : i32 to index
      %get3A_199 = tpu.vector_load %arg8[%get3A_198] {strides = array<i32>} : memref<12800xf32, #tpu.memory_space<vmem>>, vector<16xf32>,
      %get3A_200 = vector.shape_cast %get3A_199 : vector<16xf32> to vector<16xf32>
      %add3A_201 = arith.constant 224 : i32
      %add3A_202 = arith.addi %mul3A_131, %add3A_201 : i32
      %get3A_203 = arith.index_cast %add3A_202 : i32 to index
      %get3A_204 = tpu.vector_load %arg8[%get3A_203] {strides = array<i32>} : memref<12800xf32, #tpu.memory_space<vmem>>, vector<16xf32>,
      %get3A_205 = vector.shape_cast %get3A_204 : vector<16xf32> to vector<16xf32>
      %add3A_206 = arith.constant 240 : i32
      %add3A_207 = arith.addi %mul3A_131, %add3A_206 : i32
      %get3A_208 = arith.index_cast %add3A_207 : i32 to index
      %get3A_209 = tpu.vector_load %arg8[%get3A_208] {strides = array<i32>} : memref<12800xf32, #tpu.memory_space<vmem>>, vector<16xf32>,
      %get3A_210 = vector.shape_cast %get3A_209 : vector<16xf32> to vector<16xf32>
      %add3A_211 = arith.constant 256 : i32
      %add3A_212 = arith.addi %mul3A_131, %add3A_211 : i32
      %get3A_213 = arith.index_cast %add3A_212 : i32 to index
      %get3A_214 = tpu.vector_load %arg8[%get3A_213] {strides = array<i32>} : memref<12800xf32, #tpu.memory_space<vmem>>, vector<16xf32>,
      %get3A_215 = vector.shape_cast %get3A_214 : vector<16xf32> to vector<16xf32>
      %add3A_216 = arith.constant 272 : i32
      %add3A_217 = arith.addi %mul3A_131, %add3A_216 : i32
      %get3A_218 = arith.index_cast %add3A_217 : i32 to index
      %get3A_219 = tpu.vector_load %arg8[%get3A_218] {strides = array<i32>} : memref<12800xf32, #tpu.memory_space<vmem>>, vector<16xf32>,
      %get3A_220 = vector.shape_cast %get3A_219 : vector<16xf32> to vector<16xf32>
      %add3A_221 = arith.constant 288 : i32
      %add3A_222 = arith.addi %mul3A_131, %add3A_221 : i32
      %get3A_223 = arith.index_cast %add3A_222 : i32 to index
      %get3A_224 = tpu.vector_load %arg8[%get3A_223] {strides = array<i32>} : memref<12800xf32, #tpu.memory_space<vmem>>, vector<16xf32>,
      %get3A_225 = vector.shape_cast %get3A_224 : vector<16xf32> to vector<16xf32>
      %add3A_226 = arith.constant 304 : i32
      %add3A_227 = arith.addi %mul3A_131, %add3A_226 : i32
      %get3A_228 = arith.index_cast %add3A_227 : i32 to index
      %get3A_229 = tpu.vector_load %arg8[%get3A_228] {strides = array<i32>} : memref<12800xf32, #tpu.memory_space<vmem>>, vector<16xf32>,
      %get3A_230 = vector.shape_cast %get3A_229 : vector<16xf32> to vector<16xf32>
      %add3A_231 = arith.constant 320 : i32
      %add3A_232 = arith.addi %mul3A_131, %add3A_231 : i32
      %get3A_233 = arith.index_cast %add3A_232 : i32 to index
      %get3A_234 = tpu.vector_load %arg8[%get3A_233] {strides = array<i32>} : memref<12800xf32, #tpu.memory_space<vmem>>, vector<16xf32>,
      %get3A_235 = vector.shape_cast %get3A_234 : vector<16xf32> to vector<16xf32>
      %add3A_236 = arith.constant 336 : i32
      %add3A_237 = arith.addi %mul3A_131, %add3A_236 : i32
      %get3A_238 = arith.index_cast %add3A_237 : i32 to index
      %get3A_239 = tpu.vector_load %arg8[%get3A_238] {strides = array<i32>} : memref<12800xf32, #tpu.memory_space<vmem>>, vector<16xf32>,
      %get3A_240 = vector.shape_cast %get3A_239 : vector<16xf32> to vector<16xf32>
      %add3A_241 = arith.constant 352 : i32
      %add3A_242 = arith.addi %mul3A_131, %add3A_241 : i32
      %get3A_243 = arith.index_cast %add3A_242 : i32 to index
      %get3A_244 = tpu.vector_load %arg8[%get3A_243] {strides = array<i32>} : memref<12800xf32, #tpu.memory_space<vmem>>, vector<16xf32>,
      %get3A_245 = vector.shape_cast %get3A_244 : vector<16xf32> to vector<16xf32>
      %add3A_246 = arith.constant 368 : i32
      %add3A_247 = arith.addi %mul3A_131, %add3A_246 : i32
      %get3A_248 = arith.index_cast %add3A_247 : i32 to index
      %get3A_249 = tpu.vector_load %arg8[%get3A_248] {strides = array<i32>} : memref<12800xf32, #tpu.memory_space<vmem>>, vector<16xf32>,
      %get3A_250 = vector.shape_cast %get3A_249 : vector<16xf32> to vector<16xf32>
      %add3A_251 = arith.constant 384 : i32
      %add3A_252 = arith.addi %mul3A_131, %add3A_251 : i32
      %get3A_253 = arith.index_cast %add3A_252 : i32 to index
      %get3A_254 = tpu.vector_load %arg8[%get3A_253] {strides = array<i32>} : memref<12800xf32, #tpu.memory_space<vmem>>, vector<16xf32>,
      %get3A_255 = vector.shape_cast %get3A_254 : vector<16xf32> to vector<16xf32>
      %add3A_256 = arith.addf %get3A_135, %get3A_140 : vector<16xf32>
      %add3A_257 = arith.addf %add3A_256, %get3A_145 : vector<16xf32>
      %add3A_258 = arith.addf %add3A_257, %get3A_150 : vector<16xf32>
      %add3A_259 = arith.addf %add3A_258, %get3A_155 : vector<16xf32>
      %add3A_260 = arith.addf %add3A_259, %get3A_160 : vector<16xf32>
      %add3A_261 = arith.addf %add3A_260, %get3A_165 : vector<16xf32>
      %add3A_262 = arith.addf %add3A_261, %get3A_170 : vector<16xf32>
      %add3A_263 = arith.addf %add3A_262, %get3A_175 : vector<16xf32>
      %add3A_264 = arith.addf %add3A_263, %get3A_180 : vector<16xf32>
      %add3A_265 = arith.addf %add3A_264, %get3A_185 : vector<16xf32>
      %add3A_266 = arith.addf %add3A_265, %get3A_190 : vector<16xf32>
      %add3A_267 = arith.addf %get3A_200, %get3A_205 : vector<16xf32>
      %add3A_268 = arith.addf %add3A_267, %get3A_210 : vector<16xf32>
      %add3A_269 = arith.addf %add3A_268, %get3A_215 : vector<16xf32>
      %add3A_270 = arith.addf %add3A_269, %get3A_220 : vector<16xf32>
      %add3A_271 = arith.addf %add3A_270, %get3A_225 : vector<16xf32>
      %add3A_272 = arith.addf %add3A_271, %get3A_230 : vector<16xf32>
      %add3A_273 = arith.addf %add3A_272, %get3A_235 : vector<16xf32>
      %add3A_274 = arith.addf %add3A_273, %get3A_240 : vector<16xf32>
      %add3A_275 = arith.addf %add3A_274, %get3A_245 : vector<16xf32>
      %add3A_276 = arith.addf %add3A_275, %get3A_250 : vector<16xf32>
      %add3A_277 = arith.addf %add3A_276, %get3A_255 : vector<16xf32>
      %broadcast_in_dim3A = arith.constant 0.000000e+00 : f32
      %broadcast_in_dim3A_278 = vector.broadcast %broadcast_in_dim3A : f32 to vector<16xf32>
      %select_n3A = arith.select %lt3A_4, %get3A_195, %broadcast_in_dim3A_278 : vector<16xi1>, vector<16xf32>
      %add3A_279 = arith.addf %add3A_266, %select_n3A : vector<16xf32>
      %select_n3A_280 = arith.select %lt3A_4, %broadcast_in_dim3A_278, %get3A_195 : vector<16xi1>, vector<16xf32>
      %add3A_281 = arith.addf %add3A_277, %select_n3A_280 : vector<16xf32>
      %mul3A_282 = arith.constant 2 : i32
      %mul3A_283 = arith.muli %mul3A_282, %scan3A_128 : i32
      %add3A_284 = arith.constant 320 : i32
      %add3A_285 = arith.addi %add3A_284, %mul3A_283 : i32
      %mul3A_286 = arith.constant 16 : i32
      %mul3A_287 = arith.muli %add3A_285, %mul3A_286 : i32
      %swap3A = arith.index_cast %mul3A_287 : i32 to index
      %swap3A_288 = tpu.vector_load %arg9[%swap3A] {strides = array<i32>} : memref<8192xf32, #tpu.memory_space<vmem>>, vector<16xf32>,
      %swap3A_289 = vector.shape_cast %swap3A_288 : vector<16xf32> to vector<16xf32>
      %swap3A_290 = vector.shape_cast %add3A_279 : vector<16xf32> to vector<16xf32>
      tpu.vector_store %arg9[%swap3A], %swap3A_290 {strides = array<i32>} : memref<8192xf32, #tpu.memory_space<vmem>>, vector<16xf32>,
      %add3A_291 = arith.constant 16 : i32
      %add3A_292 = arith.addi %mul3A_287, %add3A_291 : i32
      %swap3A_293 = arith.index_cast %add3A_292 : i32 to index
      %swap3A_294 = tpu.vector_load %arg9[%swap3A_293] {strides = array<i32>} : memref<8192xf32, #tpu.memory_space<vmem>>, vector<16xf32>,
      %swap3A_295 = vector.shape_cast %swap3A_294 : vector<16xf32> to vector<16xf32>
      %swap3A_296 = vector.shape_cast %add3A_281 : vector<16xf32> to vector<16xf32>
      tpu.vector_store %arg9[%swap3A_293], %swap3A_296 {strides = array<i32>} : memref<8192xf32, #tpu.memory_space<vmem>>, vector<16xf32>,
      %scan3A_297 = arith.constant 0 : i32
      scf.yield %scan3A_297 : i32
    }
    %scan3A_101 = arith.constant 32 : i32
    %add3A_102 = arith.constant 448 : i32
    %add3A_103 = arith.addi %mul3A_2, %add3A_102 : i32
    %mul3A_104 = arith.constant 200 : i32
    %mul3A_105 = arith.muli %add3A_103, %mul3A_104 : i32
    "tpu.region"() ({
      %run_scoped3A = tpu.sem_alloc : memref<!tpu.dma_semaphore, #tpu.memory_space<semaphore_mem>>
      %dma_start3A_128 = tpu.memref_slice %arg3[%mul3A_105] : memref<3276800xi32, #tpu.memory_space<hbm>> -> memref<12800xi32, #tpu.memory_space<hbm>>
      %dma_start3A_129 = tpu.memref_slice %arg3[%mul3A_105] : memref<3276800xi32, #tpu.memory_space<hbm>> -> memref<12800xi32, #tpu.memory_space<hbm>>
      tpu.enqueue_dma source(%dma_start3A_129 : memref<12800xi32, #tpu.memory_space<hbm>>) target(%arg6 : memref<12800xi32, #tpu.memory_space<vmem>>) target_semaphore(%run_scoped3A : memref<!tpu.dma_semaphore, #tpu.memory_space<semaphore_mem>>)
      %dma_wait3A_130 = tpu.memref_slice %arg3[%mul3A_105] : memref<3276800xi32, #tpu.memory_space<hbm>> -> memref<12800xi32, #tpu.memory_space<hbm>>
      %dma_wait3A_131 = tpu.memref_slice %arg3[%mul3A_105] : memref<3276800xi32, #tpu.memory_space<hbm>> -> memref<12800xi32, #tpu.memory_space<hbm>>
      tpu.wait_dma2 semaphore(%run_scoped3A : memref<!tpu.dma_semaphore, #tpu.memory_space<semaphore_mem>>) src(%dma_wait3A_131 : memref<12800xi32, #tpu.memory_space<hbm>>) dst(%arg6 : memref<12800xi32, #tpu.memory_space<vmem>>)
      tpu.yield
    }) : () -> ()
    %dma_start3A_106 = arith.constant 0 : i32
    %dma_start3A_107 = tpu.memref_slice %arg10[%dma_start3A_106] : memref<1048576xf32, #tpu.memory_space<vmem_shared>> -> memref<1048576xf32, #tpu.memory_space<vmem_shared>>
    tpu.enqueue_indirect_dma source(%dma_start3A_107 : memref<1048576xf32, #tpu.memory_space<vmem_shared>>) target(%arg8 : memref<12800xf32, #tpu.memory_space<vmem>>) offsets(%arg6 : memref<12800xi32, #tpu.memory_space<vmem>>) semaphore(%arg12 : memref<!tpu.dma_semaphore, #tpu.memory_space<semaphore_mem>>)
    %dma_wait3A_108 = arith.constant 0 : i32
    %dma_wait3A_109 = tpu.memref_slice %arg10[%dma_wait3A_108] : memref<1048576xf32, #tpu.memory_space<vmem_shared>> -> memref<1048576xf32, #tpu.memory_space<vmem_shared>>
    tpu.wait_indirect_dma semaphore(%arg11 : memref<!tpu.dma_semaphore, #tpu.memory_space<semaphore_mem>>) src(%dma_wait3A_109 : memref<1048576xf32, #tpu.memory_space<vmem_shared>>) dst(%arg7 : memref<12800xf32, #tpu.memory_space<vmem>>)
    %scan3A_110 = arith.constant 0 : i32
    %scan3A_111 = arith.constant 0 : i32
    %scan3A_112 = arith.constant 32 : i32
    %scan3A_113 = arith.addi %scan3A_111, %scan3A_112 : i32
    %scan3A_114 = arith.constant 1 : i32
    %scan3A_115 = scf.for %scan3A_128 = %scan3A_111 to %scan3A_113 step %scan3A_114 iter_args(%scan3A_129 = %scan3A_110) -> (i32)  : i32 {
      %mul3A_130 = arith.constant 400 : i32
      %mul3A_131 = arith.muli %scan3A_128, %mul3A_130 : i32
      %add3A_132 = arith.constant 0 : i32
      %add3A_133 = arith.addi %mul3A_131, %add3A_132 : i32
      %get3A = arith.index_cast %add3A_133 : i32 to index
      %get3A_134 = tpu.vector_load %arg7[%get3A] {strides = array<i32>} : memref<12800xf32, #tpu.memory_space<vmem>>, vector<16xf32>,
      %get3A_135 = vector.shape_cast %get3A_134 : vector<16xf32> to vector<16xf32>
      %add3A_136 = arith.constant 16 : i32
      %add3A_137 = arith.addi %mul3A_131, %add3A_136 : i32
      %get3A_138 = arith.index_cast %add3A_137 : i32 to index
      %get3A_139 = tpu.vector_load %arg7[%get3A_138] {strides = array<i32>} : memref<12800xf32, #tpu.memory_space<vmem>>, vector<16xf32>,
      %get3A_140 = vector.shape_cast %get3A_139 : vector<16xf32> to vector<16xf32>
      %add3A_141 = arith.constant 32 : i32
      %add3A_142 = arith.addi %mul3A_131, %add3A_141 : i32
      %get3A_143 = arith.index_cast %add3A_142 : i32 to index
      %get3A_144 = tpu.vector_load %arg7[%get3A_143] {strides = array<i32>} : memref<12800xf32, #tpu.memory_space<vmem>>, vector<16xf32>,
      %get3A_145 = vector.shape_cast %get3A_144 : vector<16xf32> to vector<16xf32>
      %add3A_146 = arith.constant 48 : i32
      %add3A_147 = arith.addi %mul3A_131, %add3A_146 : i32
      %get3A_148 = arith.index_cast %add3A_147 : i32 to index
      %get3A_149 = tpu.vector_load %arg7[%get3A_148] {strides = array<i32>} : memref<12800xf32, #tpu.memory_space<vmem>>, vector<16xf32>,
      %get3A_150 = vector.shape_cast %get3A_149 : vector<16xf32> to vector<16xf32>
      %add3A_151 = arith.constant 64 : i32
      %add3A_152 = arith.addi %mul3A_131, %add3A_151 : i32
      %get3A_153 = arith.index_cast %add3A_152 : i32 to index
      %get3A_154 = tpu.vector_load %arg7[%get3A_153] {strides = array<i32>} : memref<12800xf32, #tpu.memory_space<vmem>>, vector<16xf32>,
      %get3A_155 = vector.shape_cast %get3A_154 : vector<16xf32> to vector<16xf32>
      %add3A_156 = arith.constant 80 : i32
      %add3A_157 = arith.addi %mul3A_131, %add3A_156 : i32
      %get3A_158 = arith.index_cast %add3A_157 : i32 to index
      %get3A_159 = tpu.vector_load %arg7[%get3A_158] {strides = array<i32>} : memref<12800xf32, #tpu.memory_space<vmem>>, vector<16xf32>,
      %get3A_160 = vector.shape_cast %get3A_159 : vector<16xf32> to vector<16xf32>
      %add3A_161 = arith.constant 96 : i32
      %add3A_162 = arith.addi %mul3A_131, %add3A_161 : i32
      %get3A_163 = arith.index_cast %add3A_162 : i32 to index
      %get3A_164 = tpu.vector_load %arg7[%get3A_163] {strides = array<i32>} : memref<12800xf32, #tpu.memory_space<vmem>>, vector<16xf32>,
      %get3A_165 = vector.shape_cast %get3A_164 : vector<16xf32> to vector<16xf32>
      %add3A_166 = arith.constant 112 : i32
      %add3A_167 = arith.addi %mul3A_131, %add3A_166 : i32
      %get3A_168 = arith.index_cast %add3A_167 : i32 to index
      %get3A_169 = tpu.vector_load %arg7[%get3A_168] {strides = array<i32>} : memref<12800xf32, #tpu.memory_space<vmem>>, vector<16xf32>,
      %get3A_170 = vector.shape_cast %get3A_169 : vector<16xf32> to vector<16xf32>
      %add3A_171 = arith.constant 128 : i32
      %add3A_172 = arith.addi %mul3A_131, %add3A_171 : i32
      %get3A_173 = arith.index_cast %add3A_172 : i32 to index
      %get3A_174 = tpu.vector_load %arg7[%get3A_173] {strides = array<i32>} : memref<12800xf32, #tpu.memory_space<vmem>>, vector<16xf32>,
      %get3A_175 = vector.shape_cast %get3A_174 : vector<16xf32> to vector<16xf32>
      %add3A_176 = arith.constant 144 : i32
      %add3A_177 = arith.addi %mul3A_131, %add3A_176 : i32
      %get3A_178 = arith.index_cast %add3A_177 : i32 to index
      %get3A_179 = tpu.vector_load %arg7[%get3A_178] {strides = array<i32>} : memref<12800xf32, #tpu.memory_space<vmem>>, vector<16xf32>,
      %get3A_180 = vector.shape_cast %get3A_179 : vector<16xf32> to vector<16xf32>
      %add3A_181 = arith.constant 160 : i32
      %add3A_182 = arith.addi %mul3A_131, %add3A_181 : i32
      %get3A_183 = arith.index_cast %add3A_182 : i32 to index
      %get3A_184 = tpu.vector_load %arg7[%get3A_183] {strides = array<i32>} : memref<12800xf32, #tpu.memory_space<vmem>>, vector<16xf32>,
      %get3A_185 = vector.shape_cast %get3A_184 : vector<16xf32> to vector<16xf32>
      %add3A_186 = arith.constant 176 : i32
      %add3A_187 = arith.addi %mul3A_131, %add3A_186 : i32
      %get3A_188 = arith.index_cast %add3A_187 : i32 to index
      %get3A_189 = tpu.vector_load %arg7[%get3A_188] {strides = array<i32>} : memref<12800xf32, #tpu.memory_space<vmem>>, vector<16xf32>,
      %get3A_190 = vector.shape_cast %get3A_189 : vector<16xf32> to vector<16xf32>
      %add3A_191 = arith.constant 192 : i32
      %add3A_192 = arith.addi %mul3A_131, %add3A_191 : i32
      %get3A_193 = arith.index_cast %add3A_192 : i32 to index
      %get3A_194 = tpu.vector_load %arg7[%get3A_193] {strides = array<i32>} : memref<12800xf32, #tpu.memory_space<vmem>>, vector<16xf32>,
      %get3A_195 = vector.shape_cast %get3A_194 : vector<16xf32> to vector<16xf32>
      %add3A_196 = arith.constant 208 : i32
      %add3A_197 = arith.addi %mul3A_131, %add3A_196 : i32
      %get3A_198 = arith.index_cast %add3A_197 : i32 to index
      %get3A_199 = tpu.vector_load %arg7[%get3A_198] {strides = array<i32>} : memref<12800xf32, #tpu.memory_space<vmem>>, vector<16xf32>,
      %get3A_200 = vector.shape_cast %get3A_199 : vector<16xf32> to vector<16xf32>
      %add3A_201 = arith.constant 224 : i32
      %add3A_202 = arith.addi %mul3A_131, %add3A_201 : i32
      %get3A_203 = arith.index_cast %add3A_202 : i32 to index
      %get3A_204 = tpu.vector_load %arg7[%get3A_203] {strides = array<i32>} : memref<12800xf32, #tpu.memory_space<vmem>>, vector<16xf32>,
      %get3A_205 = vector.shape_cast %get3A_204 : vector<16xf32> to vector<16xf32>
      %add3A_206 = arith.constant 240 : i32
      %add3A_207 = arith.addi %mul3A_131, %add3A_206 : i32
      %get3A_208 = arith.index_cast %add3A_207 : i32 to index
      %get3A_209 = tpu.vector_load %arg7[%get3A_208] {strides = array<i32>} : memref<12800xf32, #tpu.memory_space<vmem>>, vector<16xf32>,
      %get3A_210 = vector.shape_cast %get3A_209 : vector<16xf32> to vector<16xf32>
      %add3A_211 = arith.constant 256 : i32
      %add3A_212 = arith.addi %mul3A_131, %add3A_211 : i32
      %get3A_213 = arith.index_cast %add3A_212 : i32 to index
      %get3A_214 = tpu.vector_load %arg7[%get3A_213] {strides = array<i32>} : memref<12800xf32, #tpu.memory_space<vmem>>, vector<16xf32>,
      %get3A_215 = vector.shape_cast %get3A_214 : vector<16xf32> to vector<16xf32>
      %add3A_216 = arith.constant 272 : i32
      %add3A_217 = arith.addi %mul3A_131, %add3A_216 : i32
      %get3A_218 = arith.index_cast %add3A_217 : i32 to index
      %get3A_219 = tpu.vector_load %arg7[%get3A_218] {strides = array<i32>} : memref<12800xf32, #tpu.memory_space<vmem>>, vector<16xf32>,
      %get3A_220 = vector.shape_cast %get3A_219 : vector<16xf32> to vector<16xf32>
      %add3A_221 = arith.constant 288 : i32
      %add3A_222 = arith.addi %mul3A_131, %add3A_221 : i32
      %get3A_223 = arith.index_cast %add3A_222 : i32 to index
      %get3A_224 = tpu.vector_load %arg7[%get3A_223] {strides = array<i32>} : memref<12800xf32, #tpu.memory_space<vmem>>, vector<16xf32>,
      %get3A_225 = vector.shape_cast %get3A_224 : vector<16xf32> to vector<16xf32>
      %add3A_226 = arith.constant 304 : i32
      %add3A_227 = arith.addi %mul3A_131, %add3A_226 : i32
      %get3A_228 = arith.index_cast %add3A_227 : i32 to index
      %get3A_229 = tpu.vector_load %arg7[%get3A_228] {strides = array<i32>} : memref<12800xf32, #tpu.memory_space<vmem>>, vector<16xf32>,
      %get3A_230 = vector.shape_cast %get3A_229 : vector<16xf32> to vector<16xf32>
      %add3A_231 = arith.constant 320 : i32
      %add3A_232 = arith.addi %mul3A_131, %add3A_231 : i32
      %get3A_233 = arith.index_cast %add3A_232 : i32 to index
      %get3A_234 = tpu.vector_load %arg7[%get3A_233] {strides = array<i32>} : memref<12800xf32, #tpu.memory_space<vmem>>, vector<16xf32>,
      %get3A_235 = vector.shape_cast %get3A_234 : vector<16xf32> to vector<16xf32>
      %add3A_236 = arith.constant 336 : i32
      %add3A_237 = arith.addi %mul3A_131, %add3A_236 : i32
      %get3A_238 = arith.index_cast %add3A_237 : i32 to index
      %get3A_239 = tpu.vector_load %arg7[%get3A_238] {strides = array<i32>} : memref<12800xf32, #tpu.memory_space<vmem>>, vector<16xf32>,
      %get3A_240 = vector.shape_cast %get3A_239 : vector<16xf32> to vector<16xf32>
      %add3A_241 = arith.constant 352 : i32
      %add3A_242 = arith.addi %mul3A_131, %add3A_241 : i32
      %get3A_243 = arith.index_cast %add3A_242 : i32 to index
      %get3A_244 = tpu.vector_load %arg7[%get3A_243] {strides = array<i32>} : memref<12800xf32, #tpu.memory_space<vmem>>, vector<16xf32>,
      %get3A_245 = vector.shape_cast %get3A_244 : vector<16xf32> to vector<16xf32>
      %add3A_246 = arith.constant 368 : i32
      %add3A_247 = arith.addi %mul3A_131, %add3A_246 : i32
      %get3A_248 = arith.index_cast %add3A_247 : i32 to index
      %get3A_249 = tpu.vector_load %arg7[%get3A_248] {strides = array<i32>} : memref<12800xf32, #tpu.memory_space<vmem>>, vector<16xf32>,
      %get3A_250 = vector.shape_cast %get3A_249 : vector<16xf32> to vector<16xf32>
      %add3A_251 = arith.constant 384 : i32
      %add3A_252 = arith.addi %mul3A_131, %add3A_251 : i32
      %get3A_253 = arith.index_cast %add3A_252 : i32 to index
      %get3A_254 = tpu.vector_load %arg7[%get3A_253] {strides = array<i32>} : memref<12800xf32, #tpu.memory_space<vmem>>, vector<16xf32>,
      %get3A_255 = vector.shape_cast %get3A_254 : vector<16xf32> to vector<16xf32>
      %add3A_256 = arith.addf %get3A_135, %get3A_140 : vector<16xf32>
      %add3A_257 = arith.addf %add3A_256, %get3A_145 : vector<16xf32>
      %add3A_258 = arith.addf %add3A_257, %get3A_150 : vector<16xf32>
      %add3A_259 = arith.addf %add3A_258, %get3A_155 : vector<16xf32>
      %add3A_260 = arith.addf %add3A_259, %get3A_160 : vector<16xf32>
      %add3A_261 = arith.addf %add3A_260, %get3A_165 : vector<16xf32>
      %add3A_262 = arith.addf %add3A_261, %get3A_170 : vector<16xf32>
      %add3A_263 = arith.addf %add3A_262, %get3A_175 : vector<16xf32>
      %add3A_264 = arith.addf %add3A_263, %get3A_180 : vector<16xf32>
      %add3A_265 = arith.addf %add3A_264, %get3A_185 : vector<16xf32>
      %add3A_266 = arith.addf %add3A_265, %get3A_190 : vector<16xf32>
      %add3A_267 = arith.addf %get3A_200, %get3A_205 : vector<16xf32>
      %add3A_268 = arith.addf %add3A_267, %get3A_210 : vector<16xf32>
      %add3A_269 = arith.addf %add3A_268, %get3A_215 : vector<16xf32>
      %add3A_270 = arith.addf %add3A_269, %get3A_220 : vector<16xf32>
      %add3A_271 = arith.addf %add3A_270, %get3A_225 : vector<16xf32>
      %add3A_272 = arith.addf %add3A_271, %get3A_230 : vector<16xf32>
      %add3A_273 = arith.addf %add3A_272, %get3A_235 : vector<16xf32>
      %add3A_274 = arith.addf %add3A_273, %get3A_240 : vector<16xf32>
      %add3A_275 = arith.addf %add3A_274, %get3A_245 : vector<16xf32>
      %add3A_276 = arith.addf %add3A_275, %get3A_250 : vector<16xf32>
      %add3A_277 = arith.addf %add3A_276, %get3A_255 : vector<16xf32>
      %broadcast_in_dim3A = arith.constant 0.000000e+00 : f32
      %broadcast_in_dim3A_278 = vector.broadcast %broadcast_in_dim3A : f32 to vector<16xf32>
      %select_n3A = arith.select %lt3A_4, %get3A_195, %broadcast_in_dim3A_278 : vector<16xi1>, vector<16xf32>
      %add3A_279 = arith.addf %add3A_266, %select_n3A : vector<16xf32>
      %select_n3A_280 = arith.select %lt3A_4, %broadcast_in_dim3A_278, %get3A_195 : vector<16xi1>, vector<16xf32>
      %add3A_281 = arith.addf %add3A_277, %select_n3A_280 : vector<16xf32>
      %mul3A_282 = arith.constant 2 : i32
      %mul3A_283 = arith.muli %mul3A_282, %scan3A_128 : i32
      %add3A_284 = arith.constant 384 : i32
      %add3A_285 = arith.addi %add3A_284, %mul3A_283 : i32
      %mul3A_286 = arith.constant 16 : i32
      %mul3A_287 = arith.muli %add3A_285, %mul3A_286 : i32
      %swap3A = arith.index_cast %mul3A_287 : i32 to index
      %swap3A_288 = tpu.vector_load %arg9[%swap3A] {strides = array<i32>} : memref<8192xf32, #tpu.memory_space<vmem>>, vector<16xf32>,
      %swap3A_289 = vector.shape_cast %swap3A_288 : vector<16xf32> to vector<16xf32>
      %swap3A_290 = vector.shape_cast %add3A_279 : vector<16xf32> to vector<16xf32>
      tpu.vector_store %arg9[%swap3A], %swap3A_290 {strides = array<i32>} : memref<8192xf32, #tpu.memory_space<vmem>>, vector<16xf32>,
      %add3A_291 = arith.constant 16 : i32
      %add3A_292 = arith.addi %mul3A_287, %add3A_291 : i32
      %swap3A_293 = arith.index_cast %add3A_292 : i32 to index
      %swap3A_294 = tpu.vector_load %arg9[%swap3A_293] {strides = array<i32>} : memref<8192xf32, #tpu.memory_space<vmem>>, vector<16xf32>,
      %swap3A_295 = vector.shape_cast %swap3A_294 : vector<16xf32> to vector<16xf32>
      %swap3A_296 = vector.shape_cast %add3A_281 : vector<16xf32> to vector<16xf32>
      tpu.vector_store %arg9[%swap3A_293], %swap3A_296 {strides = array<i32>} : memref<8192xf32, #tpu.memory_space<vmem>>, vector<16xf32>,
      %scan3A_297 = arith.constant 0 : i32
      scf.yield %scan3A_297 : i32
    }
    %scan3A_116 = arith.constant 32 : i32
    %dma_wait3A_117 = arith.constant 0 : i32
    %dma_wait3A_118 = tpu.memref_slice %arg10[%dma_wait3A_117] : memref<1048576xf32, #tpu.memory_space<vmem_shared>> -> memref<1048576xf32, #tpu.memory_space<vmem_shared>>
    tpu.wait_indirect_dma semaphore(%arg12 : memref<!tpu.dma_semaphore, #tpu.memory_space<semaphore_mem>>) src(%dma_wait3A_118 : memref<1048576xf32, #tpu.memory_space<vmem_shared>>) dst(%arg8 : memref<12800xf32, #tpu.memory_space<vmem>>)
    %scan3A_119 = arith.constant 0 : i32
    %scan3A_120 = arith.constant 0 : i32
    %scan3A_121 = arith.constant 32 : i32
    %scan3A_122 = arith.addi %scan3A_120, %scan3A_121 : i32
    %scan3A_123 = arith.constant 1 : i32
    %scan3A_124 = scf.for %scan3A_128 = %scan3A_120 to %scan3A_122 step %scan3A_123 iter_args(%scan3A_129 = %scan3A_119) -> (i32)  : i32 {
      %mul3A_130 = arith.constant 400 : i32
      %mul3A_131 = arith.muli %scan3A_128, %mul3A_130 : i32
      %add3A_132 = arith.constant 0 : i32
      %add3A_133 = arith.addi %mul3A_131, %add3A_132 : i32
      %get3A = arith.index_cast %add3A_133 : i32 to index
      %get3A_134 = tpu.vector_load %arg8[%get3A] {strides = array<i32>} : memref<12800xf32, #tpu.memory_space<vmem>>, vector<16xf32>,
      %get3A_135 = vector.shape_cast %get3A_134 : vector<16xf32> to vector<16xf32>
      %add3A_136 = arith.constant 16 : i32
      %add3A_137 = arith.addi %mul3A_131, %add3A_136 : i32
      %get3A_138 = arith.index_cast %add3A_137 : i32 to index
      %get3A_139 = tpu.vector_load %arg8[%get3A_138] {strides = array<i32>} : memref<12800xf32, #tpu.memory_space<vmem>>, vector<16xf32>,
      %get3A_140 = vector.shape_cast %get3A_139 : vector<16xf32> to vector<16xf32>
      %add3A_141 = arith.constant 32 : i32
      %add3A_142 = arith.addi %mul3A_131, %add3A_141 : i32
      %get3A_143 = arith.index_cast %add3A_142 : i32 to index
      %get3A_144 = tpu.vector_load %arg8[%get3A_143] {strides = array<i32>} : memref<12800xf32, #tpu.memory_space<vmem>>, vector<16xf32>,
      %get3A_145 = vector.shape_cast %get3A_144 : vector<16xf32> to vector<16xf32>
      %add3A_146 = arith.constant 48 : i32
      %add3A_147 = arith.addi %mul3A_131, %add3A_146 : i32
      %get3A_148 = arith.index_cast %add3A_147 : i32 to index
      %get3A_149 = tpu.vector_load %arg8[%get3A_148] {strides = array<i32>} : memref<12800xf32, #tpu.memory_space<vmem>>, vector<16xf32>,
      %get3A_150 = vector.shape_cast %get3A_149 : vector<16xf32> to vector<16xf32>
      %add3A_151 = arith.constant 64 : i32
      %add3A_152 = arith.addi %mul3A_131, %add3A_151 : i32
      %get3A_153 = arith.index_cast %add3A_152 : i32 to index
      %get3A_154 = tpu.vector_load %arg8[%get3A_153] {strides = array<i32>} : memref<12800xf32, #tpu.memory_space<vmem>>, vector<16xf32>,
      %get3A_155 = vector.shape_cast %get3A_154 : vector<16xf32> to vector<16xf32>
      %add3A_156 = arith.constant 80 : i32
      %add3A_157 = arith.addi %mul3A_131, %add3A_156 : i32
      %get3A_158 = arith.index_cast %add3A_157 : i32 to index
      %get3A_159 = tpu.vector_load %arg8[%get3A_158] {strides = array<i32>} : memref<12800xf32, #tpu.memory_space<vmem>>, vector<16xf32>,
      %get3A_160 = vector.shape_cast %get3A_159 : vector<16xf32> to vector<16xf32>
      %add3A_161 = arith.constant 96 : i32
      %add3A_162 = arith.addi %mul3A_131, %add3A_161 : i32
      %get3A_163 = arith.index_cast %add3A_162 : i32 to index
      %get3A_164 = tpu.vector_load %arg8[%get3A_163] {strides = array<i32>} : memref<12800xf32, #tpu.memory_space<vmem>>, vector<16xf32>,
      %get3A_165 = vector.shape_cast %get3A_164 : vector<16xf32> to vector<16xf32>
      %add3A_166 = arith.constant 112 : i32
      %add3A_167 = arith.addi %mul3A_131, %add3A_166 : i32
      %get3A_168 = arith.index_cast %add3A_167 : i32 to index
      %get3A_169 = tpu.vector_load %arg8[%get3A_168] {strides = array<i32>} : memref<12800xf32, #tpu.memory_space<vmem>>, vector<16xf32>,
      %get3A_170 = vector.shape_cast %get3A_169 : vector<16xf32> to vector<16xf32>
      %add3A_171 = arith.constant 128 : i32
      %add3A_172 = arith.addi %mul3A_131, %add3A_171 : i32
      %get3A_173 = arith.index_cast %add3A_172 : i32 to index
      %get3A_174 = tpu.vector_load %arg8[%get3A_173] {strides = array<i32>} : memref<12800xf32, #tpu.memory_space<vmem>>, vector<16xf32>,
      %get3A_175 = vector.shape_cast %get3A_174 : vector<16xf32> to vector<16xf32>
      %add3A_176 = arith.constant 144 : i32
      %add3A_177 = arith.addi %mul3A_131, %add3A_176 : i32
      %get3A_178 = arith.index_cast %add3A_177 : i32 to index
      %get3A_179 = tpu.vector_load %arg8[%get3A_178] {strides = array<i32>} : memref<12800xf32, #tpu.memory_space<vmem>>, vector<16xf32>,
      %get3A_180 = vector.shape_cast %get3A_179 : vector<16xf32> to vector<16xf32>
      %add3A_181 = arith.constant 160 : i32
      %add3A_182 = arith.addi %mul3A_131, %add3A_181 : i32
      %get3A_183 = arith.index_cast %add3A_182 : i32 to index
      %get3A_184 = tpu.vector_load %arg8[%get3A_183] {strides = array<i32>} : memref<12800xf32, #tpu.memory_space<vmem>>, vector<16xf32>,
      %get3A_185 = vector.shape_cast %get3A_184 : vector<16xf32> to vector<16xf32>
      %add3A_186 = arith.constant 176 : i32
      %add3A_187 = arith.addi %mul3A_131, %add3A_186 : i32
      %get3A_188 = arith.index_cast %add3A_187 : i32 to index
      %get3A_189 = tpu.vector_load %arg8[%get3A_188] {strides = array<i32>} : memref<12800xf32, #tpu.memory_space<vmem>>, vector<16xf32>,
      %get3A_190 = vector.shape_cast %get3A_189 : vector<16xf32> to vector<16xf32>
      %add3A_191 = arith.constant 192 : i32
      %add3A_192 = arith.addi %mul3A_131, %add3A_191 : i32
      %get3A_193 = arith.index_cast %add3A_192 : i32 to index
      %get3A_194 = tpu.vector_load %arg8[%get3A_193] {strides = array<i32>} : memref<12800xf32, #tpu.memory_space<vmem>>, vector<16xf32>,
      %get3A_195 = vector.shape_cast %get3A_194 : vector<16xf32> to vector<16xf32>
      %add3A_196 = arith.constant 208 : i32
      %add3A_197 = arith.addi %mul3A_131, %add3A_196 : i32
      %get3A_198 = arith.index_cast %add3A_197 : i32 to index
      %get3A_199 = tpu.vector_load %arg8[%get3A_198] {strides = array<i32>} : memref<12800xf32, #tpu.memory_space<vmem>>, vector<16xf32>,
      %get3A_200 = vector.shape_cast %get3A_199 : vector<16xf32> to vector<16xf32>
      %add3A_201 = arith.constant 224 : i32
      %add3A_202 = arith.addi %mul3A_131, %add3A_201 : i32
      %get3A_203 = arith.index_cast %add3A_202 : i32 to index
      %get3A_204 = tpu.vector_load %arg8[%get3A_203] {strides = array<i32>} : memref<12800xf32, #tpu.memory_space<vmem>>, vector<16xf32>,
      %get3A_205 = vector.shape_cast %get3A_204 : vector<16xf32> to vector<16xf32>
      %add3A_206 = arith.constant 240 : i32
      %add3A_207 = arith.addi %mul3A_131, %add3A_206 : i32
      %get3A_208 = arith.index_cast %add3A_207 : i32 to index
      %get3A_209 = tpu.vector_load %arg8[%get3A_208] {strides = array<i32>} : memref<12800xf32, #tpu.memory_space<vmem>>, vector<16xf32>,
      %get3A_210 = vector.shape_cast %get3A_209 : vector<16xf32> to vector<16xf32>
      %add3A_211 = arith.constant 256 : i32
      %add3A_212 = arith.addi %mul3A_131, %add3A_211 : i32
      %get3A_213 = arith.index_cast %add3A_212 : i32 to index
      %get3A_214 = tpu.vector_load %arg8[%get3A_213] {strides = array<i32>} : memref<12800xf32, #tpu.memory_space<vmem>>, vector<16xf32>,
      %get3A_215 = vector.shape_cast %get3A_214 : vector<16xf32> to vector<16xf32>
      %add3A_216 = arith.constant 272 : i32
      %add3A_217 = arith.addi %mul3A_131, %add3A_216 : i32
      %get3A_218 = arith.index_cast %add3A_217 : i32 to index
      %get3A_219 = tpu.vector_load %arg8[%get3A_218] {strides = array<i32>} : memref<12800xf32, #tpu.memory_space<vmem>>, vector<16xf32>,
      %get3A_220 = vector.shape_cast %get3A_219 : vector<16xf32> to vector<16xf32>
      %add3A_221 = arith.constant 288 : i32
      %add3A_222 = arith.addi %mul3A_131, %add3A_221 : i32
      %get3A_223 = arith.index_cast %add3A_222 : i32 to index
      %get3A_224 = tpu.vector_load %arg8[%get3A_223] {strides = array<i32>} : memref<12800xf32, #tpu.memory_space<vmem>>, vector<16xf32>,
      %get3A_225 = vector.shape_cast %get3A_224 : vector<16xf32> to vector<16xf32>
      %add3A_226 = arith.constant 304 : i32
      %add3A_227 = arith.addi %mul3A_131, %add3A_226 : i32
      %get3A_228 = arith.index_cast %add3A_227 : i32 to index
      %get3A_229 = tpu.vector_load %arg8[%get3A_228] {strides = array<i32>} : memref<12800xf32, #tpu.memory_space<vmem>>, vector<16xf32>,
      %get3A_230 = vector.shape_cast %get3A_229 : vector<16xf32> to vector<16xf32>
      %add3A_231 = arith.constant 320 : i32
      %add3A_232 = arith.addi %mul3A_131, %add3A_231 : i32
      %get3A_233 = arith.index_cast %add3A_232 : i32 to index
      %get3A_234 = tpu.vector_load %arg8[%get3A_233] {strides = array<i32>} : memref<12800xf32, #tpu.memory_space<vmem>>, vector<16xf32>,
      %get3A_235 = vector.shape_cast %get3A_234 : vector<16xf32> to vector<16xf32>
      %add3A_236 = arith.constant 336 : i32
      %add3A_237 = arith.addi %mul3A_131, %add3A_236 : i32
      %get3A_238 = arith.index_cast %add3A_237 : i32 to index
      %get3A_239 = tpu.vector_load %arg8[%get3A_238] {strides = array<i32>} : memref<12800xf32, #tpu.memory_space<vmem>>, vector<16xf32>,
      %get3A_240 = vector.shape_cast %get3A_239 : vector<16xf32> to vector<16xf32>
      %add3A_241 = arith.constant 352 : i32
      %add3A_242 = arith.addi %mul3A_131, %add3A_241 : i32
      %get3A_243 = arith.index_cast %add3A_242 : i32 to index
      %get3A_244 = tpu.vector_load %arg8[%get3A_243] {strides = array<i32>} : memref<12800xf32, #tpu.memory_space<vmem>>, vector<16xf32>,
      %get3A_245 = vector.shape_cast %get3A_244 : vector<16xf32> to vector<16xf32>
      %add3A_246 = arith.constant 368 : i32
      %add3A_247 = arith.addi %mul3A_131, %add3A_246 : i32
      %get3A_248 = arith.index_cast %add3A_247 : i32 to index
      %get3A_249 = tpu.vector_load %arg8[%get3A_248] {strides = array<i32>} : memref<12800xf32, #tpu.memory_space<vmem>>, vector<16xf32>,
      %get3A_250 = vector.shape_cast %get3A_249 : vector<16xf32> to vector<16xf32>
      %add3A_251 = arith.constant 384 : i32
      %add3A_252 = arith.addi %mul3A_131, %add3A_251 : i32
      %get3A_253 = arith.index_cast %add3A_252 : i32 to index
      %get3A_254 = tpu.vector_load %arg8[%get3A_253] {strides = array<i32>} : memref<12800xf32, #tpu.memory_space<vmem>>, vector<16xf32>,
      %get3A_255 = vector.shape_cast %get3A_254 : vector<16xf32> to vector<16xf32>
      %add3A_256 = arith.addf %get3A_135, %get3A_140 : vector<16xf32>
      %add3A_257 = arith.addf %add3A_256, %get3A_145 : vector<16xf32>
      %add3A_258 = arith.addf %add3A_257, %get3A_150 : vector<16xf32>
      %add3A_259 = arith.addf %add3A_258, %get3A_155 : vector<16xf32>
      %add3A_260 = arith.addf %add3A_259, %get3A_160 : vector<16xf32>
      %add3A_261 = arith.addf %add3A_260, %get3A_165 : vector<16xf32>
      %add3A_262 = arith.addf %add3A_261, %get3A_170 : vector<16xf32>
      %add3A_263 = arith.addf %add3A_262, %get3A_175 : vector<16xf32>
      %add3A_264 = arith.addf %add3A_263, %get3A_180 : vector<16xf32>
      %add3A_265 = arith.addf %add3A_264, %get3A_185 : vector<16xf32>
      %add3A_266 = arith.addf %add3A_265, %get3A_190 : vector<16xf32>
      %add3A_267 = arith.addf %get3A_200, %get3A_205 : vector<16xf32>
      %add3A_268 = arith.addf %add3A_267, %get3A_210 : vector<16xf32>
      %add3A_269 = arith.addf %add3A_268, %get3A_215 : vector<16xf32>
      %add3A_270 = arith.addf %add3A_269, %get3A_220 : vector<16xf32>
      %add3A_271 = arith.addf %add3A_270, %get3A_225 : vector<16xf32>
      %add3A_272 = arith.addf %add3A_271, %get3A_230 : vector<16xf32>
      %add3A_273 = arith.addf %add3A_272, %get3A_235 : vector<16xf32>
      %add3A_274 = arith.addf %add3A_273, %get3A_240 : vector<16xf32>
      %add3A_275 = arith.addf %add3A_274, %get3A_245 : vector<16xf32>
      %add3A_276 = arith.addf %add3A_275, %get3A_250 : vector<16xf32>
      %add3A_277 = arith.addf %add3A_276, %get3A_255 : vector<16xf32>
      %broadcast_in_dim3A = arith.constant 0.000000e+00 : f32
      %broadcast_in_dim3A_278 = vector.broadcast %broadcast_in_dim3A : f32 to vector<16xf32>
      %select_n3A = arith.select %lt3A_4, %get3A_195, %broadcast_in_dim3A_278 : vector<16xi1>, vector<16xf32>
      %add3A_279 = arith.addf %add3A_266, %select_n3A : vector<16xf32>
      %select_n3A_280 = arith.select %lt3A_4, %broadcast_in_dim3A_278, %get3A_195 : vector<16xi1>, vector<16xf32>
      %add3A_281 = arith.addf %add3A_277, %select_n3A_280 : vector<16xf32>
      %mul3A_282 = arith.constant 2 : i32
      %mul3A_283 = arith.muli %mul3A_282, %scan3A_128 : i32
      %add3A_284 = arith.constant 448 : i32
      %add3A_285 = arith.addi %add3A_284, %mul3A_283 : i32
      %mul3A_286 = arith.constant 16 : i32
      %mul3A_287 = arith.muli %add3A_285, %mul3A_286 : i32
      %swap3A = arith.index_cast %mul3A_287 : i32 to index
      %swap3A_288 = tpu.vector_load %arg9[%swap3A] {strides = array<i32>} : memref<8192xf32, #tpu.memory_space<vmem>>, vector<16xf32>,
      %swap3A_289 = vector.shape_cast %swap3A_288 : vector<16xf32> to vector<16xf32>
      %swap3A_290 = vector.shape_cast %add3A_279 : vector<16xf32> to vector<16xf32>
      tpu.vector_store %arg9[%swap3A], %swap3A_290 {strides = array<i32>} : memref<8192xf32, #tpu.memory_space<vmem>>, vector<16xf32>,
      %add3A_291 = arith.constant 16 : i32
      %add3A_292 = arith.addi %mul3A_287, %add3A_291 : i32
      %swap3A_293 = arith.index_cast %add3A_292 : i32 to index
      %swap3A_294 = tpu.vector_load %arg9[%swap3A_293] {strides = array<i32>} : memref<8192xf32, #tpu.memory_space<vmem>>, vector<16xf32>,
      %swap3A_295 = vector.shape_cast %swap3A_294 : vector<16xf32> to vector<16xf32>
      %swap3A_296 = vector.shape_cast %add3A_281 : vector<16xf32> to vector<16xf32>
      tpu.vector_store %arg9[%swap3A_293], %swap3A_296 {strides = array<i32>} : memref<8192xf32, #tpu.memory_space<vmem>>, vector<16xf32>,
      %scan3A_297 = arith.constant 0 : i32
      scf.yield %scan3A_297 : i32
    }
    %scan3A_125 = arith.constant 32 : i32
    %mul3A_126 = arith.constant 16 : i32
    %mul3A_127 = arith.muli %mul3A_2, %mul3A_126 : i32
    "tpu.region"() ({
      %run_scoped3A = tpu.sem_alloc : memref<!tpu.dma_semaphore, #tpu.memory_space<semaphore_mem>>
      %dma_start3A_128 = tpu.memref_slice %arg4[%mul3A_127] : memref<262144xf32, #tpu.memory_space<hbm>> -> memref<8192xf32, #tpu.memory_space<hbm>>
      %dma_start3A_129 = tpu.memref_slice %arg4[%mul3A_127] : memref<262144xf32, #tpu.memory_space<hbm>> -> memref<8192xf32, #tpu.memory_space<hbm>>
      tpu.enqueue_dma source(%arg9 : memref<8192xf32, #tpu.memory_space<vmem>>) target(%dma_start3A_129 : memref<8192xf32, #tpu.memory_space<hbm>>) target_semaphore(%run_scoped3A : memref<!tpu.dma_semaphore, #tpu.memory_space<semaphore_mem>>)
      %dma_wait3A_130 = tpu.memref_slice %arg4[%mul3A_127] : memref<262144xf32, #tpu.memory_space<hbm>> -> memref<8192xf32, #tpu.memory_space<hbm>>
      %dma_wait3A_131 = tpu.memref_slice %arg4[%mul3A_127] : memref<262144xf32, #tpu.memory_space<hbm>> -> memref<8192xf32, #tpu.memory_space<hbm>>
      tpu.wait_dma2 semaphore(%run_scoped3A : memref<!tpu.dma_semaphore, #tpu.memory_space<semaphore_mem>>) src(%arg9 : memref<8192xf32, #tpu.memory_space<vmem>>) dst(%dma_wait3A_131 : memref<8192xf32, #tpu.memory_space<hbm>>)
      tpu.yield
    }) : () -> ()
    return
  }
}

module attributes {stable_mosaic.version = 14 : i64} {
  func.func @_table_dot_body(%arg0: i32, %arg1: memref<2048x128xf32, #tpu.memory_space<vmem>>, %arg2: memref<512x2048xf32, #tpu.memory_space<vmem>>, %arg3: memref<512x128xf32, #tpu.memory_space<vmem>>) attributes {dimension_semantics = [#tpu.dimension_semantics<arbitrary>], iteration_bounds = array<i64: 16>, scalar_prefetch = 0 : i64, scratch_operands = 0 : i64, tpu.core_type = #tpu.core_type<tc>, window_params = [{pipeline_mode = #tpu.pipeline_mode<synchronous>, transform_indices = @transform_0, window_bounds = array<i64: 2048, 128>}, {transform_indices = @transform_1, window_bounds = array<i64: 512, 2048>}, {transform_indices = @transform_2, window_bounds = array<i64: 512, 128>}]} {
    %get3A = arith.constant 0 : index
    %get3A_0 = arith.constant 0 : index
    %get3A_1 = vector.load %arg2[%get3A, %get3A_0] : memref<512x2048xf32, #tpu.memory_space<vmem>>, vector<512x2048xf32>
    %get3A_2 = arith.constant 0 : index
    %get3A_3 = arith.constant 0 : index
    %get3A_4 = vector.load %arg1[%get3A_2, %get3A_3] : memref<2048x128xf32, #tpu.memory_space<vmem>>, vector<2048x128xf32>
    %dot_general3A = arith.constant dense<0.000000e+00> : vector<512x128xf32>
    %dot_general3A_5 = tpu.matmul %get3A_1, %get3A_4, %dot_general3A {dimension_numbers = #tpu.dot_dimension_numbers<[1], [0], [0], [1], [0, 0, 1, 1], [], []>, transpose_lhs_hint = false} : vector<512x2048xf32>, vector<2048x128xf32>, vector<512x128xf32> -> vector<512x128xf32>
    %swap3A = arith.constant 0 : index
    %swap3A_6 = arith.constant 0 : index
    %swap3A_7 = vector.load %arg3[%swap3A, %swap3A_6] : memref<512x128xf32, #tpu.memory_space<vmem>>, vector<512x128xf32>
    tpu.vector_store %arg3[%swap3A, %swap3A_6], %dot_general3A_5 {strides = array<i32>} : memref<512x128xf32, #tpu.memory_space<vmem>>, vector<512x128xf32>,
    return
  }
  func.func @transform_0(%arg0: i32) -> (i32, i32) {
    %c0_i32 = arith.constant 0 : i32
    %c0_i32_0 = arith.constant 0 : i32
    %c0_i32_1 = arith.constant 0 : i32
    return %c0_i32, %c0_i32_0 : i32, i32
  }
  func.func @transform_1(%arg0: i32) -> (i32, i32) {
    %c0_i32 = arith.constant 0 : i32
    %c0_i32_0 = arith.constant 0 : i32
    return %arg0, %c0_i32 : i32, i32
  }
  func.func @transform_2(%arg0: i32) -> (i32, i32) {
    %c0_i32 = arith.constant 0 : i32
    %c0_i32_0 = arith.constant 0 : i32
    return %arg0, %c0_i32 : i32, i32
  }
}

module attributes {stable_mosaic.version = 14 : i64} {
  func.func @_finish_body(%arg0: memref<128x8xf32, #tpu.memory_space<vmem>>, %arg1: memref<1xf32, #tpu.memory_space<smem>>, %arg2: memref<2048x128xf32, #tpu.memory_space<vmem>>, %arg3: memref<2048x8xf32, #tpu.memory_space<vmem>>) attributes {dimension_semantics = [], scalar_prefetch = 0 : i64, scratch_operands = 0 : i64, tpu.core_type = #tpu.core_type<tc>} {
    %get3A = arith.constant 0 : index
    %get3A_0 = arith.constant 0 : index
    %get3A_1 = vector.load %arg2[%get3A, %get3A_0] : memref<2048x128xf32, #tpu.memory_space<vmem>>, vector<2048x128xf32>
    %get3A_2 = arith.constant 0 : index
    %get3A_3 = arith.constant 0 : index
    %get3A_4 = vector.load %arg0[%get3A_2, %get3A_3] : memref<128x8xf32, #tpu.memory_space<vmem>>, vector<128x8xf32>
    %dot_general3A = arith.constant dense<0.000000e+00> : vector<2048x8xf32>
    %dot_general3A_5 = tpu.matmul %get3A_1, %get3A_4, %dot_general3A {dimension_numbers = #tpu.dot_dimension_numbers<[1], [0], [0], [1], [0, 0, 1, 1], [], []>, transpose_lhs_hint = false} : vector<2048x128xf32>, vector<128x8xf32>, vector<2048x8xf32> -> vector<2048x8xf32>
    %get3A_6 = arith.constant 0 : index
    %get3A_7 = memref.load %arg1[%get3A_6] : memref<1xf32, #tpu.memory_space<smem>>
    %add3A = vector.broadcast %get3A_7 : f32 to vector<2048x8xf32>
    %add3A_8 = arith.addf %dot_general3A_5, %add3A : vector<2048x8xf32>
    %neg3A = arith.constant 0.000000e+00 : f32
    %neg3A_9 = vector.broadcast %neg3A : f32 to vector<2048x8xf32>
    %neg3A_10 = arith.subf %neg3A_9, %add3A_8 : vector<2048x8xf32>
    %exp3A = math.exp %neg3A_10 : vector<2048x8xf32>
    %add3A_11 = arith.constant 1.000000e+00 : f32
    %add3A_12 = vector.broadcast %add3A_11 : f32 to vector<2048x8xf32>
    %add3A_13 = arith.addf %add3A_12, %exp3A : vector<2048x8xf32>
    %div3A = arith.constant 1.000000e+00 : f32
    %div3A_14 = vector.broadcast %div3A : f32 to vector<2048x8xf32>
    %div3A_15 = arith.divf %div3A_14, %add3A_13 : vector<2048x8xf32>
    %mul3A = arith.constant 1.000000e+04 : f32
    %mul3A_16 = vector.broadcast %mul3A : f32 to vector<2048x8xf32>
    %mul3A_17 = arith.mulf %div3A_15, %mul3A_16 : vector<2048x8xf32>
    %add3A_18 = arith.constant 0x4B000000 : f32
    %add3A_19 = vector.broadcast %add3A_18 : f32 to vector<2048x8xf32>
    %add3A_20 = arith.addf %mul3A_17, %add3A_19 : vector<2048x8xf32>
    %sub3A = arith.constant 0x4B000000 : f32
    %sub3A_21 = vector.broadcast %sub3A : f32 to vector<2048x8xf32>
    %sub3A_22 = arith.subf %add3A_20, %sub3A_21 : vector<2048x8xf32>
    %div3A_23 = arith.constant 1.000000e+04 : f32
    %div3A_24 = vector.broadcast %div3A_23 : f32 to vector<2048x8xf32>
    %div3A_25 = arith.divf %sub3A_22, %div3A_24 : vector<2048x8xf32>
    %swap3A = arith.constant 0 : index
    %swap3A_26 = arith.constant 0 : index
    %swap3A_27 = vector.load %arg3[%swap3A, %swap3A_26] : memref<2048x8xf32, #tpu.memory_space<vmem>>, vector<2048x8xf32>
    tpu.vector_store %arg3[%swap3A, %swap3A_26], %div3A_25 {strides = array<i32>} : memref<2048x8xf32, #tpu.memory_space<vmem>>, vector<2048x8xf32>,
    return
  }
}

</mosaic_0001>

<sc_bundles>
// kernel: kernel.5.cloned.1.call-start
scs
__scs_entry_jumppad:
0x0: {  	(pc) =	sbr.rel $0x88, $3  }
0x1: {  	(tag) =	ssettag $0x0;
	lr =	simm.s32 $0x1  }
0x2: {  	[smem:$0x3F9D] =	sst lr;
	_ =	strace $0xD0000000  }
0x3: {  	_ = 	snop  }
0x4: {  	_ = 	snop  }
0x5: {  	_ = 	snop  }
0x6: {  	_ = 	snop  }
0x7: {  	_ = 	snop  }
__scs_overlays_trampoline_lowered:
0x8: {  	[smem:$0x3FAC] =	sst s0  }
0x9: {  	[smem:$0x3FAD] =	sst s1  }
0xa: {  	[smem:$0x3FAE] =	sst s2  }
0xb: {  	[smem:$0x3FAF] =	sst s3  }
0xc: {  	[smem:$0x3FB0] =	sst s4  }
0xd: {  	[smem:$0x3FB1] =	sst s5  }
0xe: {  	[smem:$0x3FB2] =	sst s6  }
0xf: {  	[smem:$0x3FB3] =	sst s7  }
0x10: {  	[smem:$0x3FB4] =	sst s8  }
0x11: {  	[smem:$0x3FB5] =	sst s9;
	s0 =	simm.s32 @!p0 $0x0  }
0x12: {  	s1 =	sld [smem:$0x3F9B];
	s0 =	simm.s32 @p0 $0x1  }
0x13: {  	[smem:$0x3FB6] =	sst s0;
	s0 =	simm.s32 @!p1 $0x0  }
0x14: {  	s2 =	sld [smem:$0x3F9A];
	s0 =	simm.s32 @p1 $0x1  }
0x15: {  	[smem:$0x3FB7] =	sst s0;
	s0 =	simm.s32 @!p2 $0x0  }
0x16: {  	s3 =	sld [smem:$0x3FDB];
	s0 =	simm.s32 @p2 $0x1  }
0x17: {  	s4 =	simm.s32 $0x1BF5;
	[smem:$0x3FB9] =	sst s0  }
0x18: {  	s0 =	sld [smem:$0x3F9C];
	_ =	swait.ge [sflag:s4], $0x0  }
0x19: {  	s7 =	sld [smem:$0x3F9D]  }
0x1a: {  	s8 =	sadd.s32 $0xFFFFE003, lr  }
0x1b: {  	s9 =	sadd.s32 $0xFFFFFEF7, lr;
	s5 =	simm.s32 $0xFFFFFFFF;
	p2 =	slt.u32 s8, $0xFFFFF086  }
0x1c: {  	p1 =	slt.u32 s9, $0xF7A;
	s5 =	simm.s32 @!p2 $0x0  }
0x1d: {  	s5 =	simm.s32 @p1 $0x1;
	p0 =	seq.s32 s7, s2  }
0x1e: {  	s7 =	smul.u32 @!p0 $0xF7A, s2;
	p2 =	seq.s32 @!p0 s5, $0x0  }
0x1f: {  	s9 =	smul.u32 $0xF7A, s1;
	s8 =	simm.s32 @!p0 $0x1BF5;
	p2 =	por !p2, p0  }
0x20: {  	[sflag:s8] =	ssyncset.s32 @!p0 $0xFFFFF086;
	s6 =	sadd.s32 @!p0 s3, s7;
	s7 =	simm.s32 @!p0 $0x108  }
0x21: {  	s3 =	sadd.s32 s3, s9;
	s6 =	sadd.s32 @!p0 $0x88, s6;
	s7 =	simm.s32 @p2 $0x1082  }
0x22: {  	[simem:s7], [sflag:s8] =	dma.local @!p0 [hbm:s6], $0xF7A  }
0x23: {  	s9 =	sor.u32 $0xD0000000, s2;
	s6 =	simm.s32 $0x108;
	_ =	swait.ge @!p0 [sflag:s8], $0x0  }
0x24: {  	s3 =	sadd.s32 $0x88, s3;
	s6 =	simm.s32 @!p1 $0x1082;
	[sflag:s4] =	ssyncset.s32 $0xFFFFF086  }
0x25: {  	[simem:s6], [sflag:s4] =	dma.local [hbm:s3], $0xF7A  }
0x26: {  	[smem:$0x3F9D] =	sst s1;
	(tag) =	ssettag s2;
	_ =	strace s9  }
0x27: {  	s1 =	sld [smem:$0x3FAD]  }
0x28: {  	s2 =	sld [smem:$0x3FAE]  }
0x29: {  	s4 =	sld [smem:$0x3FB0]  }
0x2a: {  	p0 =	seq.s32 s5, $0x0;
	s5 =	sld [smem:$0x3FB1]  }
0x2b: {  	s6 =	sld [smem:$0x3FB2]  }
0x2c: {  	s7 =	sld [smem:$0x3FB3]  }
0x2d: {  	s3 =	simm.s32 $0x108;
	s8 =	sld [smem:$0x3FB4]  }
0x2e: {  	s3 =	simm.s32 @!p0 $0x1082;
	s9 =	sld [smem:$0x3FB5]  }
0x2f: {  	lr =	sadd.s32 s0, s3;
	s0 =	sld [smem:$0x3FAC]  }
0x30: {  	s3 =	sld [smem:$0x3FAF]  }
0x31: {  	[smem:$0x3FB8] =	sst s10  }
0x32: {  	s10 =	sld [smem:$0x3FB6];
	_ =	sdelay $0x3  }
0x33: {  	p0 =	seq.s32 s10, $0x1;
	s10 =	sld [smem:$0x3FB8];
	_ =	sdelay $0x3  }
0x34: {  	[smem:$0x3FB8] =	sst s10  }
0x35: {  	s10 =	sld [smem:$0x3FB7];
	_ =	sdelay $0x3  }
0x36: {  	p1 =	seq.s32 s10, $0x1;
	s10 =	sld [smem:$0x3FB8];
	_ =	sdelay $0x3  }
0x37: {  	[smem:$0x3FB8] =	sst s10  }
0x38: {  	s10 =	sld [smem:$0x3FB9]  }
0x39: {  	_ = 	snop;
	(pc) =	sbr.ind lr, $3  }
0x3a: {  	_ = 	snop  }
0x3b: {  	_ = 	snop  }
0x3c: {  	p2 =	seq.s32 s10, $0x1;
	s10 =	sld [smem:$0x3FB8]  }
0x3d: {  	_ =	shalt  }
0x3e: {  	_ =	shalt  }
0x3f: {  	_ =	shalt  }
0x40: {  	_ =	shalt  }
0x41: {  	_ =	shalt  }
0x42: {  	_ =	shalt  }
0x43: {  	_ =	shalt  }
0x44: {  	_ =	shalt  }
0x45: {  	_ =	shalt  }
0x46: {  	_ =	shalt  }
0x47: {  	_ =	shalt  }
0x48: {  	_ =	shalt  }
0x49: {  	_ =	shalt  }
0x4a: {  	_ =	shalt  }
0x4b: {  	_ =	shalt  }
0x4c: {  	_ =	shalt  }
0x4d: {  	_ =	shalt  }
0x4e: {  	_ =	shalt  }
0x4f: {  	_ =	shalt  }
0x50: {  	_ =	shalt  }
0x51: {  	_ =	shalt  }
0x52: {  	_ =	shalt  }
0x53: {  	_ =	shalt  }
0x54: {  	_ =	shalt  }
0x55: {  	_ =	shalt  }
0x56: {  	_ =	shalt  }
0x57: {  	_ =	shalt  }
0x58: {  	_ =	shalt  }
0x59: {  	_ =	shalt  }
0x5a: {  	_ =	shalt  }
0x5b: {  	_ =	shalt  }
0x5c: {  	_ =	shalt  }
0x5d: {  	_ =	shalt  }
0x5e: {  	_ =	shalt  }
0x5f: {  	_ =	shalt  }
0x60: {  	_ =	shalt  }
0x61: {  	_ =	shalt  }
0x62: {  	_ =	shalt  }
0x63: {  	_ =	shalt  }
0x64: {  	_ =	shalt  }
0x65: {  	_ =	shalt  }
0x66: {  	_ =	shalt  }
0x67: {  	_ =	shalt  }
0x68: {  	_ =	shalt  }
0x69: {  	_ =	shalt  }
0x6a: {  	_ =	shalt  }
0x6b: {  	_ =	shalt  }
0x6c: {  	_ =	shalt  }
0x6d: {  	_ =	shalt  }
0x6e: {  	_ =	shalt  }
0x6f: {  	_ =	shalt  }
0x70: {  	_ =	shalt  }
0x71: {  	_ =	shalt  }
0x72: {  	_ =	shalt  }
0x73: {  	_ =	shalt  }
0x74: {  	_ =	shalt  }
0x75: {  	_ =	shalt  }
0x76: {  	_ =	shalt  }
0x77: {  	_ =	shalt  }
0x78: {  	_ =	shalt  }
0x79: {  	_ =	shalt  }
0x7a: {  	_ =	shalt  }
0x7b: {  	_ =	shalt  }
0x7c: {  	_ =	shalt  }
0x7d: {  	_ =	shalt  }
0x7e: {  	_ =	shalt  }
0x7f: {  	_ =	shalt  }
0x80: {  	_ =	shalt  }
0x81: {  	_ =	shalt  }
0x82: {  	_ =	shalt  }
0x83: {  	_ =	shalt  }
0x84: {  	_ =	shalt  }
0x85: {  	_ =	shalt  }
0x86: {  	_ =	shalt  }
0x87: {  	_ =	shalt  }
.Lfunc_end0:
.L_simem_size_0:
called_computation_lowered:
.L_overlay_start_0:
0x88: {  	s2 =	sld [smem:$0x3FD9]  }
0x89: {  	s3 =	sld [smem:$0x3FFE];
	_ =	sdelay $0x1  }
0x8a: {  	s1 =	srdreg.scid  }
0x8b: {  	s0 =	sand.u32 $0x1, s1  }
0x8c: {  	s16 =	sshll.u32 s0, $0xA;
	s2 =	sadd.s32 s3, s2  }
0x8d: {  	s2 =	sadd.s32 s2, s16  }
0x8e: {  	[smem:$0x3FC4] =	sst s2  }
0x8f: {  	_ = 	snop  }
0x90: {  	(tm) =	ssettm $0x1  }
0x91: {  	s17 =	sld [smem:$0x3FFB];
	_ =	sdelay $0x3  }
0x92: {  	_ =	strace s17  }
0x93: {  	s2 =	sld [smem:$0x3FFC];
	_ =	sdelay $0x3  }
0x94: {  	_ =	strace s2  }
0x95: {  	s2 =	sld [smem:$0x3FFD];
	_ =	sdelay $0x3  }
0x96: {  	_ =	strace s2  }
0x97: {  	_ =	strace $0x8FFFFFFF  }
0x98: {  	s18 =	sld [smem:$0x3FDB];
	_ =	sdelay $0x1  }
0x99: {  	s19 =	simm.s32 $_scs_section_size  }
0x9a: {  	s4 =	simm.s32 $_size__tile_overlayer_lowered;
	s5 =	simm.s32 $_tile_overlayer_lowered  }
0x9b: {  	s22 =	simm.s32 $0x1BFF;
	s21 =	sshll.u32 s5, $0x1;
	s2 =	sadd.s32 s19, s18  }
0x9c: {  	s6 =	simm.s32 $0x0;
	s20 =	sshll.u32 s4, $0x1;
	s4 =	sadd.s32 s21, s2  }
0x9d: {  	[timem:s6], [sflag:s22] =	dma.local [hbm:s4], s20  }
0x9e: {  	_ =	swait.ge [sflag:s22], s20  }
0x9f: {  	s3 =	ssub.s32 $0x0, s20;
	[sflag:s22] =	ssyncset.done $0x0  }
0xa0: {  	[sflag:s22] =	ssyncadd.s32 s3;
	_ =	sdelay $0x1  }
0xa1: {  	s23 =	simm.s32 $0x1B8B  }
0xa2: {  	_ =	swait.ge [sflag:s23], $0x1  }
0xa3: {  	[sflag:s23] =	ssyncset.done $0x0  }
0xa4: {  	s25 =	simm.s32 $0x1B8E;
	s24 =	sld [smem:$0x3FFE];
	[sflag:s23] =	ssyncadd.s32 $0xFFFFFFFF  }
0xa5: {  	s26 =	simm.s32 $execute0_lowered;
	[smem:$0x3FD2] =	sst s25  }
0xa6: {  	s4 =	sshll.u32 s26, $0x1;
	_ =	strace $0x80000046;
	[dreg:$0x1] =	wrdreg $0xFFFFFFFF  }
0xa7: {  	s28 =	simm.s32 $_size_execute0_lowered;
	s2 =	sadd.s32 s2, s4;
	[dreg:$0x0] =	wrdreg $0x0  }
0xa8: {  	s4 =	sshll.u32 s28, $0x1;
	[dreg:$0x2] =	wrdreg s2  }
0xa9: {  	[dreg:$0x3] =	wrdreg s4  }
0xaa: {  	[dreg:$0x4] =	wrdreg $0xC0  }
0xab: {  	_ =	task [dreg:s6], $0x5FFFF  }
0xac: {  	[dreg:$0x1] =	wrdreg $0xFFFFFFFF  }
0xad: {  	[dreg:$0x0] =	wrdreg $0x60  }
0xae: {  	[dreg:$0x2] =	wrdreg s24  }
0xaf: {  	[dreg:$0x3] =	wrdreg $0xE8000  }
0xb0: {  	[dreg:$0x4] =	wrdreg $0x9  }
0xb1: {  	_ =	task.clear_ibuf [dreg:s6], $0x5FFFF;
	_ =	strace $0x90000046  }
0xb2: {  	s29 =	simm.s32 $0x9;
	_ =	strace $0x80000048  }
0xb3: {  	_ =	swait.ge [sflag:s29], $0x1  }
0xb4: {  	[sflag:s29] =	ssyncadd.s32 $0xFFFFFFFF  }
0xb5: {  	_ =	strace $0x90000048  }
0xb6: {  	_ =	sfence  }
0xb7: {  	s30 =	sld [smem:$0x0];
	_ =	sdelay $0x2  }
0xb8: {  	s31 =	sshll.u32 s1, $0xD;
	s1 =	sshrl.u32 s1, $0x2  }
0xb9: {  	s3 =	sand.u32 $0x4000, s31;
	s1 =	sadd.s32 s1, s30  }
0xba: {  	s0 =	sor.u32 s3, s0;
	s1 =	sshll.u32 s1, $0x11  }
0xbb: {  	s0 =	sor.u32 s1, s0  }
0xbc: {  	s0 =	sadd.s32 $0x8F2B, s0  }
0xbd: {  	[sflag:s0] =	ssyncadd.remote.s32 $0x1  }
0xbe: {  	_ =	sfence.sel $0xFFFF  }
0xbf: {  	[dreg:$0x0] =	wrdreg $0xFFFFFFFF;
	(pc) =	sbr.abs _section_cstart, $3  }
0xc0: {  	[dreg:$0x1] =	wrdreg $0xFFFFFFFF  }
0xc1: {  	_ =	task.clear_ibuf [dreg:s6], $0x2FFFF;
	_ =	strace $0x9FFFFFFF  }
0xc2: {  	(tm) =	ssettm $0x7FFFFFFF  }
0xc3: {  	_ =	shalt  }
tec
execute0_lowered:
.L_overlay_start_1:
0x0: {  	(tag) =	ssettag $0x1  }
0x1: {  	s4 =	rddreg [dreg:$0x0]  }
0x2: {  	s2 =	rddreg [dreg:$0x1]  }
0x3: {  	s0 =	rddreg [dreg:$0x2]  }
0x4: {  	s1 =	stileid.u32;
	s5 =	srdreg.scid  }
0x5: {  	s3 =	simm.s32 $0x0;
	s17 =	simm.s32 $0x3;
	s18 =	simm.s32 $0x3200  }
0x6: {  	s19 =	simm.s32 $0x6400;
	s20 =	simm.s32 $0x9600;
	s21 =	simm.s32 $0x1  }
0x7: {  	s22 =	simm.s32 $0x2;
	s23 =	simm.s32 $0xC800;
	s24 =	simm.s32 $0x0  }
0x8: {  	s5 =	sand.u32 $0x1, s5;
	s6 =	sshll.u32 s1, $0x1;
	[smem:$0x7FF] =	sst s3  }
0x9: {  	s7 =	sshll.u32 s1, $0xD;
	s9 =	sadd.s32 $0x1C00, s4;
	s29 =	sshll.u32 s1, $0x10  }
0xa: {  	s30 =	sshll.u32 s1, $0x6;
	s6 =	sor.u32 s5, s6;
	_ =	strace $0x80000047  }
0xb: {  	s7 =	sadd.s32 s7, s4;
	s28 =	ssub.s32 $0x2, s5;
	s16 =	sadd.s32 s29, s2  }
0xc: {  	s8 =	sshll.u32 s6, $0xA;
	s5 =	sshrl.u32 s28, $0x1;
	s10 =	smul.u32 $0x19000, s6  }
0xd: {  	s6 =	smul.u32 $0x3200, s6;
	s16 =	sshrl.u32 s16, $0x3;
	s14 =	sadd.s32 s8, s4  }
0xe: {  	s15 =	ssub.s32 s28, s5;
	s4 =	sadd.s32 $0x65C00, s7;
	s31 =	sshrl.u32 s10, $0x3  }
0xf: {  	s5 =	sor.u32 $0x1C03, s30;
	s6 =	sadd.s32 s9, s6;
	s13 =	sadd.s32 s9, s31  }
0x10: {  	s14 =	sadd.s32 $0x85C00, s14;
	s15 =	smax.u32 s15, $0x1;
	s7 =	sadd.s32 $0x640, s13  }
0x11: {  	s8 =	sadd.s32 $0xC80, s13;
	s9 =	sadd.s32 $0x12C0, s13;
	s10 =	sadd.s32 $0x1900, s13  }
0x12: {  	vm0 =	vmmov $0xff;
	s11 =	sadd.s32 $0x1F40, s13;
	s12 =	sadd.s32 $0x2580, s13;
	s13 =	sadd.s32 $0x2BC0, s13  }
.LBB2_1:
0x13: {  	[spmem:s16], [sflag:s5] =	dma.local [hbm:s4], $0x2000  }
0x14: {  	_ =	swait.ge [sflag:s17], $0x2000  }
0x15: {  	[sflag:s17] =	ssyncset.done $0x0  }
0x16: {  	[sflag:s17] =	ssyncadd.s32 $0xFFFFE000  }
0x17: {  	[bflag:$0x0] =	sbarrier.arrive $0xFFFF  }
0x18: {  	[tilespmem:s3], [sflag:$0x3] =	stream.linear.gather [hbm4b:s6+s3], $0x3200, $0x38;
	[tilespmem:$0x1E800] =	vst v63  }
0x19: {  	_ =	swait.ge [sflag:s17], $0x3200  }
0x1a: {  	[sflag:s17] =	ssyncset.done $0x0  }
0x1b: {  	[sflag:s17] =	ssyncadd.s32 $0xFFFFCE00  }
0x1c: {  	[tilespmem:s19], [sflag:$0x1] =	stream.indirect.gather [spmem:s2], $0x1, s3, s18, $0xb8;
	[tilespmem:$0x1E800] =	vst v63  }
0x1d: {  	_ = 	snop  }
0x1e: {  	[tilespmem:s18], [sflag:$0x3] =	stream.linear.gather [hbm4b:s7+s3], $0x3200, $0x38;
	[tilespmem:$0x1E800] =	vst v63  }
0x1f: {  	_ =	swait.ge [sflag:s17], $0x3200  }
0x20: {  	[sflag:s17] =	ssyncset.done $0x0  }
0x21: {  	[sflag:s17] =	ssyncadd.s32 $0xFFFFCE00  }
0x22: {  	[tilespmem:s20], [sflag:$0x2] =	stream.indirect.gather [spmem:s2], $0x1, s18, s18, $0xb8;
	[tilespmem:$0x1E800] =	vst v63  }
0x23: {  	_ =	swait.ge [sflag:s21], $0x3200  }
0x24: {  	[sflag:s21] =	ssyncset.done $0x0  }
0x25: {  	s25 =	simm.s32 $0x64C0;
	[sflag:s21] =	ssyncadd.s32 $0xFFFFCE00  }
0x26: {  	v0 =	vld [tilespmem:s25+$0x30]  }
0x27: {  	v1 =	vld [tilespmem:s25+$0x20]  }
0x28: {  	v2 =	vld [tilespmem:s25+$0x10]  }
0x29: {  	v3 =	vld [tilespmem:s25+$0xFFFFFF40]  }
0x2a: {  	s26 =	sand.u32 $0x3FF0, s3;
	v4 =	vld [tilespmem:s25+$0xFFFFFF50]  }
0x2b: {  	v5 =	vld [tilespmem:s26+$0x6500]  }
0x2c: {  	v6 =	vld [tilespmem:s25+$0xFFFFFF60]  }
0x2d: {  	v7 =	vld [tilespmem:s25+$0x50];
	v1 =	vadd.f32 v1, v2  }
0x2e: {  	v2 =	vld [tilespmem:s25+$0xFFFFFF70]  }
0x2f: {  	v8 =	vld [tilespmem:s25+$0x60];
	v3 =	vadd.f32 v4, v3;
	v0 =	vadd.f32 v0, v1  }
0x30: {  	v1 =	vld [tilespmem:s25+$0xFFFFFF80]  }
0x31: {  	v54 =	vld [tilespmem:s25+$0x70];
	v3 =	vadd.f32 v6, v3;
	v0 =	vadd.f32 v5, v0  }
0x32: {  	v55 =	vld [tilespmem:s25+$0xFFFFFF90]  }
0x33: {  	v56 =	vld [tilespmem:s25+$0x80];
	v2 =	vadd.f32 v2, v3;
	v0 =	vadd.f32 v7, v0  }
0x34: {  	v3 =	vld [tilespmem:s25+$0xFFFFFFA0]  }
0x35: {  	v57 =	vld [tilespmem:s25+$0x90];
	v1 =	vadd.f32 v1, v2;
	v0 =	vadd.f32 v8, v0  }
0x36: {  	v2 =	vld [tilespmem:s25+$0xFFFFFFB0]  }
0x37: {  	v58 =	vld [tilespmem:s25+$0xA0];
	v1 =	vadd.f32 v55, v1;
	v0 =	vadd.f32 v54, v0  }
0x38: {  	v59 =	vld [tilespmem:s26+$0x6480]  }
0x39: {  	v60 =	vld [tilespmem:s25+$0xB0];
	v1 =	vadd.f32 v3, v1;
	v0 =	vadd.f32 v56, v0  }
0x3a: {  	v3 =	vld [tilespmem:s25+$0xFFFFFFD0]  }
0x3b: {  	v61 =	vld [tilespmem:s26+$0x6580];
	v1 =	vadd.f32 v2, v1;
	v0 =	vadd.f32 v57, v0  }
0x3c: {  	v2 =	vld [tilespmem:s25+$0xFFFFFFE0]  }
0x3d: {  	v62 =	vld [tilespmem:s25+$0x0];
	v1 =	vadd.f32 v59, v1;
	v0 =	vadd.f32 v58, v0  }
0x3e: {  	v63 =	vld [tilespmem:s25+$0xFFFFFFF0]  }
0x3f: {  	v1 =	vadd.f32 v3, v1;
	v0 =	vadd.f32 v60, v0;
	_ =	sdelay $0x1  }
0x40: {  	v1 =	vadd.f32 v2, v1;
	v0 =	vadd.f32 v61, v0  }
0x41: {  	v2 =	vsel vm0, $0x0, v62  }
0x42: {  	v1 =	vadd.f32 v63, v1;
	v2 =	vadd.f32 v0, v2  }
0x43: {  	s26 =	simm.s32 $0xC810;
	v0 =	vnsel vm0, $0x0, v62  }
0x44: {  	s28 =	simm.s32 $0x190;
	v0 =	vadd.f32 v0, v1;
	[tilespmem:s26+$0x0] =	vst v2  }
.LBB2_2:
0x45: {  	_ = 	snop  }
0x46: {  	p0 =	sne.s32 s28, $0x3070;
	s25 =	sadd.s32 $0x190, s25;
	[tilespmem:s26+$0xFFFFFFF0] =	vst v0;
	s26 =	sadd.s32 $0x20, s26  }
0x47: {  	s29 =	smov.u32 s28;
	s28 =	sadd.s32 $0x190, s28;
	v0 =	vld [tilespmem:s25+$0x30]  }
0x48: {  	v1 =	vld [tilespmem:s25+$0x20]  }
0x49: {  	v2 =	vld [tilespmem:s25+$0x10]  }
0x4a: {  	v3 =	vld [tilespmem:s25+$0xFFFFFF40]  }
0x4b: {  	s29 =	sand.u32 $0x3FF0, s29;
	v4 =	vld [tilespmem:s25+$0xFFFFFF50]  }
0x4c: {  	v5 =	vld [tilespmem:s29+$0x6500]  }
0x4d: {  	v6 =	vld [tilespmem:s25+$0xFFFFFF60]  }
0x4e: {  	v7 =	vld [tilespmem:s25+$0x50];
	v1 =	vadd.f32 v1, v2  }
0x4f: {  	v2 =	vld [tilespmem:s25+$0xFFFFFF70]  }
0x50: {  	v8 =	vld [tilespmem:s25+$0x60];
	v3 =	vadd.f32 v4, v3;
	v0 =	vadd.f32 v0, v1  }
0x51: {  	v1 =	vld [tilespmem:s25+$0xFFFFFF80]  }
0x52: {  	v4 =	vld [tilespmem:s25+$0x70];
	v3 =	vadd.f32 v6, v3;
	v0 =	vadd.f32 v5, v0  }
0x53: {  	v5 =	vld [tilespmem:s25+$0xFFFFFF90]  }
0x54: {  	v6 =	vld [tilespmem:s25+$0x80];
	v2 =	vadd.f32 v2, v3;
	v0 =	vadd.f32 v7, v0  }
0x55: {  	v3 =	vld [tilespmem:s25+$0xFFFFFFA0]  }
0x56: {  	v7 =	vld [tilespmem:s25+$0x90];
	v1 =	vadd.f32 v1, v2;
	v0 =	vadd.f32 v8, v0  }
0x57: {  	v2 =	vld [tilespmem:s25+$0xFFFFFFB0]  }
0x58: {  	v8 =	vld [tilespmem:s25+$0xA0];
	v1 =	vadd.f32 v5, v1;
	v0 =	vadd.f32 v4, v0  }
0x59: {  	v4 =	vld [tilespmem:s29+$0x6480]  }
0x5a: {  	v5 =	vld [tilespmem:s25+$0xB0];
	v1 =	vadd.f32 v3, v1;
	v0 =	vadd.f32 v6, v0  }
0x5b: {  	v3 =	vld [tilespmem:s25+$0xFFFFFFD0]  }
0x5c: {  	v6 =	vld [tilespmem:s29+$0x6580];
	v1 =	vadd.f32 v2, v1;
	v0 =	vadd.f32 v7, v0  }
0x5d: {  	v2 =	vld [tilespmem:s25+$0xFFFFFFE0]  }
0x5e: {  	v7 =	vld [tilespmem:s25+$0x0];
	v1 =	vadd.f32 v4, v1;
	v0 =	vadd.f32 v8, v0  }
0x5f: {  	v4 =	vld [tilespmem:s25+$0xFFFFFFF0]  }
0x60: {  	v1 =	vadd.f32 v3, v1;
	v0 =	vadd.f32 v5, v0;
	_ =	sdelay $0x1  }
.Ltmp0:
0x61: {  	v1 =	vadd.f32 v2, v1;
	v0 =	vadd.f32 v6, v0;
	(pc) =	sbr.rel @p0 .LBB2_2-.Ltmp0, $4  }
0x62: {  	v2 =	vsel vm0, $0x0, v7  }
0x63: {  	v1 =	vadd.f32 v4, v1;
	v2 =	vadd.f32 v0, v2  }
0x64: {  	v0 =	vnsel vm0, $0x0, v7  }
0x65: {  	v0 =	vadd.f32 v0, v1;
	[tilespmem:s26+$0x0] =	vst v2  }
0x66: {  	_ = 	snop  }
0x67: {  	s25 =	simm.s32 $0x0;
	[tilespmem:s26+$0xFFFFFFF0] =	vst v0  }
0x68: {  	[tilespmem:s25], [sflag:$0x3] =	stream.linear.gather [hbm4b:s8+s25], $0x3200, $0x38;
	[tilespmem:$0x1E800] =	vst v63  }
0x69: {  	_ =	swait.ge [sflag:s17], $0x3200  }
0x6a: {  	[sflag:s17] =	ssyncset.done $0x0  }
0x6b: {  	[sflag:s17] =	ssyncadd.s32 $0xFFFFCE00  }
0x6c: {  	[tilespmem:s19], [sflag:$0x1] =	stream.indirect.gather [spmem:s2], $0x1, s25, s18, $0xb8;
	[tilespmem:$0x1E800] =	vst v63  }
0x6d: {  	_ =	swait.ge [sflag:s22], $0x3200  }
0x6e: {  	[sflag:s22] =	ssyncset.done $0x0  }
0x6f: {  	s31 =	sand.u32 $0x3FF0, s25;
	[sflag:s22] =	ssyncadd.s32 $0xFFFFCE00  }
0x70: {  	s28 =	simm.s32 $0x96C0;
	v0 =	vld [tilespmem:s31+$0x9780]  }
0x71: {  	v1 =	vld [tilespmem:s28+$0x20]  }
0x72: {  	v2 =	vld [tilespmem:s28+$0xFFFFFF50]  }
0x73: {  	v3 =	vld [tilespmem:s28+$0xFFFFFF40]  }
0x74: {  	v4 =	vld [tilespmem:s28+$0x10]  }
0x75: {  	v5 =	vld [tilespmem:s28+$0xFFFFFF60]  }
0x76: {  	v6 =	vld [tilespmem:s28+$0x30]  }
0x77: {  	v7 =	vld [tilespmem:s28+$0xFFFFFF70]  }
0x78: {  	v8 =	vld [tilespmem:s31+$0x9700];
	v2 =	vadd.f32 v2, v3  }
0x79: {  	v3 =	vld [tilespmem:s28+$0xFFFFFF80];
	v1 =	vadd.f32 v1, v4  }
0x7a: {  	v4 =	vld [tilespmem:s28+$0x50];
	v2 =	vadd.f32 v5, v2  }
0x7b: {  	v5 =	vld [tilespmem:s28+$0xFFFFFF90];
	v1 =	vadd.f32 v6, v1  }
0x7c: {  	v6 =	vld [tilespmem:s28+$0x60];
	v2 =	vadd.f32 v7, v2  }
0x7d: {  	v7 =	vld [tilespmem:s28+$0xFFFFFFA0];
	v1 =	vadd.f32 v8, v1  }
0x7e: {  	v62 =	vld [tilespmem:s28+$0x70];
	v2 =	vadd.f32 v3, v2  }
0x7f: {  	v3 =	vld [tilespmem:s28+$0xFFFFFFB0];
	v1 =	vadd.f32 v4, v1  }
0x80: {  	v4 =	vld [tilespmem:s28+$0x80];
	v2 =	vadd.f32 v5, v2  }
0x81: {  	v5 =	vld [tilespmem:s31+$0x9680];
	v1 =	vadd.f32 v6, v1  }
0x82: {  	v6 =	vld [tilespmem:s28+$0x90];
	v2 =	vadd.f32 v7, v2  }
0x83: {  	v7 =	vld [tilespmem:s28+$0xFFFFFFD0];
	v1 =	vadd.f32 v62, v1  }
0x84: {  	v63 =	vld [tilespmem:s28+$0xA0];
	v2 =	vadd.f32 v3, v2  }
0x85: {  	v3 =	vld [tilespmem:s28+$0xFFFFFFE0];
	v1 =	vadd.f32 v4, v1  }
0x86: {  	v4 =	vld [tilespmem:s28+$0xB0];
	v2 =	vadd.f32 v5, v2  }
0x87: {  	v5 =	vld [tilespmem:s28+$0xFFFFFFF0];
	v1 =	vadd.f32 v6, v1  }
0x88: {  	v6 =	vld [tilespmem:s28+$0x0];
	v2 =	vadd.f32 v7, v2  }
0x89: {  	v1 =	vadd.f32 v63, v1  }
0x8a: {  	v2 =	vadd.f32 v3, v2  }
0x8b: {  	v1 =	vadd.f32 v4, v1  }
0x8c: {  	v2 =	vadd.f32 v5, v2  }
0x8d: {  	v0 =	vadd.f32 v0, v1;
	v1 =	vnsel vm0, $0x0, v6  }
0x8e: {  	v1 =	vadd.f32 v1, v2;
	v2 =	vsel vm0, $0x0, v6  }
0x8f: {  	s28 =	sand.u32 $0x3E0, s25;
	v0 =	vadd.f32 v0, v2  }
0x90: {  	s29 =	simm.s32 $0x190;
	s26 =	simm.s32 $0xCC10;
	[tilespmem:s28+$0xCC00] =	vst v1  }
0x91: {  	s30 =	sand.u32 $0x3FF0, s29;
	[tilespmem:s26+$0x0] =	vst v0  }
0x92: {  	s28 =	simm.s32 $0x9850;
	v0 =	vld [tilespmem:s30+$0x9780]  }
0x93: {  	v1 =	vld [tilespmem:s28+$0x20]  }
0x94: {  	v2 =	vld [tilespmem:s28+$0xFFFFFF50]  }
0x95: {  	v4 =	vld [tilespmem:s28+$0xFFFFFF40]  }
0x96: {  	s29 =	simm.s32 $0x320;
	v3 =	vld [tilespmem:s28+$0x10]  }
.LBB2_4:
0x97: {  	p0 =	sne.s32 s29, $0x3070;
	v5 =	vld [tilespmem:s28+$0xFFFFFF60]  }
0x98: {  	v6 =	vld [tilespmem:s28+$0x30]  }
0x99: {  	v7 =	vld [tilespmem:s28+$0xFFFFFF70]  }
0x9a: {  	v8 =	vld [tilespmem:s30+$0x9700];
	v2 =	vadd.f32 v2, v4  }
0x9b: {  	v4 =	vld [tilespmem:s28+$0xFFFFFF80];
	v1 =	vadd.f32 v1, v3  }
0x9c: {  	v3 =	vld [tilespmem:s28+$0x50];
	v2 =	vadd.f32 v5, v2  }
0x9d: {  	v5 =	vld [tilespmem:s28+$0xFFFFFF90];
	v1 =	vadd.f32 v6, v1  }
0x9e: {  	v6 =	vld [tilespmem:s28+$0x60];
	v2 =	vadd.f32 v7, v2  }
0x9f: {  	v7 =	vld [tilespmem:s28+$0xFFFFFFA0];
	v1 =	vadd.f32 v8, v1  }
0xa0: {  	v8 =	vld [tilespmem:s28+$0x70];
	v2 =	vadd.f32 v4, v2  }
0xa1: {  	v4 =	vld [tilespmem:s28+$0xFFFFFFB0];
	v1 =	vadd.f32 v3, v1  }
0xa2: {  	v3 =	vld [tilespmem:s28+$0x80];
	v2 =	vadd.f32 v5, v2  }
0xa3: {  	v5 =	vld [tilespmem:s30+$0x9680];
	v1 =	vadd.f32 v6, v1  }
0xa4: {  	v6 =	vld [tilespmem:s28+$0x90];
	v2 =	vadd.f32 v7, v2  }
0xa5: {  	v7 =	vld [tilespmem:s28+$0xFFFFFFD0];
	v1 =	vadd.f32 v8, v1  }
0xa6: {  	v8 =	vld [tilespmem:s28+$0xA0];
	v2 =	vadd.f32 v4, v2  }
0xa7: {  	v4 =	vld [tilespmem:s28+$0xFFFFFFE0];
	v1 =	vadd.f32 v3, v1  }
0xa8: {  	v3 =	vld [tilespmem:s28+$0xB0];
	v2 =	vadd.f32 v5, v2  }
0xa9: {  	v5 =	vld [tilespmem:s28+$0xFFFFFFF0];
	v1 =	vadd.f32 v6, v1  }
0xaa: {  	v6 =	vld [tilespmem:s28+$0x0];
	v2 =	vadd.f32 v7, v2  }
0xab: {  	v1 =	vadd.f32 v8, v1  }
0xac: {  	v2 =	vadd.f32 v4, v2  }
0xad: {  	v1 =	vadd.f32 v3, v1  }
0xae: {  	v2 =	vadd.f32 v5, v2  }
0xaf: {  	v0 =	vadd.f32 v0, v1;
	v1 =	vnsel vm0, $0x0, v6  }
0xb0: {  	s25 =	sadd.s32 $0x20, s25;
	v1 =	vadd.f32 v1, v2;
	v2 =	vsel vm0, $0x0, v6  }
0xb1: {  	s30 =	sand.u32 $0x3E0, s25;
	v0 =	vadd.f32 v0, v2  }
0xb2: {  	s26 =	sadd.s32 $0x20, s26;
	[tilespmem:s30+$0xCC00] =	vst v1  }
0xb3: {  	s30 =	sand.u32 $0x3FF0, s29;
	[tilespmem:s26+$0x0] =	vst v0  }
.Ltmp1:
0xb4: {  	s28 =	sadd.s32 $0x190, s28;
	v0 =	vld [tilespmem:s30+$0x9780];
	(pc) =	sbr.rel @p0 .LBB2_4-.Ltmp1, $4  }
0xb5: {  	v1 =	vld [tilespmem:s28+$0x20]  }
0xb6: {  	v2 =	vld [tilespmem:s28+$0xFFFFFF50]  }
0xb7: {  	v4 =	vld [tilespmem:s28+$0xFFFFFF40]  }
0xb8: {  	s29 =	sadd.s32 $0x190, s29;
	v3 =	vld [tilespmem:s28+$0x10]  }
0xb9: {  	v5 =	vld [tilespmem:s28+$0xFFFFFF60]  }
0xba: {  	v6 =	vld [tilespmem:s28+$0x30]  }
0xbb: {  	v7 =	vld [tilespmem:s28+$0xFFFFFF70]  }
0xbc: {  	v8 =	vld [tilespmem:s30+$0x9700];
	v2 =	vadd.f32 v2, v4  }
0xbd: {  	v4 =	vld [tilespmem:s28+$0xFFFFFF80];
	v1 =	vadd.f32 v1, v3  }
0xbe: {  	v3 =	vld [tilespmem:s28+$0x50];
	v2 =	vadd.f32 v5, v2  }
0xbf: {  	v5 =	vld [tilespmem:s28+$0xFFFFFF90];
	v1 =	vadd.f32 v6, v1  }
0xc0: {  	v6 =	vld [tilespmem:s28+$0x60];
	v2 =	vadd.f32 v7, v2  }
0xc1: {  	v7 =	vld [tilespmem:s28+$0xFFFFFFA0];
	v1 =	vadd.f32 v8, v1  }
0xc2: {  	v59 =	vld [tilespmem:s28+$0x70];
	v2 =	vadd.f32 v4, v2  }
0xc3: {  	v4 =	vld [tilespmem:s28+$0xFFFFFFB0];
	v1 =	vadd.f32 v3, v1  }
0xc4: {  	v3 =	vld [tilespmem:s28+$0x80];
	v2 =	vadd.f32 v5, v2  }
0xc5: {  	v5 =	vld [tilespmem:s30+$0x9680];
	v1 =	vadd.f32 v6, v1  }
0xc6: {  	v6 =	vld [tilespmem:s28+$0x90];
	v2 =	vadd.f32 v7, v2  }
0xc7: {  	v7 =	vld [tilespmem:s28+$0xFFFFFFD0];
	v1 =	vadd.f32 v59, v1  }
0xc8: {  	v60 =	vld [tilespmem:s28+$0xA0];
	v2 =	vadd.f32 v4, v2  }
0xc9: {  	v4 =	vld [tilespmem:s28+$0xFFFFFFE0];
	v1 =	vadd.f32 v3, v1  }
0xca: {  	v3 =	vld [tilespmem:s28+$0xB0];
	v2 =	vadd.f32 v5, v2  }
0xcb: {  	v5 =	vld [tilespmem:s28+$0xFFFFFFF0];
	v1 =	vadd.f32 v6, v1  }
0xcc: {  	v6 =	vld [tilespmem:s28+$0x0];
	v2 =	vadd.f32 v7, v2  }
0xcd: {  	v1 =	vadd.f32 v60, v1  }
0xce: {  	v2 =	vadd.f32 v4, v2  }
0xcf: {  	v1 =	vadd.f32 v3, v1  }
0xd0: {  	v2 =	vadd.f32 v5, v2  }
0xd1: {  	v0 =	vadd.f32 v0, v1;
	v1 =	vnsel vm0, $0x0, v6  }
0xd2: {  	s25 =	sadd.s32 $0x20, s25;
	v1 =	vadd.f32 v1, v2;
	v2 =	vsel vm0, $0x0, v6  }
0xd3: {  	s25 =	sand.u32 $0x3E0, s25;
	v0 =	vadd.f32 v0, v2  }
0xd4: {  	s26 =	sadd.s32 $0x20, s26;
	[tilespmem:s25+$0xCC00] =	vst v1  }
0xd5: {  	s25 =	simm.s32 $0x0;
	[tilespmem:s26+$0x0] =	vst v0  }
0xd6: {  	[tilespmem:s18], [sflag:$0x3] =	stream.linear.gather [hbm4b:s9+s25], $0x3200, $0x38;
	[tilespmem:$0x1E800] =	vst v63  }
0xd7: {  	_ =	swait.ge [sflag:s17], $0x3200  }
0xd8: {  	[sflag:s17] =	ssyncset.done $0x0  }
0xd9: {  	[sflag:s17] =	ssyncadd.s32 $0xFFFFCE00  }
0xda: {  	[tilespmem:s20], [sflag:$0x2] =	stream.indirect.gather [spmem:s2], $0x1, s18, s18, $0xb8;
	[tilespmem:$0x1E800] =	vst v63  }
0xdb: {  	_ =	swait.ge [sflag:s21], $0x3200  }
0xdc: {  	[sflag:s21] =	ssyncset.done $0x0  }
0xdd: {  	s31 =	sand.u32 $0x3FF0, s25;
	[sflag:s21] =	ssyncadd.s32 $0xFFFFCE00  }
0xde: {  	s28 =	simm.s32 $0x64C0;
	v0 =	vld [tilespmem:s31+$0x6580]  }
0xdf: {  	v1 =	vld [tilespmem:s28+$0x20]  }
0xe0: {  	v2 =	vld [tilespmem:s28+$0xFFFFFF50]  }
0xe1: {  	v3 =	vld [tilespmem:s28+$0xFFFFFF40]  }
0xe2: {  	v4 =	vld [tilespmem:s28+$0x10]  }
0xe3: {  	v5 =	vld [tilespmem:s28+$0xFFFFFF60]  }
0xe4: {  	v6 =	vld [tilespmem:s28+$0x30]  }
0xe5: {  	v7 =	vld [tilespmem:s28+$0xFFFFFF70]  }
0xe6: {  	v61 =	vld [tilespmem:s31+$0x6500];
	v2 =	vadd.f32 v2, v3  }
0xe7: {  	v3 =	vld [tilespmem:s28+$0xFFFFFF80];
	v1 =	vadd.f32 v1, v4  }
0xe8: {  	v4 =	vld [tilespmem:s28+$0x50];
	v2 =	vadd.f32 v5, v2  }
0xe9: {  	v5 =	vld [tilespmem:s28+$0xFFFFFF90];
	v1 =	vadd.f32 v6, v1  }
0xea: {  	v6 =	vld [tilespmem:s28+$0x60];
	v2 =	vadd.f32 v7, v2  }
0xeb: {  	v7 =	vld [tilespmem:s28+$0xFFFFFFA0];
	v1 =	vadd.f32 v61, v1  }
0xec: {  	v62 =	vld [tilespmem:s28+$0x70];
	v2 =	vadd.f32 v3, v2  }
0xed: {  	v3 =	vld [tilespmem:s28+$0xFFFFFFB0];
	v1 =	vadd.f32 v4, v1  }
0xee: {  	v4 =	vld [tilespmem:s28+$0x80];
	v2 =	vadd.f32 v5, v2  }
0xef: {  	v5 =	vld [tilespmem:s31+$0x6480];
	v1 =	vadd.f32 v6, v1  }
0xf0: {  	v6 =	vld [tilespmem:s28+$0x90];
	v2 =	vadd.f32 v7, v2  }
0xf1: {  	v7 =	vld [tilespmem:s28+$0xFFFFFFD0];
	v1 =	vadd.f32 v62, v1  }
0xf2: {  	v63 =	vld [tilespmem:s28+$0xA0];
	v2 =	vadd.f32 v3, v2  }
0xf3: {  	v3 =	vld [tilespmem:s28+$0xFFFFFFE0];
	v1 =	vadd.f32 v4, v1  }
0xf4: {  	v4 =	vld [tilespmem:s28+$0xB0];
	v2 =	vadd.f32 v5, v2  }
0xf5: {  	v5 =	vld [tilespmem:s28+$0xFFFFFFF0];
	v1 =	vadd.f32 v6, v1  }
0xf6: {  	v6 =	vld [tilespmem:s28+$0x0];
	v2 =	vadd.f32 v7, v2  }
0xf7: {  	v1 =	vadd.f32 v63, v1  }
0xf8: {  	v2 =	vadd.f32 v3, v2  }
0xf9: {  	v1 =	vadd.f32 v4, v1  }
0xfa: {  	v2 =	vadd.f32 v5, v2  }
0xfb: {  	v0 =	vadd.f32 v0, v1;
	v1 =	vnsel vm0, $0x0, v6  }
0xfc: {  	v1 =	vadd.f32 v1, v2;
	v2 =	vsel vm0, $0x0, v6  }
0xfd: {  	s28 =	sand.u32 $0x3E0, s25;
	v0 =	vadd.f32 v0, v2  }
0xfe: {  	s29 =	simm.s32 $0x190;
	s26 =	simm.s32 $0xD010;
	[tilespmem:s28+$0xD000] =	vst v1  }
0xff: {  	s30 =	sand.u32 $0x3FF0, s29;
	[tilespmem:s26+$0x0] =	vst v0  }
0x100: {  	s28 =	simm.s32 $0x6650;
	v0 =	vld [tilespmem:s30+$0x6580]  }
0x101: {  	v1 =	vld [tilespmem:s28+$0x20]  }
0x102: {  	v2 =	vld [tilespmem:s28+$0xFFFFFF50]  }
0x103: {  	v4 =	vld [tilespmem:s28+$0xFFFFFF40]  }
0x104: {  	s29 =	simm.s32 $0x320;
	v3 =	vld [tilespmem:s28+$0x10]  }
.LBB2_6:
0x105: {  	p0 =	sne.s32 s29, $0x3070;
	v5 =	vld [tilespmem:s28+$0xFFFFFF60]  }
0x106: {  	v6 =	vld [tilespmem:s28+$0x30]  }
0x107: {  	v7 =	vld [tilespmem:s28+$0xFFFFFF70]  }
0x108: {  	v8 =	vld [tilespmem:s30+$0x6500];
	v2 =	vadd.f32 v2, v4  }
0x109: {  	v4 =	vld [tilespmem:s28+$0xFFFFFF80];
	v1 =	vadd.f32 v1, v3  }
0x10a: {  	v3 =	vld [tilespmem:s28+$0x50];
	v2 =	vadd.f32 v5, v2  }
0x10b: {  	v5 =	vld [tilespmem:s28+$0xFFFFFF90];
	v1 =	vadd.f32 v6, v1  }
0x10c: {  	v6 =	vld [tilespmem:s28+$0x60];
	v2 =	vadd.f32 v7, v2  }
0x10d: {  	v7 =	vld [tilespmem:s28+$0xFFFFFFA0];
	v1 =	vadd.f32 v8, v1  }
0x10e: {  	v8 =	vld [tilespmem:s28+$0x70];
	v2 =	vadd.f32 v4, v2  }
0x10f: {  	v4 =	vld [tilespmem:s28+$0xFFFFFFB0];
	v1 =	vadd.f32 v3, v1  }
0x110: {  	v3 =	vld [tilespmem:s28+$0x80];
	v2 =	vadd.f32 v5, v2  }
0x111: {  	v5 =	vld [tilespmem:s30+$0x6480];
	v1 =	vadd.f32 v6, v1  }
0x112: {  	v6 =	vld [tilespmem:s28+$0x90];
	v2 =	vadd.f32 v7, v2  }
0x113: {  	v7 =	vld [tilespmem:s28+$0xFFFFFFD0];
	v1 =	vadd.f32 v8, v1  }
0x114: {  	v8 =	vld [tilespmem:s28+$0xA0];
	v2 =	vadd.f32 v4, v2  }
0x115: {  	v4 =	vld [tilespmem:s28+$0xFFFFFFE0];
	v1 =	vadd.f32 v3, v1  }
0x116: {  	v3 =	vld [tilespmem:s28+$0xB0];
	v2 =	vadd.f32 v5, v2  }
0x117: {  	v5 =	vld [tilespmem:s28+$0xFFFFFFF0];
	v1 =	vadd.f32 v6, v1  }
0x118: {  	v6 =	vld [tilespmem:s28+$0x0];
	v2 =	vadd.f32 v7, v2  }
0x119: {  	v1 =	vadd.f32 v8, v1  }
0x11a: {  	v2 =	vadd.f32 v4, v2  }
0x11b: {  	v1 =	vadd.f32 v3, v1  }
0x11c: {  	v2 =	vadd.f32 v5, v2  }
0x11d: {  	v0 =	vadd.f32 v0, v1;
	v1 =	vnsel vm0, $0x0, v6  }
0x11e: {  	s25 =	sadd.s32 $0x20, s25;
	v1 =	vadd.f32 v1, v2;
	v2 =	vsel vm0, $0x0, v6  }
0x11f: {  	s30 =	sand.u32 $0x3E0, s25;
	v0 =	vadd.f32 v0, v2  }
0x120: {  	s26 =	sadd.s32 $0x20, s26;
	[tilespmem:s30+$0xD000] =	vst v1  }
0x121: {  	s30 =	sand.u32 $0x3FF0, s29;
	[tilespmem:s26+$0x0] =	vst v0  }
.Ltmp2:
0x122: {  	s28 =	sadd.s32 $0x190, s28;
	v0 =	vld [tilespmem:s30+$0x6580];
	(pc) =	sbr.rel @p0 .LBB2_6-.Ltmp2, $4  }
0x123: {  	v1 =	vld [tilespmem:s28+$0x20]  }
0x124: {  	v2 =	vld [tilespmem:s28+$0xFFFFFF50]  }
0x125: {  	v4 =	vld [tilespmem:s28+$0xFFFFFF40]  }
0x126: {  	s29 =	sadd.s32 $0x190, s29;
	v3 =	vld [tilespmem:s28+$0x10]  }
0x127: {  	v5 =	vld [tilespmem:s28+$0xFFFFFF60]  }
0x128: {  	v6 =	vld [tilespmem:s28+$0x30]  }
0x129: {  	v7 =	vld [tilespmem:s28+$0xFFFFFF70]  }
0x12a: {  	v8 =	vld [tilespmem:s30+$0x6500];
	v2 =	vadd.f32 v2, v4  }
0x12b: {  	v4 =	vld [tilespmem:s28+$0xFFFFFF80];
	v1 =	vadd.f32 v1, v3  }
0x12c: {  	v3 =	vld [tilespmem:s28+$0x50];
	v2 =	vadd.f32 v5, v2  }
0x12d: {  	v5 =	vld [tilespmem:s28+$0xFFFFFF90];
	v1 =	vadd.f32 v6, v1  }
0x12e: {  	v6 =	vld [tilespmem:s28+$0x60];
	v2 =	vadd.f32 v7, v2  }
0x12f: {  	v7 =	vld [tilespmem:s28+$0xFFFFFFA0];
	v1 =	vadd.f32 v8, v1  }
0x130: {  	v59 =	vld [tilespmem:s28+$0x70];
	v2 =	vadd.f32 v4, v2  }
0x131: {  	v4 =	vld [tilespmem:s28+$0xFFFFFFB0];
	v1 =	vadd.f32 v3, v1  }
0x132: {  	v3 =	vld [tilespmem:s28+$0x80];
	v2 =	vadd.f32 v5, v2  }
0x133: {  	v5 =	vld [tilespmem:s30+$0x6480];
	v1 =	vadd.f32 v6, v1  }
0x134: {  	v6 =	vld [tilespmem:s28+$0x90];
	v2 =	vadd.f32 v7, v2  }
0x135: {  	v7 =	vld [tilespmem:s28+$0xFFFFFFD0];
	v1 =	vadd.f32 v59, v1  }
0x136: {  	v60 =	vld [tilespmem:s28+$0xA0];
	v2 =	vadd.f32 v4, v2  }
0x137: {  	v4 =	vld [tilespmem:s28+$0xFFFFFFE0];
	v1 =	vadd.f32 v3, v1  }
0x138: {  	v3 =	vld [tilespmem:s28+$0xB0];
	v2 =	vadd.f32 v5, v2  }
0x139: {  	v5 =	vld [tilespmem:s28+$0xFFFFFFF0];
	v1 =	vadd.f32 v6, v1  }
0x13a: {  	v6 =	vld [tilespmem:s28+$0x0];
	v2 =	vadd.f32 v7, v2  }
0x13b: {  	v1 =	vadd.f32 v60, v1  }
0x13c: {  	v2 =	vadd.f32 v4, v2  }
0x13d: {  	v1 =	vadd.f32 v3, v1  }
0x13e: {  	v2 =	vadd.f32 v5, v2  }
0x13f: {  	v0 =	vadd.f32 v0, v1;
	v1 =	vnsel vm0, $0x0, v6  }
0x140: {  	s25 =	sadd.s32 $0x20, s25;
	v1 =	vadd.f32 v1, v2;
	v2 =	vsel vm0, $0x0, v6  }
0x141: {  	s25 =	sand.u32 $0x3E0, s25;
	v0 =	vadd.f32 v0, v2  }
0x142: {  	s26 =	sadd.s32 $0x20, s26;
	[tilespmem:s25+$0xD000] =	vst v1  }
0x143: {  	s25 =	simm.s32 $0x0;
	[tilespmem:s26+$0x0] =	vst v0  }
0x144: {  	[tilespmem:s25], [sflag:$0x3] =	stream.linear.gather [hbm4b:s10+s25], $0x3200, $0x38;
	[tilespmem:$0x1E800] =	vst v63  }
0x145: {  	_ =	swait.ge [sflag:s17], $0x3200  }
0x146: {  	[sflag:s17] =	ssyncset.done $0x0  }
0x147: {  	[sflag:s17] =	ssyncadd.s32 $0xFFFFCE00  }
0x148: {  	[tilespmem:s19], [sflag:$0x1] =	stream.indirect.gather [spmem:s2], $0x1, s25, s18, $0xb8;
	[tilespmem:$0x1E800] =	vst v63  }
0x149: {  	_ =	swait.ge [sflag:s22], $0x3200  }
0x14a: {  	[sflag:s22] =	ssyncset.done $0x0  }
0x14b: {  	s31 =	sand.u32 $0x3FF0, s25;
	[sflag:s22] =	ssyncadd.s32 $0xFFFFCE00  }
0x14c: {  	s28 =	simm.s32 $0x96C0;
	v0 =	vld [tilespmem:s31+$0x9780]  }
0x14d: {  	v1 =	vld [tilespmem:s28+$0x20]  }
0x14e: {  	v2 =	vld [tilespmem:s28+$0xFFFFFF50]  }
0x14f: {  	v3 =	vld [tilespmem:s28+$0xFFFFFF40]  }
0x150: {  	v4 =	vld [tilespmem:s28+$0x10]  }
0x151: {  	v5 =	vld [tilespmem:s28+$0xFFFFFF60]  }
0x152: {  	v6 =	vld [tilespmem:s28+$0x30]  }
0x153: {  	v7 =	vld [tilespmem:s28+$0xFFFFFF70]  }
0x154: {  	v61 =	vld [tilespmem:s31+$0x9700];
	v2 =	vadd.f32 v2, v3  }
0x155: {  	v3 =	vld [tilespmem:s28+$0xFFFFFF80];
	v1 =	vadd.f32 v1, v4  }
0x156: {  	v4 =	vld [tilespmem:s28+$0x50];
	v2 =	vadd.f32 v5, v2  }
0x157: {  	v5 =	vld [tilespmem:s28+$0xFFFFFF90];
	v1 =	vadd.f32 v6, v1  }
0x158: {  	v6 =	vld [tilespmem:s28+$0x60];
	v2 =	vadd.f32 v7, v2  }
0x159: {  	v7 =	vld [tilespmem:s28+$0xFFFFFFA0];
	v1 =	vadd.f32 v61, v1  }
0x15a: {  	v62 =	vld [tilespmem:s28+$0x70];
	v2 =	vadd.f32 v3, v2  }
0x15b: {  	v3 =	vld [tilespmem:s28+$0xFFFFFFB0];
	v1 =	vadd.f32 v4, v1  }
0x15c: {  	v4 =	vld [tilespmem:s28+$0x80];
	v2 =	vadd.f32 v5, v2  }
0x15d: {  	v5 =	vld [tilespmem:s31+$0x9680];
	v1 =	vadd.f32 v6, v1  }
0x15e: {  	v6 =	vld [tilespmem:s28+$0x90];
	v2 =	vadd.f32 v7, v2  }
0x15f: {  	v7 =	vld [tilespmem:s28+$0xFFFFFFD0];
	v1 =	vadd.f32 v62, v1  }
0x160: {  	v63 =	vld [tilespmem:s28+$0xA0];
	v2 =	vadd.f32 v3, v2  }
0x161: {  	v3 =	vld [tilespmem:s28+$0xFFFFFFE0];
	v1 =	vadd.f32 v4, v1  }
0x162: {  	v4 =	vld [tilespmem:s28+$0xB0];
	v2 =	vadd.f32 v5, v2  }
0x163: {  	v5 =	vld [tilespmem:s28+$0xFFFFFFF0];
	v1 =	vadd.f32 v6, v1  }
0x164: {  	v6 =	vld [tilespmem:s28+$0x0];
	v2 =	vadd.f32 v7, v2  }
0x165: {  	v1 =	vadd.f32 v63, v1  }
0x166: {  	v2 =	vadd.f32 v3, v2  }
0x167: {  	v1 =	vadd.f32 v4, v1  }
0x168: {  	v2 =	vadd.f32 v5, v2  }
0x169: {  	v0 =	vadd.f32 v0, v1;
	v1 =	vnsel vm0, $0x0, v6  }
0x16a: {  	v1 =	vadd.f32 v1, v2;
	v2 =	vsel vm0, $0x0, v6  }
0x16b: {  	s28 =	sand.u32 $0x3E0, s25;
	v0 =	vadd.f32 v0, v2  }
0x16c: {  	s29 =	simm.s32 $0x190;
	s26 =	simm.s32 $0xD410;
	[tilespmem:s28+$0xD400] =	vst v1  }
0x16d: {  	s30 =	sand.u32 $0x3FF0, s29;
	[tilespmem:s26+$0x0] =	vst v0  }
0x16e: {  	s28 =	simm.s32 $0x9850;
	v0 =	vld [tilespmem:s30+$0x9780]  }
0x16f: {  	v1 =	vld [tilespmem:s28+$0x20]  }
0x170: {  	v2 =	vld [tilespmem:s28+$0xFFFFFF50]  }
0x171: {  	v4 =	vld [tilespmem:s28+$0xFFFFFF40]  }
0x172: {  	s29 =	simm.s32 $0x320;
	v3 =	vld [tilespmem:s28+$0x10]  }
.LBB2_8:
0x173: {  	p0 =	sne.s32 s29, $0x3070;
	v5 =	vld [tilespmem:s28+$0xFFFFFF60]  }
0x174: {  	v6 =	vld [tilespmem:s28+$0x30]  }
0x175: {  	v7 =	vld [tilespmem:s28+$0xFFFFFF70]  }
0x176: {  	v8 =	vld [tilespmem:s30+$0x9700];
	v2 =	vadd.f32 v2, v4  }
0x177: {  	v4 =	vld [tilespmem:s28+$0xFFFFFF80];
	v1 =	vadd.f32 v1, v3  }
0x178: {  	v3 =	vld [tilespmem:s28+$0x50];
	v2 =	vadd.f32 v5, v2  }
0x179: {  	v5 =	vld [tilespmem:s28+$0xFFFFFF90];
	v1 =	vadd.f32 v6, v1  }
0x17a: {  	v6 =	vld [tilespmem:s28+$0x60];
	v2 =	vadd.f32 v7, v2  }
0x17b: {  	v7 =	vld [tilespmem:s28+$0xFFFFFFA0];
	v1 =	vadd.f32 v8, v1  }
0x17c: {  	v8 =	vld [tilespmem:s28+$0x70];
	v2 =	vadd.f32 v4, v2  }
0x17d: {  	v4 =	vld [tilespmem:s28+$0xFFFFFFB0];
	v1 =	vadd.f32 v3, v1  }
0x17e: {  	v3 =	vld [tilespmem:s28+$0x80];
	v2 =	vadd.f32 v5, v2  }
0x17f: {  	v5 =	vld [tilespmem:s30+$0x9680];
	v1 =	vadd.f32 v6, v1  }
0x180: {  	v6 =	vld [tilespmem:s28+$0x90];
	v2 =	vadd.f32 v7, v2  }
0x181: {  	v7 =	vld [tilespmem:s28+$0xFFFFFFD0];
	v1 =	vadd.f32 v8, v1  }
0x182: {  	v8 =	vld [tilespmem:s28+$0xA0];
	v2 =	vadd.f32 v4, v2  }
0x183: {  	v4 =	vld [tilespmem:s28+$0xFFFFFFE0];
	v1 =	vadd.f32 v3, v1  }
0x184: {  	v3 =	vld [tilespmem:s28+$0xB0];
	v2 =	vadd.f32 v5, v2  }
0x185: {  	v5 =	vld [tilespmem:s28+$0xFFFFFFF0];
	v1 =	vadd.f32 v6, v1  }
0x186: {  	v6 =	vld [tilespmem:s28+$0x0];
	v2 =	vadd.f32 v7, v2  }
0x187: {  	v1 =	vadd.f32 v8, v1  }
0x188: {  	v2 =	vadd.f32 v4, v2  }
0x189: {  	v1 =	vadd.f32 v3, v1  }
0x18a: {  	v2 =	vadd.f32 v5, v2  }
0x18b: {  	v0 =	vadd.f32 v0, v1;
	v1 =	vnsel vm0, $0x0, v6  }
0x18c: {  	s25 =	sadd.s32 $0x20, s25;
	v1 =	vadd.f32 v1, v2;
	v2 =	vsel vm0, $0x0, v6  }
0x18d: {  	s30 =	sand.u32 $0x3E0, s25;
	v0 =	vadd.f32 v0, v2  }
0x18e: {  	s26 =	sadd.s32 $0x20, s26;
	[tilespmem:s30+$0xD400] =	vst v1  }
0x18f: {  	s30 =	sand.u32 $0x3FF0, s29;
	[tilespmem:s26+$0x0] =	vst v0  }
.Ltmp3:
0x190: {  	s28 =	sadd.s32 $0x190, s28;
	v0 =	vld [tilespmem:s30+$0x9780];
	(pc) =	sbr.rel @p0 .LBB2_8-.Ltmp3, $4  }
0x191: {  	v1 =	vld [tilespmem:s28+$0x20]  }
0x192: {  	v2 =	vld [tilespmem:s28+$0xFFFFFF50]  }
0x193: {  	v4 =	vld [tilespmem:s28+$0xFFFFFF40]  }
0x194: {  	s29 =	sadd.s32 $0x190, s29;
	v3 =	vld [tilespmem:s28+$0x10]  }
0x195: {  	v5 =	vld [tilespmem:s28+$0xFFFFFF60]  }
0x196: {  	v6 =	vld [tilespmem:s28+$0x30]  }
0x197: {  	v7 =	vld [tilespmem:s28+$0xFFFFFF70]  }
0x198: {  	v8 =	vld [tilespmem:s30+$0x9700];
	v2 =	vadd.f32 v2, v4  }
0x199: {  	v4 =	vld [tilespmem:s28+$0xFFFFFF80];
	v1 =	vadd.f32 v1, v3  }
0x19a: {  	v3 =	vld [tilespmem:s28+$0x50];
	v2 =	vadd.f32 v5, v2  }
0x19b: {  	v5 =	vld [tilespmem:s28+$0xFFFFFF90];
	v1 =	vadd.f32 v6, v1  }
0x19c: {  	v6 =	vld [tilespmem:s28+$0x60];
	v2 =	vadd.f32 v7, v2  }
0x19d: {  	v7 =	vld [tilespmem:s28+$0xFFFFFFA0];
	v1 =	vadd.f32 v8, v1  }
0x19e: {  	v59 =	vld [tilespmem:s28+$0x70];
	v2 =	vadd.f32 v4, v2  }
0x19f: {  	v4 =	vld [tilespmem:s28+$0xFFFFFFB0];
	v1 =	vadd.f32 v3, v1  }
0x1a0: {  	v3 =	vld [tilespmem:s28+$0x80];
	v2 =	vadd.f32 v5, v2  }
0x1a1: {  	v5 =	vld [tilespmem:s30+$0x9680];
	v1 =	vadd.f32 v6, v1  }
0x1a2: {  	v6 =	vld [tilespmem:s28+$0x90];
	v2 =	vadd.f32 v7, v2  }
0x1a3: {  	v7 =	vld [tilespmem:s28+$0xFFFFFFD0];
	v1 =	vadd.f32 v59, v1  }
0x1a4: {  	v60 =	vld [tilespmem:s28+$0xA0];
	v2 =	vadd.f32 v4, v2  }
0x1a5: {  	v4 =	vld [tilespmem:s28+$0xFFFFFFE0];
	v1 =	vadd.f32 v3, v1  }
0x1a6: {  	v3 =	vld [tilespmem:s28+$0xB0];
	v2 =	vadd.f32 v5, v2  }
0x1a7: {  	v5 =	vld [tilespmem:s28+$0xFFFFFFF0];
	v1 =	vadd.f32 v6, v1  }
0x1a8: {  	v6 =	vld [tilespmem:s28+$0x0];
	v2 =	vadd.f32 v7, v2  }
0x1a9: {  	v1 =	vadd.f32 v60, v1  }
0x1aa: {  	v2 =	vadd.f32 v4, v2  }
0x1ab: {  	v1 =	vadd.f32 v3, v1  }
0x1ac: {  	v2 =	vadd.f32 v5, v2  }
0x1ad: {  	v0 =	vadd.f32 v0, v1;
	v1 =	vnsel vm0, $0x0, v6  }
0x1ae: {  	s25 =	sadd.s32 $0x20, s25;
	v1 =	vadd.f32 v1, v2;
	v2 =	vsel vm0, $0x0, v6  }
0x1af: {  	s25 =	sand.u32 $0x3E0, s25;
	v0 =	vadd.f32 v0, v2  }
0x1b0: {  	s26 =	sadd.s32 $0x20, s26;
	[tilespmem:s25+$0xD400] =	vst v1  }
0x1b1: {  	s25 =	simm.s32 $0x0;
	[tilespmem:s26+$0x0] =	vst v0  }
0x1b2: {  	[tilespmem:s18], [sflag:$0x3] =	stream.linear.gather [hbm4b:s11+s25], $0x3200, $0x38;
	[tilespmem:$0x1E800] =	vst v63  }
0x1b3: {  	_ =	swait.ge [sflag:s17], $0x3200  }
0x1b4: {  	[sflag:s17] =	ssyncset.done $0x0  }
0x1b5: {  	[sflag:s17] =	ssyncadd.s32 $0xFFFFCE00  }
0x1b6: {  	[tilespmem:s20], [sflag:$0x2] =	stream.indirect.gather [spmem:s2], $0x1, s18, s18, $0xb8;
	[tilespmem:$0x1E800] =	vst v63  }
0x1b7: {  	_ =	swait.ge [sflag:s21], $0x3200  }
0x1b8: {  	[sflag:s21] =	ssyncset.done $0x0  }
0x1b9: {  	s31 =	sand.u32 $0x3FF0, s25;
	[sflag:s21] =	ssyncadd.s32 $0xFFFFCE00  }
0x1ba: {  	s28 =	simm.s32 $0x64C0;
	v0 =	vld [tilespmem:s31+$0x6580]  }
0x1bb: {  	v1 =	vld [tilespmem:s28+$0x20]  }
0x1bc: {  	v2 =	vld [tilespmem:s28+$0xFFFFFF50]  }
0x1bd: {  	v3 =	vld [tilespmem:s28+$0xFFFFFF40]  }
0x1be: {  	v4 =	vld [tilespmem:s28+$0x10]  }
0x1bf: {  	v5 =	vld [tilespmem:s28+$0xFFFFFF60]  }
0x1c0: {  	v6 =	vld [tilespmem:s28+$0x30]  }
0x1c1: {  	v7 =	vld [tilespmem:s28+$0xFFFFFF70]  }
0x1c2: {  	v61 =	vld [tilespmem:s31+$0x6500];
	v2 =	vadd.f32 v2, v3  }
0x1c3: {  	v3 =	vld [tilespmem:s28+$0xFFFFFF80];
	v1 =	vadd.f32 v1, v4  }
0x1c4: {  	v4 =	vld [tilespmem:s28+$0x50];
	v2 =	vadd.f32 v5, v2  }
0x1c5: {  	v5 =	vld [tilespmem:s28+$0xFFFFFF90];
	v1 =	vadd.f32 v6, v1  }
0x1c6: {  	v6 =	vld [tilespmem:s28+$0x60];
	v2 =	vadd.f32 v7, v2  }
0x1c7: {  	v7 =	vld [tilespmem:s28+$0xFFFFFFA0];
	v1 =	vadd.f32 v61, v1  }
0x1c8: {  	v62 =	vld [tilespmem:s28+$0x70];
	v2 =	vadd.f32 v3, v2  }
0x1c9: {  	v3 =	vld [tilespmem:s28+$0xFFFFFFB0];
	v1 =	vadd.f32 v4, v1  }
0x1ca: {  	v4 =	vld [tilespmem:s28+$0x80];
	v2 =	vadd.f32 v5, v2  }
0x1cb: {  	v5 =	vld [tilespmem:s31+$0x6480];
	v1 =	vadd.f32 v6, v1  }
0x1cc: {  	v6 =	vld [tilespmem:s28+$0x90];
	v2 =	vadd.f32 v7, v2  }
0x1cd: {  	v7 =	vld [tilespmem:s28+$0xFFFFFFD0];
	v1 =	vadd.f32 v62, v1  }
0x1ce: {  	v63 =	vld [tilespmem:s28+$0xA0];
	v2 =	vadd.f32 v3, v2  }
0x1cf: {  	v3 =	vld [tilespmem:s28+$0xFFFFFFE0];
	v1 =	vadd.f32 v4, v1  }
0x1d0: {  	v4 =	vld [tilespmem:s28+$0xB0];
	v2 =	vadd.f32 v5, v2  }
0x1d1: {  	v5 =	vld [tilespmem:s28+$0xFFFFFFF0];
	v1 =	vadd.f32 v6, v1  }
0x1d2: {  	v6 =	vld [tilespmem:s28+$0x0];
	v2 =	vadd.f32 v7, v2  }
0x1d3: {  	v1 =	vadd.f32 v63, v1  }
0x1d4: {  	v2 =	vadd.f32 v3, v2  }
0x1d5: {  	v1 =	vadd.f32 v4, v1  }
0x1d6: {  	v2 =	vadd.f32 v5, v2  }
0x1d7: {  	v0 =	vadd.f32 v0, v1;
	v1 =	vnsel vm0, $0x0, v6  }
0x1d8: {  	v1 =	vadd.f32 v1, v2;
	v2 =	vsel vm0, $0x0, v6  }
0x1d9: {  	s28 =	sand.u32 $0x3E0, s25;
	v0 =	vadd.f32 v0, v2  }
0x1da: {  	s29 =	simm.s32 $0x190;
	s26 =	simm.s32 $0xD810;
	[tilespmem:s28+$0xD800] =	vst v1  }
0x1db: {  	s30 =	sand.u32 $0x3FF0, s29;
	[tilespmem:s26+$0x0] =	vst v0  }
0x1dc: {  	s28 =	simm.s32 $0x6650;
	v0 =	vld [tilespmem:s30+$0x6580]  }
0x1dd: {  	v1 =	vld [tilespmem:s28+$0x20]  }
0x1de: {  	v2 =	vld [tilespmem:s28+$0xFFFFFF50]  }
0x1df: {  	v4 =	vld [tilespmem:s28+$0xFFFFFF40]  }
0x1e0: {  	s29 =	simm.s32 $0x320;
	v3 =	vld [tilespmem:s28+$0x10]  }
.LBB2_10:
0x1e1: {  	p0 =	sne.s32 s29, $0x3070;
	v5 =	vld [tilespmem:s28+$0xFFFFFF60]  }
0x1e2: {  	v6 =	vld [tilespmem:s28+$0x30]  }
0x1e3: {  	v7 =	vld [tilespmem:s28+$0xFFFFFF70]  }
0x1e4: {  	v8 =	vld [tilespmem:s30+$0x6500];
	v2 =	vadd.f32 v2, v4  }
0x1e5: {  	v4 =	vld [tilespmem:s28+$0xFFFFFF80];
	v1 =	vadd.f32 v1, v3  }
0x1e6: {  	v3 =	vld [tilespmem:s28+$0x50];
	v2 =	vadd.f32 v5, v2  }
0x1e7: {  	v5 =	vld [tilespmem:s28+$0xFFFFFF90];
	v1 =	vadd.f32 v6, v1  }
0x1e8: {  	v6 =	vld [tilespmem:s28+$0x60];
	v2 =	vadd.f32 v7, v2  }
0x1e9: {  	v7 =	vld [tilespmem:s28+$0xFFFFFFA0];
	v1 =	vadd.f32 v8, v1  }
0x1ea: {  	v8 =	vld [tilespmem:s28+$0x70];
	v2 =	vadd.f32 v4, v2  }
0x1eb: {  	v4 =	vld [tilespmem:s28+$0xFFFFFFB0];
	v1 =	vadd.f32 v3, v1  }
0x1ec: {  	v3 =	vld [tilespmem:s28+$0x80];
	v2 =	vadd.f32 v5, v2  }
0x1ed: {  	v5 =	vld [tilespmem:s30+$0x6480];
	v1 =	vadd.f32 v6, v1  }
0x1ee: {  	v6 =	vld [tilespmem:s28+$0x90];
	v2 =	vadd.f32 v7, v2  }
0x1ef: {  	v7 =	vld [tilespmem:s28+$0xFFFFFFD0];
	v1 =	vadd.f32 v8, v1  }
0x1f0: {  	v8 =	vld [tilespmem:s28+$0xA0];
	v2 =	vadd.f32 v4, v2  }
0x1f1: {  	v4 =	vld [tilespmem:s28+$0xFFFFFFE0];
	v1 =	vadd.f32 v3, v1  }
0x1f2: {  	v3 =	vld [tilespmem:s28+$0xB0];
	v2 =	vadd.f32 v5, v2  }
0x1f3: {  	v5 =	vld [tilespmem:s28+$0xFFFFFFF0];
	v1 =	vadd.f32 v6, v1  }
0x1f4: {  	v6 =	vld [tilespmem:s28+$0x0];
	v2 =	vadd.f32 v7, v2  }
0x1f5: {  	v1 =	vadd.f32 v8, v1  }
0x1f6: {  	v2 =	vadd.f32 v4, v2  }
0x1f7: {  	v1 =	vadd.f32 v3, v1  }
0x1f8: {  	v2 =	vadd.f32 v5, v2  }
0x1f9: {  	v0 =	vadd.f32 v0, v1;
	v1 =	vnsel vm0, $0x0, v6  }
0x1fa: {  	s25 =	sadd.s32 $0x20, s25;
	v1 =	vadd.f32 v1, v2;
	v2 =	vsel vm0, $0x0, v6  }
0x1fb: {  	s30 =	sand.u32 $0x3E0, s25;
	v0 =	vadd.f32 v0, v2  }
0x1fc: {  	s26 =	sadd.s32 $0x20, s26;
	[tilespmem:s30+$0xD800] =	vst v1  }
0x1fd: {  	s30 =	sand.u32 $0x3FF0, s29;
	[tilespmem:s26+$0x0] =	vst v0  }
.Ltmp4:
0x1fe: {  	s28 =	sadd.s32 $0x190, s28;
	v0 =	vld [tilespmem:s30+$0x6580];
	(pc) =	sbr.rel @p0 .LBB2_10-.Ltmp4, $4  }
0x1ff: {  	v1 =	vld [tilespmem:s28+$0x20]  }
0x200: {  	v2 =	vld [tilespmem:s28+$0xFFFFFF50]  }
0x201: {  	v4 =	vld [tilespmem:s28+$0xFFFFFF40]  }
0x202: {  	s29 =	sadd.s32 $0x190, s29;
	v3 =	vld [tilespmem:s28+$0x10]  }
0x203: {  	v5 =	vld [tilespmem:s28+$0xFFFFFF60]  }
0x204: {  	v6 =	vld [tilespmem:s28+$0x30]  }
0x205: {  	v7 =	vld [tilespmem:s28+$0xFFFFFF70]  }
0x206: {  	v8 =	vld [tilespmem:s30+$0x6500];
	v2 =	vadd.f32 v2, v4  }
0x207: {  	v4 =	vld [tilespmem:s28+$0xFFFFFF80];
	v1 =	vadd.f32 v1, v3  }
0x208: {  	v3 =	vld [tilespmem:s28+$0x50];
	v2 =	vadd.f32 v5, v2  }
0x209: {  	v5 =	vld [tilespmem:s28+$0xFFFFFF90];
	v1 =	vadd.f32 v6, v1  }
0x20a: {  	v6 =	vld [tilespmem:s28+$0x60];
	v2 =	vadd.f32 v7, v2  }
0x20b: {  	v7 =	vld [tilespmem:s28+$0xFFFFFFA0];
	v1 =	vadd.f32 v8, v1  }
0x20c: {  	v59 =	vld [tilespmem:s28+$0x70];
	v2 =	vadd.f32 v4, v2  }
0x20d: {  	v4 =	vld [tilespmem:s28+$0xFFFFFFB0];
	v1 =	vadd.f32 v3, v1  }
0x20e: {  	v3 =	vld [tilespmem:s28+$0x80];
	v2 =	vadd.f32 v5, v2  }
0x20f: {  	v5 =	vld [tilespmem:s30+$0x6480];
	v1 =	vadd.f32 v6, v1  }
0x210: {  	v6 =	vld [tilespmem:s28+$0x90];
	v2 =	vadd.f32 v7, v2  }
0x211: {  	v7 =	vld [tilespmem:s28+$0xFFFFFFD0];
	v1 =	vadd.f32 v59, v1  }
0x212: {  	v60 =	vld [tilespmem:s28+$0xA0];
	v2 =	vadd.f32 v4, v2  }
0x213: {  	v4 =	vld [tilespmem:s28+$0xFFFFFFE0];
	v1 =	vadd.f32 v3, v1  }
0x214: {  	v3 =	vld [tilespmem:s28+$0xB0];
	v2 =	vadd.f32 v5, v2  }
0x215: {  	v5 =	vld [tilespmem:s28+$0xFFFFFFF0];
	v1 =	vadd.f32 v6, v1  }
0x216: {  	v6 =	vld [tilespmem:s28+$0x0];
	v2 =	vadd.f32 v7, v2  }
0x217: {  	v1 =	vadd.f32 v60, v1  }
0x218: {  	v2 =	vadd.f32 v4, v2  }
0x219: {  	v1 =	vadd.f32 v3, v1  }
0x21a: {  	v2 =	vadd.f32 v5, v2  }
0x21b: {  	v0 =	vadd.f32 v0, v1;
	v1 =	vnsel vm0, $0x0, v6  }
0x21c: {  	s25 =	sadd.s32 $0x20, s25;
	v1 =	vadd.f32 v1, v2;
	v2 =	vsel vm0, $0x0, v6  }
0x21d: {  	s25 =	sand.u32 $0x3E0, s25;
	v0 =	vadd.f32 v0, v2  }
0x21e: {  	s26 =	sadd.s32 $0x20, s26;
	[tilespmem:s25+$0xD800] =	vst v1  }
0x21f: {  	s25 =	simm.s32 $0x0;
	[tilespmem:s26+$0x0] =	vst v0  }
0x220: {  	[tilespmem:s25], [sflag:$0x3] =	stream.linear.gather [hbm4b:s12+s25], $0x3200, $0x38;
	[tilespmem:$0x1E800] =	vst v63  }
0x221: {  	_ =	swait.ge [sflag:s17], $0x3200  }
0x222: {  	[sflag:s17] =	ssyncset.done $0x0  }
0x223: {  	[sflag:s17] =	ssyncadd.s32 $0xFFFFCE00  }
0x224: {  	[tilespmem:s19], [sflag:$0x1] =	stream.indirect.gather [spmem:s2], $0x1, s25, s18, $0xb8;
	[tilespmem:$0x1E800] =	vst v63  }
0x225: {  	_ =	swait.ge [sflag:s22], $0x3200  }
0x226: {  	[sflag:s22] =	ssyncset.done $0x0  }
0x227: {  	s31 =	sand.u32 $0x3FF0, s25;
	[sflag:s22] =	ssyncadd.s32 $0xFFFFCE00  }
0x228: {  	s28 =	simm.s32 $0x96C0;
	v0 =	vld [tilespmem:s31+$0x9780]  }
0x229: {  	v1 =	vld [tilespmem:s28+$0x20]  }
0x22a: {  	v2 =	vld [tilespmem:s28+$0xFFFFFF50]  }
0x22b: {  	v3 =	vld [tilespmem:s28+$0xFFFFFF40]  }
0x22c: {  	v4 =	vld [tilespmem:s28+$0x10]  }
0x22d: {  	v5 =	vld [tilespmem:s28+$0xFFFFFF60]  }
0x22e: {  	v6 =	vld [tilespmem:s28+$0x30]  }
0x22f: {  	v7 =	vld [tilespmem:s28+$0xFFFFFF70]  }
0x230: {  	v61 =	vld [tilespmem:s31+$0x9700];
	v2 =	vadd.f32 v2, v3  }
0x231: {  	v3 =	vld [tilespmem:s28+$0xFFFFFF80];
	v1 =	vadd.f32 v1, v4  }
0x232: {  	v4 =	vld [tilespmem:s28+$0x50];
	v2 =	vadd.f32 v5, v2  }
0x233: {  	v5 =	vld [tilespmem:s28+$0xFFFFFF90];
	v1 =	vadd.f32 v6, v1  }
0x234: {  	v6 =	vld [tilespmem:s28+$0x60];
	v2 =	vadd.f32 v7, v2  }
0x235: {  	v7 =	vld [tilespmem:s28+$0xFFFFFFA0];
	v1 =	vadd.f32 v61, v1  }
0x236: {  	v62 =	vld [tilespmem:s28+$0x70];
	v2 =	vadd.f32 v3, v2  }
0x237: {  	v3 =	vld [tilespmem:s28+$0xFFFFFFB0];
	v1 =	vadd.f32 v4, v1  }
0x238: {  	v4 =	vld [tilespmem:s28+$0x80];
	v2 =	vadd.f32 v5, v2  }
0x239: {  	v5 =	vld [tilespmem:s31+$0x9680];
	v1 =	vadd.f32 v6, v1  }
0x23a: {  	v6 =	vld [tilespmem:s28+$0x90];
	v2 =	vadd.f32 v7, v2  }
0x23b: {  	v7 =	vld [tilespmem:s28+$0xFFFFFFD0];
	v1 =	vadd.f32 v62, v1  }
0x23c: {  	v63 =	vld [tilespmem:s28+$0xA0];
	v2 =	vadd.f32 v3, v2  }
0x23d: {  	v3 =	vld [tilespmem:s28+$0xFFFFFFE0];
	v1 =	vadd.f32 v4, v1  }
0x23e: {  	v4 =	vld [tilespmem:s28+$0xB0];
	v2 =	vadd.f32 v5, v2  }
0x23f: {  	v5 =	vld [tilespmem:s28+$0xFFFFFFF0];
	v1 =	vadd.f32 v6, v1  }
0x240: {  	v6 =	vld [tilespmem:s28+$0x0];
	v2 =	vadd.f32 v7, v2  }
0x241: {  	v1 =	vadd.f32 v63, v1  }
0x242: {  	v2 =	vadd.f32 v3, v2  }
0x243: {  	v1 =	vadd.f32 v4, v1  }
0x244: {  	v2 =	vadd.f32 v5, v2  }
0x245: {  	v0 =	vadd.f32 v0, v1;
	v1 =	vnsel vm0, $0x0, v6  }
0x246: {  	v1 =	vadd.f32 v1, v2;
	v2 =	vsel vm0, $0x0, v6  }
0x247: {  	s28 =	sand.u32 $0x3E0, s25;
	v0 =	vadd.f32 v0, v2  }
0x248: {  	s29 =	simm.s32 $0x190;
	s26 =	simm.s32 $0xDC10;
	[tilespmem:s28+$0xDC00] =	vst v1  }
0x249: {  	s30 =	sand.u32 $0x3FF0, s29;
	[tilespmem:s26+$0x0] =	vst v0  }
0x24a: {  	s28 =	simm.s32 $0x9850;
	v0 =	vld [tilespmem:s30+$0x9780]  }
0x24b: {  	v1 =	vld [tilespmem:s28+$0x20]  }
0x24c: {  	v2 =	vld [tilespmem:s28+$0xFFFFFF50]  }
0x24d: {  	v4 =	vld [tilespmem:s28+$0xFFFFFF40]  }
0x24e: {  	s29 =	simm.s32 $0x320;
	v3 =	vld [tilespmem:s28+$0x10]  }
.LBB2_12:
0x24f: {  	p0 =	sne.s32 s29, $0x3070;
	v5 =	vld [tilespmem:s28+$0xFFFFFF60]  }
0x250: {  	v6 =	vld [tilespmem:s28+$0x30]  }
0x251: {  	v7 =	vld [tilespmem:s28+$0xFFFFFF70]  }
0x252: {  	v8 =	vld [tilespmem:s30+$0x9700];
	v2 =	vadd.f32 v2, v4  }
0x253: {  	v4 =	vld [tilespmem:s28+$0xFFFFFF80];
	v1 =	vadd.f32 v1, v3  }
0x254: {  	v3 =	vld [tilespmem:s28+$0x50];
	v2 =	vadd.f32 v5, v2  }
0x255: {  	v5 =	vld [tilespmem:s28+$0xFFFFFF90];
	v1 =	vadd.f32 v6, v1  }
0x256: {  	v6 =	vld [tilespmem:s28+$0x60];
	v2 =	vadd.f32 v7, v2  }
0x257: {  	v7 =	vld [tilespmem:s28+$0xFFFFFFA0];
	v1 =	vadd.f32 v8, v1  }
0x258: {  	v8 =	vld [tilespmem:s28+$0x70];
	v2 =	vadd.f32 v4, v2  }
0x259: {  	v4 =	vld [tilespmem:s28+$0xFFFFFFB0];
	v1 =	vadd.f32 v3, v1  }
0x25a: {  	v3 =	vld [tilespmem:s28+$0x80];
	v2 =	vadd.f32 v5, v2  }
0x25b: {  	v5 =	vld [tilespmem:s30+$0x9680];
	v1 =	vadd.f32 v6, v1  }
0x25c: {  	v6 =	vld [tilespmem:s28+$0x90];
	v2 =	vadd.f32 v7, v2  }
0x25d: {  	v7 =	vld [tilespmem:s28+$0xFFFFFFD0];
	v1 =	vadd.f32 v8, v1  }
0x25e: {  	v8 =	vld [tilespmem:s28+$0xA0];
	v2 =	vadd.f32 v4, v2  }
0x25f: {  	v4 =	vld [tilespmem:s28+$0xFFFFFFE0];
	v1 =	vadd.f32 v3, v1  }
0x260: {  	v3 =	vld [tilespmem:s28+$0xB0];
	v2 =	vadd.f32 v5, v2  }
0x261: {  	v5 =	vld [tilespmem:s28+$0xFFFFFFF0];
	v1 =	vadd.f32 v6, v1  }
0x262: {  	v6 =	vld [tilespmem:s28+$0x0];
	v2 =	vadd.f32 v7, v2  }
0x263: {  	v1 =	vadd.f32 v8, v1  }
0x264: {  	v2 =	vadd.f32 v4, v2  }
0x265: {  	v1 =	vadd.f32 v3, v1  }
0x266: {  	v2 =	vadd.f32 v5, v2  }
0x267: {  	v0 =	vadd.f32 v0, v1;
	v1 =	vnsel vm0, $0x0, v6  }
0x268: {  	s25 =	sadd.s32 $0x20, s25;
	v1 =	vadd.f32 v1, v2;
	v2 =	vsel vm0, $0x0, v6  }
0x269: {  	s30 =	sand.u32 $0x3E0, s25;
	v0 =	vadd.f32 v0, v2  }
0x26a: {  	s26 =	sadd.s32 $0x20, s26;
	[tilespmem:s30+$0xDC00] =	vst v1  }
0x26b: {  	s30 =	sand.u32 $0x3FF0, s29;
	[tilespmem:s26+$0x0] =	vst v0  }
.Ltmp5:
0x26c: {  	s28 =	sadd.s32 $0x190, s28;
	v0 =	vld [tilespmem:s30+$0x9780];
	(pc) =	sbr.rel @p0 .LBB2_12-.Ltmp5, $4  }
0x26d: {  	v1 =	vld [tilespmem:s28+$0x20]  }
0x26e: {  	v2 =	vld [tilespmem:s28+$0xFFFFFF50]  }
0x26f: {  	v4 =	vld [tilespmem:s28+$0xFFFFFF40]  }
0x270: {  	s29 =	sadd.s32 $0x190, s29;
	v3 =	vld [tilespmem:s28+$0x10]  }
0x271: {  	v5 =	vld [tilespmem:s28+$0xFFFFFF60]  }
0x272: {  	v6 =	vld [tilespmem:s28+$0x30]  }
0x273: {  	v7 =	vld [tilespmem:s28+$0xFFFFFF70]  }
0x274: {  	v8 =	vld [tilespmem:s30+$0x9700];
	v2 =	vadd.f32 v2, v4  }
0x275: {  	v4 =	vld [tilespmem:s28+$0xFFFFFF80];
	v1 =	vadd.f32 v1, v3  }
0x276: {  	v3 =	vld [tilespmem:s28+$0x50];
	v2 =	vadd.f32 v5, v2  }
0x277: {  	v5 =	vld [tilespmem:s28+$0xFFFFFF90];
	v1 =	vadd.f32 v6, v1  }
0x278: {  	v6 =	vld [tilespmem:s28+$0x60];
	v2 =	vadd.f32 v7, v2  }
0x279: {  	v7 =	vld [tilespmem:s28+$0xFFFFFFA0];
	v1 =	vadd.f32 v8, v1  }
0x27a: {  	v59 =	vld [tilespmem:s28+$0x70];
	v2 =	vadd.f32 v4, v2  }
0x27b: {  	v4 =	vld [tilespmem:s28+$0xFFFFFFB0];
	v1 =	vadd.f32 v3, v1  }
0x27c: {  	v3 =	vld [tilespmem:s28+$0x80];
	v2 =	vadd.f32 v5, v2  }
0x27d: {  	v5 =	vld [tilespmem:s30+$0x9680];
	v1 =	vadd.f32 v6, v1  }
0x27e: {  	v6 =	vld [tilespmem:s28+$0x90];
	v2 =	vadd.f32 v7, v2  }
0x27f: {  	v7 =	vld [tilespmem:s28+$0xFFFFFFD0];
	v1 =	vadd.f32 v59, v1  }
0x280: {  	v60 =	vld [tilespmem:s28+$0xA0];
	v2 =	vadd.f32 v4, v2  }
0x281: {  	v4 =	vld [tilespmem:s28+$0xFFFFFFE0];
	v1 =	vadd.f32 v3, v1  }
0x282: {  	v3 =	vld [tilespmem:s28+$0xB0];
	v2 =	vadd.f32 v5, v2  }
0x283: {  	v5 =	vld [tilespmem:s28+$0xFFFFFFF0];
	v1 =	vadd.f32 v6, v1  }
0x284: {  	v6 =	vld [tilespmem:s28+$0x0];
	v2 =	vadd.f32 v7, v2  }
0x285: {  	v1 =	vadd.f32 v60, v1  }
0x286: {  	v2 =	vadd.f32 v4, v2  }
0x287: {  	v1 =	vadd.f32 v3, v1  }
0x288: {  	v2 =	vadd.f32 v5, v2  }
0x289: {  	v0 =	vadd.f32 v0, v1;
	v1 =	vnsel vm0, $0x0, v6  }
0x28a: {  	s25 =	sadd.s32 $0x20, s25;
	v1 =	vadd.f32 v1, v2;
	v2 =	vsel vm0, $0x0, v6  }
0x28b: {  	s25 =	sand.u32 $0x3E0, s25;
	v0 =	vadd.f32 v0, v2  }
0x28c: {  	s26 =	sadd.s32 $0x20, s26;
	[tilespmem:s25+$0xDC00] =	vst v1  }
0x28d: {  	s25 =	simm.s32 $0x0;
	[tilespmem:s26+$0x0] =	vst v0  }
0x28e: {  	[tilespmem:s18], [sflag:$0x3] =	stream.linear.gather [hbm4b:s13+s25], $0x3200, $0x38;
	[tilespmem:$0x1E800] =	vst v63  }
0x28f: {  	_ =	swait.ge [sflag:s17], $0x3200  }
0x290: {  	[sflag:s17] =	ssyncset.done $0x0  }
0x291: {  	[sflag:s17] =	ssyncadd.s32 $0xFFFFCE00  }
0x292: {  	[tilespmem:s20], [sflag:$0x2] =	stream.indirect.gather [spmem:s2], $0x1, s18, s18, $0xb8;
	[tilespmem:$0x1E800] =	vst v63  }
0x293: {  	_ =	swait.ge [sflag:s21], $0x3200  }
0x294: {  	[sflag:s21] =	ssyncset.done $0x0  }
0x295: {  	s31 =	sand.u32 $0x3FF0, s25;
	[sflag:s21] =	ssyncadd.s32 $0xFFFFCE00  }
0x296: {  	s28 =	simm.s32 $0x64C0;
	v0 =	vld [tilespmem:s31+$0x6580]  }
0x297: {  	v1 =	vld [tilespmem:s28+$0x20]  }
0x298: {  	v2 =	vld [tilespmem:s28+$0xFFFFFF50]  }
0x299: {  	v3 =	vld [tilespmem:s28+$0xFFFFFF40]  }
0x29a: {  	v4 =	vld [tilespmem:s28+$0x10]  }
0x29b: {  	v5 =	vld [tilespmem:s28+$0xFFFFFF60]  }
0x29c: {  	v6 =	vld [tilespmem:s28+$0x30]  }
0x29d: {  	v7 =	vld [tilespmem:s28+$0xFFFFFF70]  }
0x29e: {  	v61 =	vld [tilespmem:s31+$0x6500];
	v2 =	vadd.f32 v2, v3  }
0x29f: {  	v3 =	vld [tilespmem:s28+$0xFFFFFF80];
	v1 =	vadd.f32 v1, v4  }
0x2a0: {  	v4 =	vld [tilespmem:s28+$0x50];
	v2 =	vadd.f32 v5, v2  }
0x2a1: {  	v5 =	vld [tilespmem:s28+$0xFFFFFF90];
	v1 =	vadd.f32 v6, v1  }
0x2a2: {  	v6 =	vld [tilespmem:s28+$0x60];
	v2 =	vadd.f32 v7, v2  }
0x2a3: {  	v7 =	vld [tilespmem:s28+$0xFFFFFFA0];
	v1 =	vadd.f32 v61, v1  }
0x2a4: {  	v62 =	vld [tilespmem:s28+$0x70];
	v2 =	vadd.f32 v3, v2  }
0x2a5: {  	v3 =	vld [tilespmem:s28+$0xFFFFFFB0];
	v1 =	vadd.f32 v4, v1  }
0x2a6: {  	v4 =	vld [tilespmem:s28+$0x80];
	v2 =	vadd.f32 v5, v2  }
0x2a7: {  	v5 =	vld [tilespmem:s31+$0x6480];
	v1 =	vadd.f32 v6, v1  }
0x2a8: {  	v6 =	vld [tilespmem:s28+$0x90];
	v2 =	vadd.f32 v7, v2  }
0x2a9: {  	v7 =	vld [tilespmem:s28+$0xFFFFFFD0];
	v1 =	vadd.f32 v62, v1  }
0x2aa: {  	v63 =	vld [tilespmem:s28+$0xA0];
	v2 =	vadd.f32 v3, v2  }
0x2ab: {  	v3 =	vld [tilespmem:s28+$0xFFFFFFE0];
	v1 =	vadd.f32 v4, v1  }
0x2ac: {  	v4 =	vld [tilespmem:s28+$0xB0];
	v2 =	vadd.f32 v5, v2  }
0x2ad: {  	v5 =	vld [tilespmem:s28+$0xFFFFFFF0];
	v1 =	vadd.f32 v6, v1  }
0x2ae: {  	v6 =	vld [tilespmem:s28+$0x0];
	v2 =	vadd.f32 v7, v2  }
0x2af: {  	v1 =	vadd.f32 v63, v1  }
0x2b0: {  	v2 =	vadd.f32 v3, v2  }
0x2b1: {  	v1 =	vadd.f32 v4, v1  }
0x2b2: {  	v2 =	vadd.f32 v5, v2  }
0x2b3: {  	v0 =	vadd.f32 v0, v1;
	v1 =	vnsel vm0, $0x0, v6  }
0x2b4: {  	v1 =	vadd.f32 v1, v2;
	v2 =	vsel vm0, $0x0, v6  }
0x2b5: {  	s28 =	sand.u32 $0x3E0, s25;
	v0 =	vadd.f32 v0, v2  }
0x2b6: {  	s29 =	simm.s32 $0x190;
	s26 =	simm.s32 $0xE010;
	[tilespmem:s28+$0xE000] =	vst v1  }
0x2b7: {  	s30 =	sand.u32 $0x3FF0, s29;
	[tilespmem:s26+$0x0] =	vst v0  }
0x2b8: {  	s28 =	simm.s32 $0x6650;
	v0 =	vld [tilespmem:s30+$0x6580]  }
0x2b9: {  	v1 =	vld [tilespmem:s28+$0x20]  }
0x2ba: {  	v2 =	vld [tilespmem:s28+$0xFFFFFF50]  }
0x2bb: {  	v4 =	vld [tilespmem:s28+$0xFFFFFF40]  }
0x2bc: {  	s29 =	simm.s32 $0x320;
	v3 =	vld [tilespmem:s28+$0x10]  }
.LBB2_14:
0x2bd: {  	p0 =	sne.s32 s29, $0x3070;
	v5 =	vld [tilespmem:s28+$0xFFFFFF60]  }
0x2be: {  	v6 =	vld [tilespmem:s28+$0x30]  }
0x2bf: {  	v7 =	vld [tilespmem:s28+$0xFFFFFF70]  }
0x2c0: {  	v8 =	vld [tilespmem:s30+$0x6500];
	v2 =	vadd.f32 v2, v4  }
0x2c1: {  	v4 =	vld [tilespmem:s28+$0xFFFFFF80];
	v1 =	vadd.f32 v1, v3  }
0x2c2: {  	v3 =	vld [tilespmem:s28+$0x50];
	v2 =	vadd.f32 v5, v2  }
0x2c3: {  	v5 =	vld [tilespmem:s28+$0xFFFFFF90];
	v1 =	vadd.f32 v6, v1  }
0x2c4: {  	v6 =	vld [tilespmem:s28+$0x60];
	v2 =	vadd.f32 v7, v2  }
0x2c5: {  	v7 =	vld [tilespmem:s28+$0xFFFFFFA0];
	v1 =	vadd.f32 v8, v1  }
0x2c6: {  	v8 =	vld [tilespmem:s28+$0x70];
	v2 =	vadd.f32 v4, v2  }
0x2c7: {  	v4 =	vld [tilespmem:s28+$0xFFFFFFB0];
	v1 =	vadd.f32 v3, v1  }
0x2c8: {  	v3 =	vld [tilespmem:s28+$0x80];
	v2 =	vadd.f32 v5, v2  }
0x2c9: {  	v5 =	vld [tilespmem:s30+$0x6480];
	v1 =	vadd.f32 v6, v1  }
0x2ca: {  	v6 =	vld [tilespmem:s28+$0x90];
	v2 =	vadd.f32 v7, v2  }
0x2cb: {  	v7 =	vld [tilespmem:s28+$0xFFFFFFD0];
	v1 =	vadd.f32 v8, v1  }
0x2cc: {  	v8 =	vld [tilespmem:s28+$0xA0];
	v2 =	vadd.f32 v4, v2  }
0x2cd: {  	v4 =	vld [tilespmem:s28+$0xFFFFFFE0];
	v1 =	vadd.f32 v3, v1  }
0x2ce: {  	v3 =	vld [tilespmem:s28+$0xB0];
	v2 =	vadd.f32 v5, v2  }
0x2cf: {  	v5 =	vld [tilespmem:s28+$0xFFFFFFF0];
	v1 =	vadd.f32 v6, v1  }
0x2d0: {  	v6 =	vld [tilespmem:s28+$0x0];
	v2 =	vadd.f32 v7, v2  }
0x2d1: {  	v1 =	vadd.f32 v8, v1  }
0x2d2: {  	v2 =	vadd.f32 v4, v2  }
0x2d3: {  	v1 =	vadd.f32 v3, v1  }
0x2d4: {  	v2 =	vadd.f32 v5, v2  }
0x2d5: {  	v0 =	vadd.f32 v0, v1;
	v1 =	vnsel vm0, $0x0, v6  }
0x2d6: {  	s25 =	sadd.s32 $0x20, s25;
	v1 =	vadd.f32 v1, v2;
	v2 =	vsel vm0, $0x0, v6  }
0x2d7: {  	s30 =	sand.u32 $0x3E0, s25;
	v0 =	vadd.f32 v0, v2  }
0x2d8: {  	s26 =	sadd.s32 $0x20, s26;
	[tilespmem:s30+$0xE000] =	vst v1  }
0x2d9: {  	s30 =	sand.u32 $0x3FF0, s29;
	[tilespmem:s26+$0x0] =	vst v0  }
.Ltmp6:
0x2da: {  	s28 =	sadd.s32 $0x190, s28;
	v0 =	vld [tilespmem:s30+$0x6580];
	(pc) =	sbr.rel @p0 .LBB2_14-.Ltmp6, $4  }
0x2db: {  	v1 =	vld [tilespmem:s28+$0x20]  }
0x2dc: {  	v2 =	vld [tilespmem:s28+$0xFFFFFF50]  }
0x2dd: {  	v4 =	vld [tilespmem:s28+$0xFFFFFF40]  }
0x2de: {  	s29 =	sadd.s32 $0x190, s29;
	v3 =	vld [tilespmem:s28+$0x10]  }
0x2df: {  	v5 =	vld [tilespmem:s28+$0xFFFFFF60]  }
0x2e0: {  	v6 =	vld [tilespmem:s28+$0x30]  }
0x2e1: {  	v7 =	vld [tilespmem:s28+$0xFFFFFF70]  }
0x2e2: {  	v8 =	vld [tilespmem:s30+$0x6500];
	v2 =	vadd.f32 v2, v4  }
0x2e3: {  	v4 =	vld [tilespmem:s28+$0xFFFFFF80];
	v1 =	vadd.f32 v1, v3  }
0x2e4: {  	v3 =	vld [tilespmem:s28+$0x50];
	v2 =	vadd.f32 v5, v2  }
0x2e5: {  	v5 =	vld [tilespmem:s28+$0xFFFFFF90];
	v1 =	vadd.f32 v6, v1  }
0x2e6: {  	v6 =	vld [tilespmem:s28+$0x60];
	v2 =	vadd.f32 v7, v2  }
0x2e7: {  	v7 =	vld [tilespmem:s28+$0xFFFFFFA0];
	v1 =	vadd.f32 v8, v1  }
0x2e8: {  	v59 =	vld [tilespmem:s28+$0x70];
	v2 =	vadd.f32 v4, v2  }
0x2e9: {  	v4 =	vld [tilespmem:s28+$0xFFFFFFB0];
	v1 =	vadd.f32 v3, v1  }
0x2ea: {  	v3 =	vld [tilespmem:s28+$0x80];
	v2 =	vadd.f32 v5, v2  }
0x2eb: {  	v5 =	vld [tilespmem:s30+$0x6480];
	v1 =	vadd.f32 v6, v1  }
0x2ec: {  	v6 =	vld [tilespmem:s28+$0x90];
	v2 =	vadd.f32 v7, v2  }
0x2ed: {  	v7 =	vld [tilespmem:s28+$0xFFFFFFD0];
	v1 =	vadd.f32 v59, v1  }
0x2ee: {  	v60 =	vld [tilespmem:s28+$0xA0];
	v2 =	vadd.f32 v4, v2  }
0x2ef: {  	v4 =	vld [tilespmem:s28+$0xFFFFFFE0];
	v1 =	vadd.f32 v3, v1  }
0x2f0: {  	v3 =	vld [tilespmem:s28+$0xB0];
	v2 =	vadd.f32 v5, v2  }
0x2f1: {  	v5 =	vld [tilespmem:s28+$0xFFFFFFF0];
	v1 =	vadd.f32 v6, v1  }
0x2f2: {  	v6 =	vld [tilespmem:s28+$0x0];
	v2 =	vadd.f32 v7, v2  }
0x2f3: {  	v1 =	vadd.f32 v60, v1  }
0x2f4: {  	v2 =	vadd.f32 v4, v2  }
0x2f5: {  	v1 =	vadd.f32 v3, v1  }
0x2f6: {  	v2 =	vadd.f32 v5, v2  }
0x2f7: {  	v0 =	vadd.f32 v0, v1;
	v1 =	vnsel vm0, $0x0, v6  }
0x2f8: {  	s25 =	sadd.s32 $0x20, s25;
	v1 =	vadd.f32 v1, v2;
	v2 =	vsel vm0, $0x0, v6  }
0x2f9: {  	s25 =	sand.u32 $0x3E0, s25;
	v0 =	vadd.f32 v0, v2  }
0x2fa: {  	s26 =	sadd.s32 $0x20, s26;
	[tilespmem:s25+$0xE000] =	vst v1  }
0x2fb: {  	[tilespmem:s26+$0x0] =	vst v0  }
0x2fc: {  	_ =	swait.ge [sflag:s22], $0x3200  }
0x2fd: {  	s25 =	simm.s32 $0x0;
	[sflag:s22] =	ssyncset.done $0x0  }
0x2fe: {  	s31 =	sand.u32 $0x3FF0, s25;
	[sflag:s22] =	ssyncadd.s32 $0xFFFFCE00  }
0x2ff: {  	s28 =	simm.s32 $0x96C0;
	v0 =	vld [tilespmem:s31+$0x9780]  }
0x300: {  	v1 =	vld [tilespmem:s28+$0x20]  }
0x301: {  	v2 =	vld [tilespmem:s28+$0xFFFFFF50]  }
0x302: {  	v3 =	vld [tilespmem:s28+$0xFFFFFF40]  }
0x303: {  	v4 =	vld [tilespmem:s28+$0x10]  }
0x304: {  	v5 =	vld [tilespmem:s28+$0xFFFFFF60]  }
0x305: {  	v6 =	vld [tilespmem:s28+$0x30]  }
0x306: {  	v7 =	vld [tilespmem:s28+$0xFFFFFF70]  }
0x307: {  	v61 =	vld [tilespmem:s31+$0x9700];
	v2 =	vadd.f32 v2, v3  }
0x308: {  	v3 =	vld [tilespmem:s28+$0xFFFFFF80];
	v1 =	vadd.f32 v1, v4  }
0x309: {  	v4 =	vld [tilespmem:s28+$0x50];
	v2 =	vadd.f32 v5, v2  }
0x30a: {  	v5 =	vld [tilespmem:s28+$0xFFFFFF90];
	v1 =	vadd.f32 v6, v1  }
0x30b: {  	v6 =	vld [tilespmem:s28+$0x60];
	v2 =	vadd.f32 v7, v2  }
0x30c: {  	v7 =	vld [tilespmem:s28+$0xFFFFFFA0];
	v1 =	vadd.f32 v61, v1  }
0x30d: {  	v62 =	vld [tilespmem:s28+$0x70];
	v2 =	vadd.f32 v3, v2  }
0x30e: {  	v3 =	vld [tilespmem:s28+$0xFFFFFFB0];
	v1 =	vadd.f32 v4, v1  }
0x30f: {  	v4 =	vld [tilespmem:s28+$0x80];
	v2 =	vadd.f32 v5, v2  }
0x310: {  	v5 =	vld [tilespmem:s31+$0x9680];
	v1 =	vadd.f32 v6, v1  }
0x311: {  	v6 =	vld [tilespmem:s28+$0x90];
	v2 =	vadd.f32 v7, v2  }
0x312: {  	v7 =	vld [tilespmem:s28+$0xFFFFFFD0];
	v1 =	vadd.f32 v62, v1  }
0x313: {  	v63 =	vld [tilespmem:s28+$0xA0];
	v2 =	vadd.f32 v3, v2  }
0x314: {  	v3 =	vld [tilespmem:s28+$0xFFFFFFE0];
	v1 =	vadd.f32 v4, v1  }
0x315: {  	v4 =	vld [tilespmem:s28+$0xB0];
	v2 =	vadd.f32 v5, v2  }
0x316: {  	v5 =	vld [tilespmem:s28+$0xFFFFFFF0];
	v1 =	vadd.f32 v6, v1  }
0x317: {  	v6 =	vld [tilespmem:s28+$0x0];
	v2 =	vadd.f32 v7, v2  }
0x318: {  	v1 =	vadd.f32 v63, v1  }
0x319: {  	v2 =	vadd.f32 v3, v2  }
0x31a: {  	v1 =	vadd.f32 v4, v1  }
0x31b: {  	v2 =	vadd.f32 v5, v2  }
0x31c: {  	v0 =	vadd.f32 v0, v1;
	v1 =	vnsel vm0, $0x0, v6  }
0x31d: {  	v1 =	vadd.f32 v1, v2;
	v2 =	vsel vm0, $0x0, v6  }
0x31e: {  	s28 =	sand.u32 $0x3E0, s25;
	v0 =	vadd.f32 v0, v2  }
0x31f: {  	s29 =	simm.s32 $0x190;
	s26 =	simm.s32 $0xE410;
	[tilespmem:s28+$0xE400] =	vst v1  }
0x320: {  	s30 =	sand.u32 $0x3FF0, s29;
	[tilespmem:s26+$0x0] =	vst v0  }
0x321: {  	s28 =	simm.s32 $0x9850;
	v0 =	vld [tilespmem:s30+$0x9780]  }
0x322: {  	v1 =	vld [tilespmem:s28+$0x20]  }
0x323: {  	v2 =	vld [tilespmem:s28+$0xFFFFFF50]  }
0x324: {  	v4 =	vld [tilespmem:s28+$0xFFFFFF40]  }
0x325: {  	s29 =	simm.s32 $0x320;
	v3 =	vld [tilespmem:s28+$0x10]  }
.LBB2_16:
0x326: {  	p0 =	sne.s32 s29, $0x3070;
	v5 =	vld [tilespmem:s28+$0xFFFFFF60]  }
0x327: {  	v6 =	vld [tilespmem:s28+$0x30]  }
0x328: {  	v7 =	vld [tilespmem:s28+$0xFFFFFF70]  }
0x329: {  	v8 =	vld [tilespmem:s30+$0x9700];
	v2 =	vadd.f32 v2, v4  }
0x32a: {  	v4 =	vld [tilespmem:s28+$0xFFFFFF80];
	v1 =	vadd.f32 v1, v3  }
0x32b: {  	v3 =	vld [tilespmem:s28+$0x50];
	v2 =	vadd.f32 v5, v2  }
0x32c: {  	v5 =	vld [tilespmem:s28+$0xFFFFFF90];
	v1 =	vadd.f32 v6, v1  }
0x32d: {  	v6 =	vld [tilespmem:s28+$0x60];
	v2 =	vadd.f32 v7, v2  }
0x32e: {  	v7 =	vld [tilespmem:s28+$0xFFFFFFA0];
	v1 =	vadd.f32 v8, v1  }
0x32f: {  	v8 =	vld [tilespmem:s28+$0x70];
	v2 =	vadd.f32 v4, v2  }
0x330: {  	v4 =	vld [tilespmem:s28+$0xFFFFFFB0];
	v1 =	vadd.f32 v3, v1  }
0x331: {  	v3 =	vld [tilespmem:s28+$0x80];
	v2 =	vadd.f32 v5, v2  }
0x332: {  	v5 =	vld [tilespmem:s30+$0x9680];
	v1 =	vadd.f32 v6, v1  }
0x333: {  	v6 =	vld [tilespmem:s28+$0x90];
	v2 =	vadd.f32 v7, v2  }
0x334: {  	v7 =	vld [tilespmem:s28+$0xFFFFFFD0];
	v1 =	vadd.f32 v8, v1  }
0x335: {  	v8 =	vld [tilespmem:s28+$0xA0];
	v2 =	vadd.f32 v4, v2  }
0x336: {  	v4 =	vld [tilespmem:s28+$0xFFFFFFE0];
	v1 =	vadd.f32 v3, v1  }
0x337: {  	v3 =	vld [tilespmem:s28+$0xB0];
	v2 =	vadd.f32 v5, v2  }
0x338: {  	v5 =	vld [tilespmem:s28+$0xFFFFFFF0];
	v1 =	vadd.f32 v6, v1  }
0x339: {  	v6 =	vld [tilespmem:s28+$0x0];
	v2 =	vadd.f32 v7, v2  }
0x33a: {  	v1 =	vadd.f32 v8, v1  }
0x33b: {  	v2 =	vadd.f32 v4, v2  }
0x33c: {  	v1 =	vadd.f32 v3, v1  }
0x33d: {  	v2 =	vadd.f32 v5, v2  }
0x33e: {  	v0 =	vadd.f32 v0, v1;
	v1 =	vnsel vm0, $0x0, v6  }
0x33f: {  	s25 =	sadd.s32 $0x20, s25;
	v1 =	vadd.f32 v1, v2;
	v2 =	vsel vm0, $0x0, v6  }
0x340: {  	s30 =	sand.u32 $0x3E0, s25;
	v0 =	vadd.f32 v0, v2  }
0x341: {  	s26 =	sadd.s32 $0x20, s26;
	[tilespmem:s30+$0xE400] =	vst v1  }
0x342: {  	s30 =	sand.u32 $0x3FF0, s29;
	[tilespmem:s26+$0x0] =	vst v0  }
.Ltmp7:
0x343: {  	s28 =	sadd.s32 $0x190, s28;
	v0 =	vld [tilespmem:s30+$0x9780];
	(pc) =	sbr.rel @p0 .LBB2_16-.Ltmp7, $4  }
0x344: {  	v1 =	vld [tilespmem:s28+$0x20]  }
0x345: {  	v2 =	vld [tilespmem:s28+$0xFFFFFF50]  }
0x346: {  	v4 =	vld [tilespmem:s28+$0xFFFFFF40]  }
0x347: {  	s29 =	sadd.s32 $0x190, s29;
	v3 =	vld [tilespmem:s28+$0x10]  }
0x348: {  	v5 =	vld [tilespmem:s28+$0xFFFFFF60]  }
0x349: {  	v6 =	vld [tilespmem:s28+$0x30]  }
0x34a: {  	v7 =	vld [tilespmem:s28+$0xFFFFFF70]  }
0x34b: {  	v8 =	vld [tilespmem:s30+$0x9700];
	v2 =	vadd.f32 v2, v4  }
0x34c: {  	v46 =	vld [tilespmem:s28+$0xFFFFFF80];
	v1 =	vadd.f32 v1, v3  }
0x34d: {  	v47 =	vld [tilespmem:s28+$0x50];
	v2 =	vadd.f32 v5, v2  }
0x34e: {  	v48 =	vld [tilespmem:s28+$0xFFFFFF90];
	v1 =	vadd.f32 v6, v1  }
0x34f: {  	v49 =	vld [tilespmem:s28+$0x60];
	v2 =	vadd.f32 v7, v2  }
0x350: {  	v50 =	vld [tilespmem:s28+$0xFFFFFFA0];
	v1 =	vadd.f32 v8, v1  }
0x351: {  	v51 =	vld [tilespmem:s28+$0x70];
	v2 =	vadd.f32 v46, v2  }
0x352: {  	v52 =	vld [tilespmem:s28+$0xFFFFFFB0];
	v1 =	vadd.f32 v47, v1  }
0x353: {  	v53 =	vld [tilespmem:s28+$0x80];
	v2 =	vadd.f32 v48, v2  }
0x354: {  	v54 =	vld [tilespmem:s30+$0x9680];
	v1 =	vadd.f32 v49, v1  }
0x355: {  	v55 =	vld [tilespmem:s28+$0x90];
	v2 =	vadd.f32 v50, v2  }
0x356: {  	v56 =	vld [tilespmem:s28+$0xFFFFFFD0];
	v1 =	vadd.f32 v51, v1  }
0x357: {  	v57 =	vld [tilespmem:s28+$0xA0];
	v2 =	vadd.f32 v52, v2  }
0x358: {  	v58 =	vld [tilespmem:s28+$0xFFFFFFE0];
	v1 =	vadd.f32 v53, v1  }
0x359: {  	v59 =	vld [tilespmem:s28+$0xB0];
	v2 =	vadd.f32 v54, v2  }
0x35a: {  	v60 =	vld [tilespmem:s28+$0xFFFFFFF0];
	v1 =	vadd.f32 v55, v1  }
0x35b: {  	v61 =	vld [tilespmem:s28+$0x0];
	v2 =	vadd.f32 v56, v2  }
0x35c: {  	v1 =	vadd.f32 v57, v1  }
0x35d: {  	v2 =	vadd.f32 v58, v2  }
0x35e: {  	v1 =	vadd.f32 v59, v1  }
0x35f: {  	v2 =	vadd.f32 v60, v2  }
0x360: {  	v62 =	vnsel vm0, $0x0, v61;
	v0 =	vadd.f32 v0, v1  }
0x361: {  	s25 =	sadd.s32 $0x20, s25;
	v63 =	vsel vm0, $0x0, v61;
	v1 =	vadd.f32 v62, v2  }
0x362: {  	s24 =	sadd.s32 $0x1, s24;
	s25 =	sand.u32 $0x3E0, s25;
	v0 =	vadd.f32 v0, v63  }
0x363: {  	s31 =	sadd.s32 $0x20, s26;
	p0 =	sne.s32 s24, s15;
	[tilespmem:s25+$0xE400] =	vst v1  }
.Ltmp8:
0x364: {  	[tilespmem:s31+$0x0] =	vst v0;
	(pc) =	sbr.rel @p0 .LBB2_1-.Ltmp8, $4  }
0x365: {  	[hbm4b:s14+s3] =	stream.linear.scatter [tilespmem:s23], [sflag:$0x3], $0x2000, $0x38;
	[tilespmem:$0x1E800] =	vst v63  }
0x366: {  	_ =	swait.ge [sflag:s17], $0x2000  }
0x367: {  	[sflag:s17] =	ssyncset.done $0x0  }
0x368: {  	[sflag:s17] =	ssyncadd.s32 $0xFFFFE000  }
0x369: {  	_ =	sfence.sel $0x180000  }
0x36a: {  	[bflag:$0x0] =	sbarrier.arrive $0xFFFF  }
0x36b: {  	p0 =	sne.s32 s1, $0x0;
	_ =	strace $0x90000047  }
0x36c: {  	s0 =	sadd.s32 @!p0 $0x100000, s0;
	[bflag:$0x2] =	sbarrier.arrive $0xFFFF  }
0x36d: {  	[sflag:s0] =	ssyncadd.tile.s32 @!p0 $0x1;
	_ =	shalt  }
.Lfunc_end2:
_tile_overlayer_lowered:
.L_overlay_start_2:
0x36e: {  	(tag) =	ssettag $0x2  }
0x36f: {  	s0 =	rddreg [dreg:$0x0];
	s2 =	stileid.u32  }
0x370: {  	s1 =	rddreg [dreg:$0x1];
	p0 =	sne.s32 s2, $0x0  }
0x371: {  	s3 =	rddreg [dreg:$0x2];
	[bflag:$0x3] =	sbarrier.arrive $0xFFFF;
	s2 =	simm.s32 @!p0 $0x1C03  }
0x372: {  	[timem:s3], [sflag:s2] =	dma.local @!p0 [hbm:s0], s1  }
0x373: {  	s0 =	simm.s32 @!p0 $0x3  }
0x374: {  	_ =	swait.ge @!p0 [sflag:s0], s1  }
0x375: {  	s1 =	ssub.s32 @!p0 $0x0, s1;
	[sflag:s0] =	ssyncset.done @!p0 $0x0  }
0x376: {  	[sflag:s0] =	ssyncadd.s32 @!p0 s1  }
0x377: {  	[bflag:$0x3] =	sbarrier.arrive $0xFFFF  }
0x378: {  	_ =	shalt  }

</sc_bundles>
